<compile_context>
chip_gen: v7x
topology: tpu7x:2x2x1
jax: 0.10.2.dev20260603
libtpu: 0.0.44.dev20260713+nightly
codegen_flags: <defaults>
</compile_context>

<pallas_src>
import functools

import jax
import jax.numpy as jnp
from jax import lax
from jax.experimental import pallas as pl
from jax.experimental.pallas import tpu as pltpu
from jax.experimental.pallas import tpu_sc as plsc

N_NODES = 10000
N_PAD = 10240
DIM = 128
N_EDGES = 320000
N_SUBCORES = 16
CHUNK = 80
CNT_W = 128
ROWS_PER_TILE = N_PAD // N_SUBCORES
EDGES_PER_TILE = N_EDGES // N_SUBCORES
SUPER = 25
SUPERS_PER_TILE = EDGES_PER_TILE // CHUNK // SUPER
GCHUNK = 80
GSUPER = 25
GSUPERS = EDGES_PER_TILE // GCHUNK // GSUPER
NBUF = 4


def _sc_sums(job_h, machine_h, job_idx, machine_idx):
    tbl = jnp.stack([machine_h, job_h])
    gidx = jnp.stack([machine_idx, job_idx]).reshape(
        2, N_SUBCORES, GSUPERS, GSUPER, GCHUNK)
    sidx = jnp.stack([job_idx, machine_idx]).reshape(
        2, N_SUBCORES, GSUPERS, GSUPER, GCHUNK)
    zrows = jnp.zeros((ROWS_PER_TILE, DIM), jnp.float32)

    mesh = plsc.VectorSubcoreMesh(core_axis_name="c", subcore_axis_name="s")

    @functools.partial(
        pl.kernel,
        mesh=mesh,
        out_type=jax.ShapeDtypeStruct((2, N_PAD, DIM), jnp.float32),
        scratch_types=[
            pltpu.VMEM_SHARED((N_PAD, DIM), jnp.float32),
            pltpu.VMEM((GSUPER, GCHUNK), jnp.int32),
            pltpu.VMEM((GSUPER, GCHUNK), jnp.int32),
        ] + [pltpu.VMEM((GCHUNK, DIM), jnp.float32)] * NBUF
          + [pltpu.SemaphoreType.DMA] * (2 * NBUF),
    )
    def sums_kernel(tbl_hbm, gidx_hbm, sidx_hbm, zrows_hbm,
                    sum_out, acc, idx_g, idx_s, *bufsems):
        c = lax.axis_index("c")
        s = lax.axis_index("s")
        base = s * ROWS_PER_TILE
        rows_bufs = bufsems[:NBUF]
        gsems = bufsems[NBUF:2 * NBUF]
        ssems = bufsems[2 * NBUF:]
        bufs = tuple(zip(rows_bufs, gsems, ssems))

        pltpu.sync_copy(zrows_hbm, acc.at[pl.ds(base, ROWS_PER_TILE)])
        plsc.subcore_barrier()

        def super_body(u, _):
            pltpu.sync_copy(gidx_hbm.at[c, s, u], idx_g)
            pltpu.sync_copy(sidx_hbm.at[c, s, u], idx_s)
            for b, (rows, gsem, ssem) in enumerate(bufs):
                pltpu.async_copy(tbl_hbm.at[c].at[idx_g.at[b]], rows, gsem)

            for l in range(GSUPER):
                rows, gsem, ssem = bufs[l % NBUF]
                pltpu.make_async_copy(
                    tbl_hbm.at[c].at[idx_g.at[l]], rows, gsem).wait()
                pltpu.async_copy(rows, acc.at[idx_s.at[l]], ssem, add=True)
                if l + NBUF < GSUPER:
                    pltpu.make_async_copy(
                        rows, acc.at[idx_s.at[l]], ssem).wait()
                    pltpu.async_copy(
                        tbl_hbm.at[c].at[idx_g.at[l + NBUF]], rows, gsem)

            for l in range(GSUPER - NBUF, GSUPER):
                rows, gsem, ssem = bufs[l % NBUF]
                pltpu.make_async_copy(
                    rows, acc.at[idx_s.at[l]], ssem).wait()
            return 0
        lax.fori_loop(0, GSUPERS, super_body, 0)

        plsc.subcore_barrier()
        pltpu.sync_copy(acc.at[pl.ds(base, ROWS_PER_TILE)],
                        sum_out.at[c, pl.ds(base, ROWS_PER_TILE)])

    return sums_kernel(tbl, gidx, sidx, zrows)


def _sc_counts(job_idx, machine_idx):
    n_chunks = EDGES_PER_TILE // CHUNK
    sidx = jnp.stack([job_idx, machine_idx]).reshape(
        2, N_SUBCORES, n_chunks, CHUNK)
    zcnt = jnp.zeros((ROWS_PER_TILE, CNT_W), jnp.float32)
    ones = jnp.ones((CHUNK, CNT_W), jnp.float32)
    lag = 8

    mesh = plsc.VectorSubcoreMesh(core_axis_name="c", subcore_axis_name="s")

    @functools.partial(
        pl.kernel,
        mesh=mesh,
        out_type=jax.ShapeDtypeStruct((2, N_PAD, CNT_W), jnp.float32),
        scratch_types=[
            pltpu.VMEM_SHARED((N_PAD, CNT_W), jnp.float32),
            pltpu.VMEM((n_chunks, CHUNK), jnp.int32),
            pltpu.VMEM((CHUNK, CNT_W), jnp.float32),
            pltpu.SemaphoreType.DMA,
        ],
    )
    def cnt_kernel(sidx_hbm, ones_hbm, zcnt_hbm, cnt_out, cnt, idx_s, ones_v,
                   ssem):
        c = lax.axis_index("c")
        s = lax.axis_index("s")
        base = s * ROWS_PER_TILE

        pltpu.sync_copy(zcnt_hbm, cnt.at[pl.ds(base, ROWS_PER_TILE)])
        pltpu.sync_copy(ones_hbm, ones_v)
        pltpu.sync_copy(sidx_hbm.at[c, s], idx_s)
        plsc.subcore_barrier()

        def body(i, _):
            pltpu.async_copy(ones_v, cnt.at[idx_s.at[i]], ssem, add=True)

            @pl.when(i >= lag)
            def _():
                pltpu.make_async_copy(
                    ones_v, cnt.at[idx_s.at[i - lag]], ssem).wait()
            return 0
        lax.fori_loop(0, n_chunks, body, 0)

        def drain(i, _):
            pltpu.make_async_copy(
                ones_v, cnt.at[idx_s.at[n_chunks - lag + i]], ssem).wait()
            return 0
        lax.fori_loop(0, lag, drain, 0)

        plsc.subcore_barrier()
        pltpu.sync_copy(cnt.at[pl.ds(base, ROWS_PER_TILE)],
                        cnt_out.at[c, pl.ds(base, ROWS_PER_TILE)])

    return cnt_kernel(sidx, ones, zcnt)


def _matmul_body(h_ref, w_ref, b_ref, o_ref):
    o_ref[...] = jnp.dot(
        h_ref[...], w_ref[...], preferred_element_type=jnp.float32) + b_ref[...]


def _self_matmul(h, w1, b):
    n, d = h.shape
    out_dim = w1.shape[1]
    blk = 1000
    return pl.pallas_call(
        _matmul_body,
        grid=(n // blk,),
        in_specs=[
            pl.BlockSpec((blk, d), lambda i: (i, 0)),
            pl.BlockSpec((d, out_dim), lambda i: (0, 0)),
            pl.BlockSpec((1, out_dim), lambda i: (0, 0)),
        ],
        out_specs=pl.BlockSpec((blk, out_dim), lambda i: (i, 0)),
        out_shape=jax.ShapeDtypeStruct((n, out_dim), jnp.float32),
    )(h, w1, b.reshape(1, -1))


def _tail_body(x1_ref, sum_ref, cnt_ref, w2_ref, g_ref, be_ref, o_ref):
    deg = jnp.maximum(cnt_ref[0][:, 0:1], 1.0)
    agg = sum_ref[0] / deg
    x = x1_ref[...] + jnp.dot(agg, w2_ref[...],
                              preferred_element_type=jnp.float32)
    y = jnp.maximum(x, 0.0)
    m = jnp.mean(y, axis=1, keepdims=True)
    v = jnp.mean((y - m) ** 2, axis=1, keepdims=True)
    o_ref[...] = (y - m) * lax.rsqrt(v + 1e-5) * g_ref[...] + be_ref[...]


def _tail(x1, sums, cnts, side, w2, gamma, beta):
    n, out_dim = x1.shape
    d = sums.shape[2]
    blk = 1000
    return pl.pallas_call(
        _tail_body,
        grid=(n // blk,),
        in_specs=[
            pl.BlockSpec((blk, out_dim), lambda i: (i, 0)),
            pl.BlockSpec((1, blk, d), lambda i, side=side: (side, i, 0)),
            pl.BlockSpec((1, blk, CNT_W), lambda i, side=side: (side, i, 0)),
            pl.BlockSpec((d, out_dim), lambda i: (0, 0)),
            pl.BlockSpec((1, out_dim), lambda i: (0, 0)),
            pl.BlockSpec((1, out_dim), lambda i: (0, 0)),
        ],
        out_specs=pl.BlockSpec((blk, out_dim), lambda i: (i, 0)),
        out_shape=jax.ShapeDtypeStruct((n, out_dim), jnp.float32),
    )(x1, sums, cnts, w2, gamma.reshape(1, -1), beta.reshape(1, -1))


def kernel(job_h, machine_h, edge_index, W_job, b_job, W_machine, b_machine,
           gamma_j, beta_j, gamma_m, beta_m):
    job_idx = edge_index[0].astype(jnp.int32)
    machine_idx = edge_index[1].astype(jnp.int32)
    d = job_h.shape[1]

    x1_job = _self_matmul(job_h, W_job[:, :d].T, b_job)
    x1_machine = _self_matmul(machine_h, W_machine[:, :d].T, b_machine)

    sums = _sc_sums(job_h, machine_h, job_idx, machine_idx)
    cnts = _sc_counts(job_idx, machine_idx)

    new_job_h = _tail(x1_job, sums, cnts, 0, W_job[:, d:].T, gamma_j, beta_j)
    new_machine_h = _tail(x1_machine, sums, cnts, 1, W_machine[:, d:].T,
                          gamma_m, beta_m)
    return (new_job_h, new_machine_h)

# --- scband reference (transcript-rebuilt; emitter-appended) ---
"""Pipeline reference for scband-bipartite-sagelayer-88527865905575 (READ-ONLY COPY).

The authoritative reference and input builder live on the scoring server;
editing this copy changes nothing except your own understanding.
"""

import jax, jax.numpy as jnp
import numpy as np

N_JOBS = 10000
N_MACHINES = 10000
D_JOB = 128
D_MACHINE = 128
OUT_DIM = 128
N_EDGES = 320000


def layer_norm(x, gamma, beta, eps=1e-5):
    mean = jnp.mean(x, axis=-1, keepdims=True)
    var = jnp.mean((x - mean) ** 2, axis=-1, keepdims=True)
    return (x - mean) / jnp.sqrt(var + eps) * gamma + beta


def setup_inputs(seed: int = 0):
    key = jax.random.key(seed)
    ks = jax.random.split(key, 8)
    job_h = jax.random.normal(ks[0], (N_JOBS, D_JOB), dtype=jnp.float32)
    machine_h = jax.random.normal(ks[1], (N_MACHINES, D_MACHINE), dtype=jnp.float32)
    job_idx = jax.random.randint(ks[2], (N_EDGES,), 0, N_JOBS)
    machine_idx = jax.random.randint(ks[3], (N_EDGES,), 0, N_MACHINES)
    edge_index = jnp.stack([job_idx, machine_idx], axis=0)
    W_job = jax.random.normal(ks[4], (OUT_DIM, D_JOB + D_MACHINE), dtype=jnp.float32) * 0.05
    b_job = jnp.zeros((OUT_DIM,), dtype=jnp.float32)
    W_machine = jax.random.normal(ks[5], (OUT_DIM, D_MACHINE + D_JOB), dtype=jnp.float32) * 0.05
    b_machine = jnp.zeros((OUT_DIM,), dtype=jnp.float32)
    gamma_j = jnp.ones((OUT_DIM,), dtype=jnp.float32)
    beta_j = jnp.zeros((OUT_DIM,), dtype=jnp.float32)
    gamma_m = jnp.ones((OUT_DIM,), dtype=jnp.float32)
    beta_m = jnp.zeros((OUT_DIM,), dtype=jnp.float32)
    return {
        'job_h': job_h, 'machine_h': machine_h, 'edge_index': edge_index,
        'W_job': W_job, 'b_job': b_job, 'W_machine': W_machine, 'b_machine': b_machine,
        'gamma_j': gamma_j, 'beta_j': beta_j, 'gamma_m': gamma_m, 'beta_m': beta_m,
    }


def reference(job_h, machine_h, edge_index, W_job, b_job, W_machine, b_machine,
              gamma_j, beta_j, gamma_m, beta_m):
    job_idx = edge_index[0]
    machine_idx = edge_index[1]
    n_jobs = job_h.shape[0]
    n_machines = machine_h.shape[0]

    # Aggregate machine features into jobs (mean over incident edges)
    machine_msgs = machine_h[machine_idx]
    job_agg = jax.ops.segment_sum(machine_msgs, job_idx, num_segments=n_jobs)
    job_deg = jnp.clip(jnp.bincount(job_idx, length=n_jobs).astype(job_h.dtype), 1.0)
    job_agg = job_agg / job_deg[:, None]

    # Aggregate job features into machines (mean over incident edges)
    job_msgs = job_h[job_idx]
    machine_agg = jax.ops.segment_sum(job_msgs, machine_idx, num_segments=n_machines)
    machine_deg = jnp.clip(jnp.bincount(machine_idx, length=n_machines).astype(machine_h.dtype), 1.0)
    machine_agg = machine_agg / machine_deg[:, None]

    new_job_h = jnp.concatenate([job_h, job_agg], axis=1) @ W_job.T + b_job
    new_job_h = layer_norm(jax.nn.relu(new_job_h), gamma_j, beta_j)
    # dropout is identity in eval mode

    new_machine_h = jnp.concatenate([machine_h, machine_agg], axis=1) @ W_machine.T + b_machine
    new_machine_h = layer_norm(jax.nn.relu(new_machine_h), gamma_m, beta_m)

    return (new_job_h, new_machine_h)

if __name__ == "__main__":
    import jax
    _d = setup_inputs()
    print(jax.jit(kernel)(*tuple(_d.values())))

</pallas_src>

<mosaic_0001>
#map = affine_map<(d0, d1) -> (0, 0, 0, 0)>
#map1 = affine_map<(d0, d1) -> (0, 0)>
#map2 = affine_map<(d0, d1) -> (0, 0, 0)>
module attributes {stable_mosaic.version = 14 : i64} {
  func.func @cnt_kernel(%arg0: i32, %arg1: i32, %arg2: memref<2x16x250x80xi32, #tpu.memory_space<hbm>>, %arg3: memref<80x128xf32, #tpu.memory_space<hbm>>, %arg4: memref<640x128xf32, #tpu.memory_space<hbm>>, %arg5: memref<2x10240x128xf32, #tpu.memory_space<hbm>>, %arg6: memref<10240x128xf32, #tpu.memory_space<vmem_shared>>, %arg7: memref<250x80xi32, #tpu.memory_space<vmem>>, %arg8: memref<80x128xf32, #tpu.memory_space<vmem>>, %arg9: memref<!tpu.dma_semaphore, #tpu.memory_space<semaphore_mem>>) attributes {dimension_semantics = [#tpu.dimension_semantics<core_parallel>, #tpu.dimension_semantics<subcore_parallel>], iteration_bounds = array<i64: 2, 16>, scalar_prefetch = 0 : i64, scratch_operands = 4 : i64, tpu.core_type = #tpu.core_type<sc_vector_subcore>, window_params = [{transform_indices = #map}, {transform_indices = #map1}, {transform_indices = #map1}, {transform_indices = #map2}]} {
    %mul3A = arith.constant 640 : i32
    %mul3A_0 = arith.muli %arg1, %mul3A : i32
    "tpu.region"() ({
      %run_scoped3A = tpu.sem_alloc : memref<!tpu.dma_semaphore, #tpu.memory_space<semaphore_mem>>
      %dma_start3A = arith.constant 0 : i32
      %dma_start3A_15 = tpu.memref_slice %arg6[%mul3A_0, %dma_start3A] : memref<10240x128xf32, #tpu.memory_space<vmem_shared>> -> memref<640x128xf32, #tpu.memory_space<vmem_shared>>
      tpu.enqueue_dma source(%arg4 : memref<640x128xf32, #tpu.memory_space<hbm>>) target(%dma_start3A_15 : memref<640x128xf32, #tpu.memory_space<vmem_shared>>) target_semaphore(%run_scoped3A : memref<!tpu.dma_semaphore, #tpu.memory_space<semaphore_mem>>)
      %dma_wait3A = arith.constant 0 : i32
      %dma_wait3A_16 = tpu.memref_slice %arg6[%mul3A_0, %dma_wait3A] : memref<10240x128xf32, #tpu.memory_space<vmem_shared>> -> memref<640x128xf32, #tpu.memory_space<vmem_shared>>
      tpu.wait_dma2 semaphore(%run_scoped3A : memref<!tpu.dma_semaphore, #tpu.memory_space<semaphore_mem>>) src(%arg4 : memref<640x128xf32, #tpu.memory_space<hbm>>) dst(%dma_wait3A_16 : memref<640x128xf32, #tpu.memory_space<vmem_shared>>)
      tpu.yield
    }) : () -> ()
    "tpu.region"() ({
      %run_scoped3A = tpu.sem_alloc : memref<!tpu.dma_semaphore, #tpu.memory_space<semaphore_mem>>
      tpu.enqueue_dma source(%arg3 : memref<80x128xf32, #tpu.memory_space<hbm>>) target(%arg8 : memref<80x128xf32, #tpu.memory_space<vmem>>) target_semaphore(%run_scoped3A : memref<!tpu.dma_semaphore, #tpu.memory_space<semaphore_mem>>)
      tpu.wait_dma2 semaphore(%run_scoped3A : memref<!tpu.dma_semaphore, #tpu.memory_space<semaphore_mem>>) src(%arg3 : memref<80x128xf32, #tpu.memory_space<hbm>>) dst(%arg8 : memref<80x128xf32, #tpu.memory_space<vmem>>)
      tpu.yield
    }) : () -> ()
    "tpu.region"() ({
      %run_scoped3A = tpu.sem_alloc : memref<!tpu.dma_semaphore, #tpu.memory_space<semaphore_mem>>
      %dma_start3A = arith.constant 0 : i32
      %dma_start3A_15 = arith.constant 0 : i32
      %dma_start3A_16 = tpu.memref_slice %arg2[%arg0, %arg1, %dma_start3A, %dma_start3A_15] : memref<2x16x250x80xi32, #tpu.memory_space<hbm>> -> memref<1x1x250x80xi32, #tpu.memory_space<hbm>>
      %dma_start3A_17 = tpu.memref_squeeze %dma_start3A_16 : memref<1x1x250x80xi32, #tpu.memory_space<hbm>> -> memref<250x80xi32, #tpu.memory_space<hbm>>
      %dma_start3A_18 = arith.constant 0 : i32
      %dma_start3A_19 = arith.constant 0 : i32
      %dma_start3A_20 = tpu.memref_slice %arg2[%arg0, %arg1, %dma_start3A_18, %dma_start3A_19] : memref<2x16x250x80xi32, #tpu.memory_space<hbm>> -> memref<1x1x250x80xi32, #tpu.memory_space<hbm>>
      %dma_start3A_21 = tpu.memref_squeeze %dma_start3A_20 : memref<1x1x250x80xi32, #tpu.memory_space<hbm>> -> memref<250x80xi32, #tpu.memory_space<hbm>>
      tpu.enqueue_dma source(%dma_start3A_21 : memref<250x80xi32, #tpu.memory_space<hbm>>) target(%arg7 : memref<250x80xi32, #tpu.memory_space<vmem>>) target_semaphore(%run_scoped3A : memref<!tpu.dma_semaphore, #tpu.memory_space<semaphore_mem>>)
      %dma_wait3A = arith.constant 0 : i32
      %dma_wait3A_22 = arith.constant 0 : i32
      %dma_wait3A_23 = tpu.memref_slice %arg2[%arg0, %arg1, %dma_wait3A, %dma_wait3A_22] : memref<2x16x250x80xi32, #tpu.memory_space<hbm>> -> memref<1x1x250x80xi32, #tpu.memory_space<hbm>>
      %dma_wait3A_24 = tpu.memref_squeeze %dma_wait3A_23 : memref<1x1x250x80xi32, #tpu.memory_space<hbm>> -> memref<250x80xi32, #tpu.memory_space<hbm>>
      %dma_wait3A_25 = arith.constant 0 : i32
      %dma_wait3A_26 = arith.constant 0 : i32
      %dma_wait3A_27 = tpu.memref_slice %arg2[%arg0, %arg1, %dma_wait3A_25, %dma_wait3A_26] : memref<2x16x250x80xi32, #tpu.memory_space<hbm>> -> memref<1x1x250x80xi32, #tpu.memory_space<hbm>>
      %dma_wait3A_28 = tpu.memref_squeeze %dma_wait3A_27 : memref<1x1x250x80xi32, #tpu.memory_space<hbm>> -> memref<250x80xi32, #tpu.memory_space<hbm>>
      tpu.wait_dma2 semaphore(%run_scoped3A : memref<!tpu.dma_semaphore, #tpu.memory_space<semaphore_mem>>) src(%dma_wait3A_28 : memref<250x80xi32, #tpu.memory_space<hbm>>) dst(%arg7 : memref<250x80xi32, #tpu.memory_space<vmem>>)
      tpu.yield
    }) : () -> ()
    %barrier3A = arith.constant 0 : index
    tpu.barrier barrier_id(%barrier3A)
    %scan3A = arith.constant 0 : i32
    %scan3A_1 = arith.constant 0 : i32
    %scan3A_2 = arith.constant 250 : i32
    %scan3A_3 = arith.addi %scan3A_1, %scan3A_2 : i32
    %scan3A_4 = arith.constant 1 : i32
    %scan3A_5 = scf.for %scan3A_15 = %scan3A_1 to %scan3A_3 step %scan3A_4 iter_args(%scan3A_16 = %scan3A) -> (i32)  : i32 {
      %dma_start3A = arith.constant 0 : i32
      %dma_start3A_17 = tpu.memref_slice %arg7[%scan3A_15, %dma_start3A] : memref<250x80xi32, #tpu.memory_space<vmem>> -> memref<1x80xi32, #tpu.memory_space<vmem>>
      %dma_start3A_18 = tpu.memref_squeeze %dma_start3A_17 : memref<1x80xi32, #tpu.memory_space<vmem>> -> memref<80xi32, #tpu.memory_space<vmem>>
      %dma_start3A_19 = arith.constant 0 : i32
      %dma_start3A_20 = arith.constant 0 : i32
      %dma_start3A_21 = tpu.memref_slice %arg6[%dma_start3A_19, %dma_start3A_20] : memref<10240x128xf32, #tpu.memory_space<vmem_shared>> -> memref<10240x128xf32, #tpu.memory_space<vmem_shared>>
      tpu.enqueue_indirect_dma source(%arg8 : memref<80x128xf32, #tpu.memory_space<vmem>>) target(%dma_start3A_21 : memref<10240x128xf32, #tpu.memory_space<vmem_shared>>) offsets(%dma_start3A_18 : memref<80xi32, #tpu.memory_space<vmem>>) semaphore(%arg9 : memref<!tpu.dma_semaphore, #tpu.memory_space<semaphore_mem>>) {add = true}
      %ge3A = arith.constant 8 : i32
      %ge3A_22 = arith.cmpi sge, %scan3A_15, %ge3A : i32
      %convert_element_type3A = arith.extui %ge3A_22 : i1 to i32
      %cond3A = arith.constant 0 : i32
      %cond3A_23 = arith.cmpi ne, %convert_element_type3A, %cond3A : i32
      scf.if %cond3A_23 {
        %sub3A = arith.constant 8 : i32
        %sub3A_25 = arith.subi %scan3A_15, %sub3A : i32
        %dma_wait3A = arith.constant 0 : i32
        %dma_wait3A_26 = tpu.memref_slice %arg7[%sub3A_25, %dma_wait3A] : memref<250x80xi32, #tpu.memory_space<vmem>> -> memref<1x80xi32, #tpu.memory_space<vmem>>
        %dma_wait3A_27 = tpu.memref_squeeze %dma_wait3A_26 : memref<1x80xi32, #tpu.memory_space<vmem>> -> memref<80xi32, #tpu.memory_space<vmem>>
        %dma_wait3A_28 = arith.constant 0 : i32
        %dma_wait3A_29 = arith.constant 0 : i32
        %dma_wait3A_30 = tpu.memref_slice %arg6[%dma_wait3A_28, %dma_wait3A_29] : memref<10240x128xf32, #tpu.memory_space<vmem_shared>> -> memref<10240x128xf32, #tpu.memory_space<vmem_shared>>
        tpu.wait_indirect_dma semaphore(%arg9 : memref<!tpu.dma_semaphore, #tpu.memory_space<semaphore_mem>>) src(%arg8 : memref<80x128xf32, #tpu.memory_space<vmem>>) dst(%dma_wait3A_30 : memref<10240x128xf32, #tpu.memory_space<vmem_shared>>)
      } else {
      }
      %scan3A_24 = arith.constant 0 : i32
      scf.yield %scan3A_24 : i32
    }
    %scan3A_6 = arith.constant 250 : i32
    %scan3A_7 = arith.constant 0 : i32
    %scan3A_8 = arith.constant 0 : i32
    %scan3A_9 = arith.constant 8 : i32
    %scan3A_10 = arith.addi %scan3A_8, %scan3A_9 : i32
    %scan3A_11 = arith.constant 1 : i32
    %scan3A_12 = scf.for %scan3A_15 = %scan3A_8 to %scan3A_10 step %scan3A_11 iter_args(%scan3A_16 = %scan3A_7) -> (i32)  : i32 {
      %add3A = arith.constant 242 : i32
      %add3A_17 = arith.addi %add3A, %scan3A_15 : i32
      %dma_wait3A = arith.constant 0 : i32
      %dma_wait3A_18 = tpu.memref_slice %arg7[%add3A_17, %dma_wait3A] : memref<250x80xi32, #tpu.memory_space<vmem>> -> memref<1x80xi32, #tpu.memory_space<vmem>>
      %dma_wait3A_19 = tpu.memref_squeeze %dma_wait3A_18 : memref<1x80xi32, #tpu.memory_space<vmem>> -> memref<80xi32, #tpu.memory_space<vmem>>
      %dma_wait3A_20 = arith.constant 0 : i32
      %dma_wait3A_21 = arith.constant 0 : i32
      %dma_wait3A_22 = tpu.memref_slice %arg6[%dma_wait3A_20, %dma_wait3A_21] : memref<10240x128xf32, #tpu.memory_space<vmem_shared>> -> memref<10240x128xf32, #tpu.memory_space<vmem_shared>>
      tpu.wait_indirect_dma semaphore(%arg9 : memref<!tpu.dma_semaphore, #tpu.memory_space<semaphore_mem>>) src(%arg8 : memref<80x128xf32, #tpu.memory_space<vmem>>) dst(%dma_wait3A_22 : memref<10240x128xf32, #tpu.memory_space<vmem_shared>>)
      %scan3A_23 = arith.constant 0 : i32
      scf.yield %scan3A_23 : i32
    }
    %scan3A_13 = arith.constant 8 : i32
    %barrier3A_14 = arith.constant 0 : index
    tpu.barrier barrier_id(%barrier3A_14)
    "tpu.region"() ({
      %run_scoped3A = tpu.sem_alloc : memref<!tpu.dma_semaphore, #tpu.memory_space<semaphore_mem>>
      %dma_start3A = arith.constant 0 : i32
      %dma_start3A_15 = tpu.memref_slice %arg5[%arg0, %mul3A_0, %dma_start3A] : memref<2x10240x128xf32, #tpu.memory_space<hbm>> -> memref<1x640x128xf32, #tpu.memory_space<hbm>>
      %dma_start3A_16 = tpu.memref_squeeze %dma_start3A_15 : memref<1x640x128xf32, #tpu.memory_space<hbm>> -> memref<640x128xf32, #tpu.memory_space<hbm>>
      %dma_start3A_17 = arith.constant 0 : i32
      %dma_start3A_18 = tpu.memref_slice %arg6[%mul3A_0, %dma_start3A_17] : memref<10240x128xf32, #tpu.memory_space<vmem_shared>> -> memref<640x128xf32, #tpu.memory_space<vmem_shared>>
      tpu.enqueue_dma source(%dma_start3A_18 : memref<640x128xf32, #tpu.memory_space<vmem_shared>>) target(%dma_start3A_16 : memref<640x128xf32, #tpu.memory_space<hbm>>) target_semaphore(%run_scoped3A : memref<!tpu.dma_semaphore, #tpu.memory_space<semaphore_mem>>)
      %dma_wait3A = arith.constant 0 : i32
      %dma_wait3A_19 = tpu.memref_slice %arg5[%arg0, %mul3A_0, %dma_wait3A] : memref<2x10240x128xf32, #tpu.memory_space<hbm>> -> memref<1x640x128xf32, #tpu.memory_space<hbm>>
      %dma_wait3A_20 = tpu.memref_squeeze %dma_wait3A_19 : memref<1x640x128xf32, #tpu.memory_space<hbm>> -> memref<640x128xf32, #tpu.memory_space<hbm>>
      %dma_wait3A_21 = arith.constant 0 : i32
      %dma_wait3A_22 = tpu.memref_slice %arg6[%mul3A_0, %dma_wait3A_21] : memref<10240x128xf32, #tpu.memory_space<vmem_shared>> -> memref<640x128xf32, #tpu.memory_space<vmem_shared>>
      tpu.wait_dma2 semaphore(%run_scoped3A : memref<!tpu.dma_semaphore, #tpu.memory_space<semaphore_mem>>) src(%dma_wait3A_22 : memref<640x128xf32, #tpu.memory_space<vmem_shared>>) dst(%dma_wait3A_20 : memref<640x128xf32, #tpu.memory_space<hbm>>)
      tpu.yield
    }) : () -> ()
    return
  }
}

#map = affine_map<(d0, d1) -> (0, 0, 0)>
#map1 = affine_map<(d0, d1) -> (0, 0, 0, 0, 0)>
#map2 = affine_map<(d0, d1) -> (0, 0)>
module attributes {stable_mosaic.version = 14 : i64} {
  func.func @sums_kernel(%arg0: i32, %arg1: i32, %arg2: memref<2x10000x128xf32, #tpu.memory_space<hbm>>, %arg3: memref<2x16x10x25x80xi32, #tpu.memory_space<hbm>>, %arg4: memref<2x16x10x25x80xi32, #tpu.memory_space<hbm>>, %arg5: memref<640x128xf32, #tpu.memory_space<hbm>>, %arg6: memref<2x10240x128xf32, #tpu.memory_space<hbm>>, %arg7: memref<10240x128xf32, #tpu.memory_space<vmem_shared>>, %arg8: memref<25x80xi32, #tpu.memory_space<vmem>>, %arg9: memref<25x80xi32, #tpu.memory_space<vmem>>, %arg10: memref<80x128xf32, #tpu.memory_space<vmem>>, %arg11: memref<80x128xf32, #tpu.memory_space<vmem>>, %arg12: memref<80x128xf32, #tpu.memory_space<vmem>>, %arg13: memref<80x128xf32, #tpu.memory_space<vmem>>, %arg14: memref<!tpu.dma_semaphore, #tpu.memory_space<semaphore_mem>>, %arg15: memref<!tpu.dma_semaphore, #tpu.memory_space<semaphore_mem>>, %arg16: memref<!tpu.dma_semaphore, #tpu.memory_space<semaphore_mem>>, %arg17: memref<!tpu.dma_semaphore, #tpu.memory_space<semaphore_mem>>, %arg18: memref<!tpu.dma_semaphore, #tpu.memory_space<semaphore_mem>>, %arg19: memref<!tpu.dma_semaphore, #tpu.memory_space<semaphore_mem>>, %arg20: memref<!tpu.dma_semaphore, #tpu.memory_space<semaphore_mem>>, %arg21: memref<!tpu.dma_semaphore, #tpu.memory_space<semaphore_mem>>) attributes {dimension_semantics = [#tpu.dimension_semantics<core_parallel>, #tpu.dimension_semantics<subcore_parallel>], iteration_bounds = array<i64: 2, 16>, scalar_prefetch = 0 : i64, scratch_operands = 15 : i64, tpu.core_type = #tpu.core_type<sc_vector_subcore>, window_params = [{transform_indices = #map}, {transform_indices = #map1}, {transform_indices = #map1}, {transform_indices = #map2}, {transform_indices = #map}]} {
    %mul3A = arith.constant 640 : i32
    %mul3A_0 = arith.muli %arg1, %mul3A : i32
    "tpu.region"() ({
      %run_scoped3A = tpu.sem_alloc : memref<!tpu.dma_semaphore, #tpu.memory_space<semaphore_mem>>
      %dma_start3A = arith.constant 0 : i32
      %dma_start3A_8 = tpu.memref_slice %arg7[%mul3A_0, %dma_start3A] : memref<10240x128xf32, #tpu.memory_space<vmem_shared>> -> memref<640x128xf32, #tpu.memory_space<vmem_shared>>
      tpu.enqueue_dma source(%arg5 : memref<640x128xf32, #tpu.memory_space<hbm>>) target(%dma_start3A_8 : memref<640x128xf32, #tpu.memory_space<vmem_shared>>) target_semaphore(%run_scoped3A : memref<!tpu.dma_semaphore, #tpu.memory_space<semaphore_mem>>)
      %dma_wait3A = arith.constant 0 : i32
      %dma_wait3A_9 = tpu.memref_slice %arg7[%mul3A_0, %dma_wait3A] : memref<10240x128xf32, #tpu.memory_space<vmem_shared>> -> memref<640x128xf32, #tpu.memory_space<vmem_shared>>
      tpu.wait_dma2 semaphore(%run_scoped3A : memref<!tpu.dma_semaphore, #tpu.memory_space<semaphore_mem>>) src(%arg5 : memref<640x128xf32, #tpu.memory_space<hbm>>) dst(%dma_wait3A_9 : memref<640x128xf32, #tpu.memory_space<vmem_shared>>)
      tpu.yield
    }) : () -> ()
    %barrier3A = arith.constant 0 : index
    tpu.barrier barrier_id(%barrier3A)
    %scan3A = arith.constant 0 : i32
    %scan3A_1 = arith.constant 0 : i32
    %scan3A_2 = arith.constant 10 : i32
    %scan3A_3 = arith.addi %scan3A_1, %scan3A_2 : i32
    %scan3A_4 = arith.constant 1 : i32
    %scan3A_5 = scf.for %scan3A_8 = %scan3A_1 to %scan3A_3 step %scan3A_4 iter_args(%scan3A_9 = %scan3A) -> (i32)  : i32 {
      "tpu.region"() ({
        %run_scoped3A = tpu.sem_alloc : memref<!tpu.dma_semaphore, #tpu.memory_space<semaphore_mem>>
        %dma_start3A_909 = arith.constant 0 : i32
        %dma_start3A_910 = arith.constant 0 : i32
        %dma_start3A_911 = tpu.memref_slice %arg3[%arg0, %arg1, %scan3A_8, %dma_start3A_909, %dma_start3A_910] : memref<2x16x10x25x80xi32, #tpu.memory_space<hbm>> -> memref<1x1x1x25x80xi32, #tpu.memory_space<hbm>>
        %dma_start3A_912 = tpu.memref_squeeze %dma_start3A_911 : memref<1x1x1x25x80xi32, #tpu.memory_space<hbm>> -> memref<25x80xi32, #tpu.memory_space<hbm>>
        %dma_start3A_913 = arith.constant 0 : i32
        %dma_start3A_914 = arith.constant 0 : i32
        %dma_start3A_915 = tpu.memref_slice %arg3[%arg0, %arg1, %scan3A_8, %dma_start3A_913, %dma_start3A_914] : memref<2x16x10x25x80xi32, #tpu.memory_space<hbm>> -> memref<1x1x1x25x80xi32, #tpu.memory_space<hbm>>
        %dma_start3A_916 = tpu.memref_squeeze %dma_start3A_915 : memref<1x1x1x25x80xi32, #tpu.memory_space<hbm>> -> memref<25x80xi32, #tpu.memory_space<hbm>>
        tpu.enqueue_dma source(%dma_start3A_916 : memref<25x80xi32, #tpu.memory_space<hbm>>) target(%arg8 : memref<25x80xi32, #tpu.memory_space<vmem>>) target_semaphore(%run_scoped3A : memref<!tpu.dma_semaphore, #tpu.memory_space<semaphore_mem>>)
        %dma_wait3A_917 = arith.constant 0 : i32
        %dma_wait3A_918 = arith.constant 0 : i32
        %dma_wait3A_919 = tpu.memref_slice %arg3[%arg0, %arg1, %scan3A_8, %dma_wait3A_917, %dma_wait3A_918] : memref<2x16x10x25x80xi32, #tpu.memory_space<hbm>> -> memref<1x1x1x25x80xi32, #tpu.memory_space<hbm>>
        %dma_wait3A_920 = tpu.memref_squeeze %dma_wait3A_919 : memref<1x1x1x25x80xi32, #tpu.memory_space<hbm>> -> memref<25x80xi32, #tpu.memory_space<hbm>>
        %dma_wait3A_921 = arith.constant 0 : i32
        %dma_wait3A_922 = arith.constant 0 : i32
        %dma_wait3A_923 = tpu.memref_slice %arg3[%arg0, %arg1, %scan3A_8, %dma_wait3A_921, %dma_wait3A_922] : memref<2x16x10x25x80xi32, #tpu.memory_space<hbm>> -> memref<1x1x1x25x80xi32, #tpu.memory_space<hbm>>
        %dma_wait3A_924 = tpu.memref_squeeze %dma_wait3A_923 : memref<1x1x1x25x80xi32, #tpu.memory_space<hbm>> -> memref<25x80xi32, #tpu.memory_space<hbm>>
        tpu.wait_dma2 semaphore(%run_scoped3A : memref<!tpu.dma_semaphore, #tpu.memory_space<semaphore_mem>>) src(%dma_wait3A_924 : memref<25x80xi32, #tpu.memory_space<hbm>>) dst(%arg8 : memref<25x80xi32, #tpu.memory_space<vmem>>)
        tpu.yield
      }) : () -> ()
      "tpu.region"() ({
        %run_scoped3A = tpu.sem_alloc : memref<!tpu.dma_semaphore, #tpu.memory_space<semaphore_mem>>
        %dma_start3A_909 = arith.constant 0 : i32
        %dma_start3A_910 = arith.constant 0 : i32
        %dma_start3A_911 = tpu.memref_slice %arg4[%arg0, %arg1, %scan3A_8, %dma_start3A_909, %dma_start3A_910] : memref<2x16x10x25x80xi32, #tpu.memory_space<hbm>> -> memref<1x1x1x25x80xi32, #tpu.memory_space<hbm>>
        %dma_start3A_912 = tpu.memref_squeeze %dma_start3A_911 : memref<1x1x1x25x80xi32, #tpu.memory_space<hbm>> -> memref<25x80xi32, #tpu.memory_space<hbm>>
        %dma_start3A_913 = arith.constant 0 : i32
        %dma_start3A_914 = arith.constant 0 : i32
        %dma_start3A_915 = tpu.memref_slice %arg4[%arg0, %arg1, %scan3A_8, %dma_start3A_913, %dma_start3A_914] : memref<2x16x10x25x80xi32, #tpu.memory_space<hbm>> -> memref<1x1x1x25x80xi32, #tpu.memory_space<hbm>>
        %dma_start3A_916 = tpu.memref_squeeze %dma_start3A_915 : memref<1x1x1x25x80xi32, #tpu.memory_space<hbm>> -> memref<25x80xi32, #tpu.memory_space<hbm>>
        tpu.enqueue_dma source(%dma_start3A_916 : memref<25x80xi32, #tpu.memory_space<hbm>>) target(%arg9 : memref<25x80xi32, #tpu.memory_space<vmem>>) target_semaphore(%run_scoped3A : memref<!tpu.dma_semaphore, #tpu.memory_space<semaphore_mem>>)
        %dma_wait3A_917 = arith.constant 0 : i32
        %dma_wait3A_918 = arith.constant 0 : i32
        %dma_wait3A_919 = tpu.memref_slice %arg4[%arg0, %arg1, %scan3A_8, %dma_wait3A_917, %dma_wait3A_918] : memref<2x16x10x25x80xi32, #tpu.memory_space<hbm>> -> memref<1x1x1x25x80xi32, #tpu.memory_space<hbm>>
        %dma_wait3A_920 = tpu.memref_squeeze %dma_wait3A_919 : memref<1x1x1x25x80xi32, #tpu.memory_space<hbm>> -> memref<25x80xi32, #tpu.memory_space<hbm>>
        %dma_wait3A_921 = arith.constant 0 : i32
        %dma_wait3A_922 = arith.constant 0 : i32
        %dma_wait3A_923 = tpu.memref_slice %arg4[%arg0, %arg1, %scan3A_8, %dma_wait3A_921, %dma_wait3A_922] : memref<2x16x10x25x80xi32, #tpu.memory_space<hbm>> -> memref<1x1x1x25x80xi32, #tpu.memory_space<hbm>>
        %dma_wait3A_924 = tpu.memref_squeeze %dma_wait3A_923 : memref<1x1x1x25x80xi32, #tpu.memory_space<hbm>> -> memref<25x80xi32, #tpu.memory_space<hbm>>
        tpu.wait_dma2 semaphore(%run_scoped3A : memref<!tpu.dma_semaphore, #tpu.memory_space<semaphore_mem>>) src(%dma_wait3A_924 : memref<25x80xi32, #tpu.memory_space<hbm>>) dst(%arg9 : memref<25x80xi32, #tpu.memory_space<vmem>>)
        tpu.yield
      }) : () -> ()
      %dma_start3A = arith.constant 0 : i32
      %dma_start3A_10 = arith.constant 0 : i32
      %dma_start3A_11 = tpu.memref_slice %arg8[%dma_start3A, %dma_start3A_10] : memref<25x80xi32, #tpu.memory_space<vmem>> -> memref<1x80xi32, #tpu.memory_space<vmem>>
      %dma_start3A_12 = tpu.memref_squeeze %dma_start3A_11 : memref<1x80xi32, #tpu.memory_space<vmem>> -> memref<80xi32, #tpu.memory_space<vmem>>
      %dma_start3A_13 = arith.constant 0 : i32
      %dma_start3A_14 = arith.constant 0 : i32
      %dma_start3A_15 = tpu.memref_slice %arg2[%arg0, %dma_start3A_13, %dma_start3A_14] : memref<2x10000x128xf32, #tpu.memory_space<hbm>> -> memref<1x10000x128xf32, #tpu.memory_space<hbm>>
      %dma_start3A_16 = tpu.memref_squeeze %dma_start3A_15 : memref<1x10000x128xf32, #tpu.memory_space<hbm>> -> memref<10000x128xf32, #tpu.memory_space<hbm>>
      %dma_start3A_17 = arith.constant 0 : i32
      %dma_start3A_18 = arith.constant 0 : i32
      %dma_start3A_19 = tpu.memref_slice %dma_start3A_16[%dma_start3A_17, %dma_start3A_18] : memref<10000x128xf32, #tpu.memory_space<hbm>> -> memref<10000x128xf32, #tpu.memory_space<hbm>>
      tpu.enqueue_indirect_dma source(%dma_start3A_19 : memref<10000x128xf32, #tpu.memory_space<hbm>>) target(%arg10 : memref<80x128xf32, #tpu.memory_space<vmem>>) offsets(%dma_start3A_12 : memref<80xi32, #tpu.memory_space<vmem>>) semaphore(%arg14 : memref<!tpu.dma_semaphore, #tpu.memory_space<semaphore_mem>>)
      %dma_start3A_20 = arith.constant 1 : i32
      %dma_start3A_21 = arith.constant 0 : i32
      %dma_start3A_22 = tpu.memref_slice %arg8[%dma_start3A_20, %dma_start3A_21] : memref<25x80xi32, #tpu.memory_space<vmem>> -> memref<1x80xi32, #tpu.memory_space<vmem>>
      %dma_start3A_23 = tpu.memref_squeeze %dma_start3A_22 : memref<1x80xi32, #tpu.memory_space<vmem>> -> memref<80xi32, #tpu.memory_space<vmem>>
      %dma_start3A_24 = arith.constant 0 : i32
      %dma_start3A_25 = arith.constant 0 : i32
      %dma_start3A_26 = tpu.memref_slice %arg2[%arg0, %dma_start3A_24, %dma_start3A_25] : memref<2x10000x128xf32, #tpu.memory_space<hbm>> -> memref<1x10000x128xf32, #tpu.memory_space<hbm>>
      %dma_start3A_27 = tpu.memref_squeeze %dma_start3A_26 : memref<1x10000x128xf32, #tpu.memory_space<hbm>> -> memref<10000x128xf32, #tpu.memory_space<hbm>>
      %dma_start3A_28 = arith.constant 0 : i32
      %dma_start3A_29 = arith.constant 0 : i32
      %dma_start3A_30 = tpu.memref_slice %dma_start3A_27[%dma_start3A_28, %dma_start3A_29] : memref<10000x128xf32, #tpu.memory_space<hbm>> -> memref<10000x128xf32, #tpu.memory_space<hbm>>
      tpu.enqueue_indirect_dma source(%dma_start3A_30 : memref<10000x128xf32, #tpu.memory_space<hbm>>) target(%arg11 : memref<80x128xf32, #tpu.memory_space<vmem>>) offsets(%dma_start3A_23 : memref<80xi32, #tpu.memory_space<vmem>>) semaphore(%arg15 : memref<!tpu.dma_semaphore, #tpu.memory_space<semaphore_mem>>)
      %dma_start3A_31 = arith.constant 2 : i32
      %dma_start3A_32 = arith.constant 0 : i32
      %dma_start3A_33 = tpu.memref_slice %arg8[%dma_start3A_31, %dma_start3A_32] : memref<25x80xi32, #tpu.memory_space<vmem>> -> memref<1x80xi32, #tpu.memory_space<vmem>>
      %dma_start3A_34 = tpu.memref_squeeze %dma_start3A_33 : memref<1x80xi32, #tpu.memory_space<vmem>> -> memref<80xi32, #tpu.memory_space<vmem>>
      %dma_start3A_35 = arith.constant 0 : i32
      %dma_start3A_36 = arith.constant 0 : i32
      %dma_start3A_37 = tpu.memref_slice %arg2[%arg0, %dma_start3A_35, %dma_start3A_36] : memref<2x10000x128xf32, #tpu.memory_space<hbm>> -> memref<1x10000x128xf32, #tpu.memory_space<hbm>>
      %dma_start3A_38 = tpu.memref_squeeze %dma_start3A_37 : memref<1x10000x128xf32, #tpu.memory_space<hbm>> -> memref<10000x128xf32, #tpu.memory_space<hbm>>
      %dma_start3A_39 = arith.constant 0 : i32
      %dma_start3A_40 = arith.constant 0 : i32
      %dma_start3A_41 = tpu.memref_slice %dma_start3A_38[%dma_start3A_39, %dma_start3A_40] : memref<10000x128xf32, #tpu.memory_space<hbm>> -> memref<10000x128xf32, #tpu.memory_space<hbm>>
      tpu.enqueue_indirect_dma source(%dma_start3A_41 : memref<10000x128xf32, #tpu.memory_space<hbm>>) target(%arg12 : memref<80x128xf32, #tpu.memory_space<vmem>>) offsets(%dma_start3A_34 : memref<80xi32, #tpu.memory_space<vmem>>) semaphore(%arg16 : memref<!tpu.dma_semaphore, #tpu.memory_space<semaphore_mem>>)
      %dma_start3A_42 = arith.constant 3 : i32
      %dma_start3A_43 = arith.constant 0 : i32
      %dma_start3A_44 = tpu.memref_slice %arg8[%dma_start3A_42, %dma_start3A_43] : memref<25x80xi32, #tpu.memory_space<vmem>> -> memref<1x80xi32, #tpu.memory_space<vmem>>
      %dma_start3A_45 = tpu.memref_squeeze %dma_start3A_44 : memref<1x80xi32, #tpu.memory_space<vmem>> -> memref<80xi32, #tpu.memory_space<vmem>>
      %dma_start3A_46 = arith.constant 0 : i32
      %dma_start3A_47 = arith.constant 0 : i32
      %dma_start3A_48 = tpu.memref_slice %arg2[%arg0, %dma_start3A_46, %dma_start3A_47] : memref<2x10000x128xf32, #tpu.memory_space<hbm>> -> memref<1x10000x128xf32, #tpu.memory_space<hbm>>
      %dma_start3A_49 = tpu.memref_squeeze %dma_start3A_48 : memref<1x10000x128xf32, #tpu.memory_space<hbm>> -> memref<10000x128xf32, #tpu.memory_space<hbm>>
      %dma_start3A_50 = arith.constant 0 : i32
      %dma_start3A_51 = arith.constant 0 : i32
      %dma_start3A_52 = tpu.memref_slice %dma_start3A_49[%dma_start3A_50, %dma_start3A_51] : memref<10000x128xf32, #tpu.memory_space<hbm>> -> memref<10000x128xf32, #tpu.memory_space<hbm>>
      tpu.enqueue_indirect_dma source(%dma_start3A_52 : memref<10000x128xf32, #tpu.memory_space<hbm>>) target(%arg13 : memref<80x128xf32, #tpu.memory_space<vmem>>) offsets(%dma_start3A_45 : memref<80xi32, #tpu.memory_space<vmem>>) semaphore(%arg17 : memref<!tpu.dma_semaphore, #tpu.memory_space<semaphore_mem>>)
      %dma_wait3A = arith.constant 0 : i32
      %dma_wait3A_53 = arith.constant 0 : i32
      %dma_wait3A_54 = tpu.memref_slice %arg8[%dma_wait3A, %dma_wait3A_53] : memref<25x80xi32, #tpu.memory_space<vmem>> -> memref<1x80xi32, #tpu.memory_space<vmem>>
      %dma_wait3A_55 = tpu.memref_squeeze %dma_wait3A_54 : memref<1x80xi32, #tpu.memory_space<vmem>> -> memref<80xi32, #tpu.memory_space<vmem>>
      %dma_wait3A_56 = arith.constant 0 : i32
      %dma_wait3A_57 = arith.constant 0 : i32
      %dma_wait3A_58 = tpu.memref_slice %arg2[%arg0, %dma_wait3A_56, %dma_wait3A_57] : memref<2x10000x128xf32, #tpu.memory_space<hbm>> -> memref<1x10000x128xf32, #tpu.memory_space<hbm>>
      %dma_wait3A_59 = tpu.memref_squeeze %dma_wait3A_58 : memref<1x10000x128xf32, #tpu.memory_space<hbm>> -> memref<10000x128xf32, #tpu.memory_space<hbm>>
      %dma_wait3A_60 = arith.constant 0 : i32
      %dma_wait3A_61 = arith.constant 0 : i32
      %dma_wait3A_62 = tpu.memref_slice %dma_wait3A_59[%dma_wait3A_60, %dma_wait3A_61] : memref<10000x128xf32, #tpu.memory_space<hbm>> -> memref<10000x128xf32, #tpu.memory_space<hbm>>
      tpu.wait_indirect_dma semaphore(%arg14 : memref<!tpu.dma_semaphore, #tpu.memory_space<semaphore_mem>>) src(%dma_wait3A_62 : memref<10000x128xf32, #tpu.memory_space<hbm>>) dst(%arg10 : memref<80x128xf32, #tpu.memory_space<vmem>>)
      %dma_start3A_63 = arith.constant 0 : i32
      %dma_start3A_64 = arith.constant 0 : i32
      %dma_start3A_65 = tpu.memref_slice %arg9[%dma_start3A_63, %dma_start3A_64] : memref<25x80xi32, #tpu.memory_space<vmem>> -> memref<1x80xi32, #tpu.memory_space<vmem>>
      %dma_start3A_66 = tpu.memref_squeeze %dma_start3A_65 : memref<1x80xi32, #tpu.memory_space<vmem>> -> memref<80xi32, #tpu.memory_space<vmem>>
      %dma_start3A_67 = arith.constant 0 : i32
      %dma_start3A_68 = arith.constant 0 : i32
      %dma_start3A_69 = tpu.memref_slice %arg7[%dma_start3A_67, %dma_start3A_68] : memref<10240x128xf32, #tpu.memory_space<vmem_shared>> -> memref<10240x128xf32, #tpu.memory_space<vmem_shared>>
      tpu.enqueue_indirect_dma source(%arg10 : memref<80x128xf32, #tpu.memory_space<vmem>>) target(%dma_start3A_69 : memref<10240x128xf32, #tpu.memory_space<vmem_shared>>) offsets(%dma_start3A_66 : memref<80xi32, #tpu.memory_space<vmem>>) semaphore(%arg18 : memref<!tpu.dma_semaphore, #tpu.memory_space<semaphore_mem>>) {add = true}
      %dma_wait3A_70 = arith.constant 0 : i32
      %dma_wait3A_71 = arith.constant 0 : i32
      %dma_wait3A_72 = tpu.memref_slice %arg9[%dma_wait3A_70, %dma_wait3A_71] : memref<25x80xi32, #tpu.memory_space<vmem>> -> memref<1x80xi32, #tpu.memory_space<vmem>>
      %dma_wait3A_73 = tpu.memref_squeeze %dma_wait3A_72 : memref<1x80xi32, #tpu.memory_space<vmem>> -> memref<80xi32, #tpu.memory_space<vmem>>
      %dma_wait3A_74 = arith.constant 0 : i32
      %dma_wait3A_75 = arith.constant 0 : i32
      %dma_wait3A_76 = tpu.memref_slice %arg7[%dma_wait3A_74, %dma_wait3A_75] : memref<10240x128xf32, #tpu.memory_space<vmem_shared>> -> memref<10240x128xf32, #tpu.memory_space<vmem_shared>>
      tpu.wait_indirect_dma semaphore(%arg18 : memref<!tpu.dma_semaphore, #tpu.memory_space<semaphore_mem>>) src(%arg10 : memref<80x128xf32, #tpu.memory_space<vmem>>) dst(%dma_wait3A_76 : memref<10240x128xf32, #tpu.memory_space<vmem_shared>>)
      %dma_start3A_77 = arith.constant 4 : i32
      %dma_start3A_78 = arith.constant 0 : i32
      %dma_start3A_79 = tpu.memref_slice %arg8[%dma_start3A_77, %dma_start3A_78] : memref<25x80xi32, #tpu.memory_space<vmem>> -> memref<1x80xi32, #tpu.memory_space<vmem>>
      %dma_start3A_80 = tpu.memref_squeeze %dma_start3A_79 : memref<1x80xi32, #tpu.memory_space<vmem>> -> memref<80xi32, #tpu.memory_space<vmem>>
      %dma_start3A_81 = arith.constant 0 : i32
      %dma_start3A_82 = arith.constant 0 : i32
      %dma_start3A_83 = tpu.memref_slice %arg2[%arg0, %dma_start3A_81, %dma_start3A_82] : memref<2x10000x128xf32, #tpu.memory_space<hbm>> -> memref<1x10000x128xf32, #tpu.memory_space<hbm>>
      %dma_start3A_84 = tpu.memref_squeeze %dma_start3A_83 : memref<1x10000x128xf32, #tpu.memory_space<hbm>> -> memref<10000x128xf32, #tpu.memory_space<hbm>>
      %dma_start3A_85 = arith.constant 0 : i32
      %dma_start3A_86 = arith.constant 0 : i32
      %dma_start3A_87 = tpu.memref_slice %dma_start3A_84[%dma_start3A_85, %dma_start3A_86] : memref<10000x128xf32, #tpu.memory_space<hbm>> -> memref<10000x128xf32, #tpu.memory_space<hbm>>
      tpu.enqueue_indirect_dma source(%dma_start3A_87 : memref<10000x128xf32, #tpu.memory_space<hbm>>) target(%arg10 : memref<80x128xf32, #tpu.memory_space<vmem>>) offsets(%dma_start3A_80 : memref<80xi32, #tpu.memory_space<vmem>>) semaphore(%arg14 : memref<!tpu.dma_semaphore, #tpu.memory_space<semaphore_mem>>)
      %dma_wait3A_88 = arith.constant 1 : i32
      %dma_wait3A_89 = arith.constant 0 : i32
      %dma_wait3A_90 = tpu.memref_slice %arg8[%dma_wait3A_88, %dma_wait3A_89] : memref<25x80xi32, #tpu.memory_space<vmem>> -> memref<1x80xi32, #tpu.memory_space<vmem>>
      %dma_wait3A_91 = tpu.memref_squeeze %dma_wait3A_90 : memref<1x80xi32, #tpu.memory_space<vmem>> -> memref<80xi32, #tpu.memory_space<vmem>>
      %dma_wait3A_92 = arith.constant 0 : i32
      %dma_wait3A_93 = arith.constant 0 : i32
      %dma_wait3A_94 = tpu.memref_slice %arg2[%arg0, %dma_wait3A_92, %dma_wait3A_93] : memref<2x10000x128xf32, #tpu.memory_space<hbm>> -> memref<1x10000x128xf32, #tpu.memory_space<hbm>>
      %dma_wait3A_95 = tpu.memref_squeeze %dma_wait3A_94 : memref<1x10000x128xf32, #tpu.memory_space<hbm>> -> memref<10000x128xf32, #tpu.memory_space<hbm>>
      %dma_wait3A_96 = arith.constant 0 : i32
      %dma_wait3A_97 = arith.constant 0 : i32
      %dma_wait3A_98 = tpu.memref_slice %dma_wait3A_95[%dma_wait3A_96, %dma_wait3A_97] : memref<10000x128xf32, #tpu.memory_space<hbm>> -> memref<10000x128xf32, #tpu.memory_space<hbm>>
      tpu.wait_indirect_dma semaphore(%arg15 : memref<!tpu.dma_semaphore, #tpu.memory_space<semaphore_mem>>) src(%dma_wait3A_98 : memref<10000x128xf32, #tpu.memory_space<hbm>>) dst(%arg11 : memref<80x128xf32, #tpu.memory_space<vmem>>)
      %dma_start3A_99 = arith.constant 1 : i32
      %dma_start3A_100 = arith.constant 0 : i32
      %dma_start3A_101 = tpu.memref_slice %arg9[%dma_start3A_99, %dma_start3A_100] : memref<25x80xi32, #tpu.memory_space<vmem>> -> memref<1x80xi32, #tpu.memory_space<vmem>>
      %dma_start3A_102 = tpu.memref_squeeze %dma_start3A_101 : memref<1x80xi32, #tpu.memory_space<vmem>> -> memref<80xi32, #tpu.memory_space<vmem>>
      %dma_start3A_103 = arith.constant 0 : i32
      %dma_start3A_104 = arith.constant 0 : i32
      %dma_start3A_105 = tpu.memref_slice %arg7[%dma_start3A_103, %dma_start3A_104] : memref<10240x128xf32, #tpu.memory_space<vmem_shared>> -> memref<10240x128xf32, #tpu.memory_space<vmem_shared>>
      tpu.enqueue_indirect_dma source(%arg11 : memref<80x128xf32, #tpu.memory_space<vmem>>) target(%dma_start3A_105 : memref<10240x128xf32, #tpu.memory_space<vmem_shared>>) offsets(%dma_start3A_102 : memref<80xi32, #tpu.memory_space<vmem>>) semaphore(%arg19 : memref<!tpu.dma_semaphore, #tpu.memory_space<semaphore_mem>>) {add = true}
      %dma_wait3A_106 = arith.constant 1 : i32
      %dma_wait3A_107 = arith.constant 0 : i32
      %dma_wait3A_108 = tpu.memref_slice %arg9[%dma_wait3A_106, %dma_wait3A_107] : memref<25x80xi32, #tpu.memory_space<vmem>> -> memref<1x80xi32, #tpu.memory_space<vmem>>
      %dma_wait3A_109 = tpu.memref_squeeze %dma_wait3A_108 : memref<1x80xi32, #tpu.memory_space<vmem>> -> memref<80xi32, #tpu.memory_space<vmem>>
      %dma_wait3A_110 = arith.constant 0 : i32
      %dma_wait3A_111 = arith.constant 0 : i32
      %dma_wait3A_112 = tpu.memref_slice %arg7[%dma_wait3A_110, %dma_wait3A_111] : memref<10240x128xf32, #tpu.memory_space<vmem_shared>> -> memref<10240x128xf32, #tpu.memory_space<vmem_shared>>
      tpu.wait_indirect_dma semaphore(%arg19 : memref<!tpu.dma_semaphore, #tpu.memory_space<semaphore_mem>>) src(%arg11 : memref<80x128xf32, #tpu.memory_space<vmem>>) dst(%dma_wait3A_112 : memref<10240x128xf32, #tpu.memory_space<vmem_shared>>)
      %dma_start3A_113 = arith.constant 5 : i32
      %dma_start3A_114 = arith.constant 0 : i32
      %dma_start3A_115 = tpu.memref_slice %arg8[%dma_start3A_113, %dma_start3A_114] : memref<25x80xi32, #tpu.memory_space<vmem>> -> memref<1x80xi32, #tpu.memory_space<vmem>>
      %dma_start3A_116 = tpu.memref_squeeze %dma_start3A_115 : memref<1x80xi32, #tpu.memory_space<vmem>> -> memref<80xi32, #tpu.memory_space<vmem>>
      %dma_start3A_117 = arith.constant 0 : i32
      %dma_start3A_118 = arith.constant 0 : i32
      %dma_start3A_119 = tpu.memref_slice %arg2[%arg0, %dma_start3A_117, %dma_start3A_118] : memref<2x10000x128xf32, #tpu.memory_space<hbm>> -> memref<1x10000x128xf32, #tpu.memory_space<hbm>>
      %dma_start3A_120 = tpu.memref_squeeze %dma_start3A_119 : memref<1x10000x128xf32, #tpu.memory_space<hbm>> -> memref<10000x128xf32, #tpu.memory_space<hbm>>
      %dma_start3A_121 = arith.constant 0 : i32
      %dma_start3A_122 = arith.constant 0 : i32
      %dma_start3A_123 = tpu.memref_slice %dma_start3A_120[%dma_start3A_121, %dma_start3A_122] : memref<10000x128xf32, #tpu.memory_space<hbm>> -> memref<10000x128xf32, #tpu.memory_space<hbm>>
      tpu.enqueue_indirect_dma source(%dma_start3A_123 : memref<10000x128xf32, #tpu.memory_space<hbm>>) target(%arg11 : memref<80x128xf32, #tpu.memory_space<vmem>>) offsets(%dma_start3A_116 : memref<80xi32, #tpu.memory_space<vmem>>) semaphore(%arg15 : memref<!tpu.dma_semaphore, #tpu.memory_space<semaphore_mem>>)
      %dma_wait3A_124 = arith.constant 2 : i32
      %dma_wait3A_125 = arith.constant 0 : i32
      %dma_wait3A_126 = tpu.memref_slice %arg8[%dma_wait3A_124, %dma_wait3A_125] : memref<25x80xi32, #tpu.memory_space<vmem>> -> memref<1x80xi32, #tpu.memory_space<vmem>>
      %dma_wait3A_127 = tpu.memref_squeeze %dma_wait3A_126 : memref<1x80xi32, #tpu.memory_space<vmem>> -> memref<80xi32, #tpu.memory_space<vmem>>
      %dma_wait3A_128 = arith.constant 0 : i32
      %dma_wait3A_129 = arith.constant 0 : i32
      %dma_wait3A_130 = tpu.memref_slice %arg2[%arg0, %dma_wait3A_128, %dma_wait3A_129] : memref<2x10000x128xf32, #tpu.memory_space<hbm>> -> memref<1x10000x128xf32, #tpu.memory_space<hbm>>
      %dma_wait3A_131 = tpu.memref_squeeze %dma_wait3A_130 : memref<1x10000x128xf32, #tpu.memory_space<hbm>> -> memref<10000x128xf32, #tpu.memory_space<hbm>>
      %dma_wait3A_132 = arith.constant 0 : i32
      %dma_wait3A_133 = arith.constant 0 : i32
      %dma_wait3A_134 = tpu.memref_slice %dma_wait3A_131[%dma_wait3A_132, %dma_wait3A_133] : memref<10000x128xf32, #tpu.memory_space<hbm>> -> memref<10000x128xf32, #tpu.memory_space<hbm>>
      tpu.wait_indirect_dma semaphore(%arg16 : memref<!tpu.dma_semaphore, #tpu.memory_space<semaphore_mem>>) src(%dma_wait3A_134 : memref<10000x128xf32, #tpu.memory_space<hbm>>) dst(%arg12 : memref<80x128xf32, #tpu.memory_space<vmem>>)
      %dma_start3A_135 = arith.constant 2 : i32
      %dma_start3A_136 = arith.constant 0 : i32
      %dma_start3A_137 = tpu.memref_slice %arg9[%dma_start3A_135, %dma_start3A_136] : memref<25x80xi32, #tpu.memory_space<vmem>> -> memref<1x80xi32, #tpu.memory_space<vmem>>
      %dma_start3A_138 = tpu.memref_squeeze %dma_start3A_137 : memref<1x80xi32, #tpu.memory_space<vmem>> -> memref<80xi32, #tpu.memory_space<vmem>>
      %dma_start3A_139 = arith.constant 0 : i32
      %dma_start3A_140 = arith.constant 0 : i32
      %dma_start3A_141 = tpu.memref_slice %arg7[%dma_start3A_139, %dma_start3A_140] : memref<10240x128xf32, #tpu.memory_space<vmem_shared>> -> memref<10240x128xf32, #tpu.memory_space<vmem_shared>>
      tpu.enqueue_indirect_dma source(%arg12 : memref<80x128xf32, #tpu.memory_space<vmem>>) target(%dma_start3A_141 : memref<10240x128xf32, #tpu.memory_space<vmem_shared>>) offsets(%dma_start3A_138 : memref<80xi32, #tpu.memory_space<vmem>>) semaphore(%arg20 : memref<!tpu.dma_semaphore, #tpu.memory_space<semaphore_mem>>) {add = true}
      %dma_wait3A_142 = arith.constant 2 : i32
      %dma_wait3A_143 = arith.constant 0 : i32
      %dma_wait3A_144 = tpu.memref_slice %arg9[%dma_wait3A_142, %dma_wait3A_143] : memref<25x80xi32, #tpu.memory_space<vmem>> -> memref<1x80xi32, #tpu.memory_space<vmem>>
      %dma_wait3A_145 = tpu.memref_squeeze %dma_wait3A_144 : memref<1x80xi32, #tpu.memory_space<vmem>> -> memref<80xi32, #tpu.memory_space<vmem>>
      %dma_wait3A_146 = arith.constant 0 : i32
      %dma_wait3A_147 = arith.constant 0 : i32
      %dma_wait3A_148 = tpu.memref_slice %arg7[%dma_wait3A_146, %dma_wait3A_147] : memref<10240x128xf32, #tpu.memory_space<vmem_shared>> -> memref<10240x128xf32, #tpu.memory_space<vmem_shared>>
      tpu.wait_indirect_dma semaphore(%arg20 : memref<!tpu.dma_semaphore, #tpu.memory_space<semaphore_mem>>) src(%arg12 : memref<80x128xf32, #tpu.memory_space<vmem>>) dst(%dma_wait3A_148 : memref<10240x128xf32, #tpu.memory_space<vmem_shared>>)
      %dma_start3A_149 = arith.constant 6 : i32
      %dma_start3A_150 = arith.constant 0 : i32
      %dma_start3A_151 = tpu.memref_slice %arg8[%dma_start3A_149, %dma_start3A_150] : memref<25x80xi32, #tpu.memory_space<vmem>> -> memref<1x80xi32, #tpu.memory_space<vmem>>
      %dma_start3A_152 = tpu.memref_squeeze %dma_start3A_151 : memref<1x80xi32, #tpu.memory_space<vmem>> -> memref<80xi32, #tpu.memory_space<vmem>>
      %dma_start3A_153 = arith.constant 0 : i32
      %dma_start3A_154 = arith.constant 0 : i32
      %dma_start3A_155 = tpu.memref_slice %arg2[%arg0, %dma_start3A_153, %dma_start3A_154] : memref<2x10000x128xf32, #tpu.memory_space<hbm>> -> memref<1x10000x128xf32, #tpu.memory_space<hbm>>
      %dma_start3A_156 = tpu.memref_squeeze %dma_start3A_155 : memref<1x10000x128xf32, #tpu.memory_space<hbm>> -> memref<10000x128xf32, #tpu.memory_space<hbm>>
      %dma_start3A_157 = arith.constant 0 : i32
      %dma_start3A_158 = arith.constant 0 : i32
      %dma_start3A_159 = tpu.memref_slice %dma_start3A_156[%dma_start3A_157, %dma_start3A_158] : memref<10000x128xf32, #tpu.memory_space<hbm>> -> memref<10000x128xf32, #tpu.memory_space<hbm>>
      tpu.enqueue_indirect_dma source(%dma_start3A_159 : memref<10000x128xf32, #tpu.memory_space<hbm>>) target(%arg12 : memref<80x128xf32, #tpu.memory_space<vmem>>) offsets(%dma_start3A_152 : memref<80xi32, #tpu.memory_space<vmem>>) semaphore(%arg16 : memref<!tpu.dma_semaphore, #tpu.memory_space<semaphore_mem>>)
      %dma_wait3A_160 = arith.constant 3 : i32
      %dma_wait3A_161 = arith.constant 0 : i32
      %dma_wait3A_162 = tpu.memref_slice %arg8[%dma_wait3A_160, %dma_wait3A_161] : memref<25x80xi32, #tpu.memory_space<vmem>> -> memref<1x80xi32, #tpu.memory_space<vmem>>
      %dma_wait3A_163 = tpu.memref_squeeze %dma_wait3A_162 : memref<1x80xi32, #tpu.memory_space<vmem>> -> memref<80xi32, #tpu.memory_space<vmem>>
      %dma_wait3A_164 = arith.constant 0 : i32
      %dma_wait3A_165 = arith.constant 0 : i32
      %dma_wait3A_166 = tpu.memref_slice %arg2[%arg0, %dma_wait3A_164, %dma_wait3A_165] : memref<2x10000x128xf32, #tpu.memory_space<hbm>> -> memref<1x10000x128xf32, #tpu.memory_space<hbm>>
      %dma_wait3A_167 = tpu.memref_squeeze %dma_wait3A_166 : memref<1x10000x128xf32, #tpu.memory_space<hbm>> -> memref<10000x128xf32, #tpu.memory_space<hbm>>
      %dma_wait3A_168 = arith.constant 0 : i32
      %dma_wait3A_169 = arith.constant 0 : i32
      %dma_wait3A_170 = tpu.memref_slice %dma_wait3A_167[%dma_wait3A_168, %dma_wait3A_169] : memref<10000x128xf32, #tpu.memory_space<hbm>> -> memref<10000x128xf32, #tpu.memory_space<hbm>>
      tpu.wait_indirect_dma semaphore(%arg17 : memref<!tpu.dma_semaphore, #tpu.memory_space<semaphore_mem>>) src(%dma_wait3A_170 : memref<10000x128xf32, #tpu.memory_space<hbm>>) dst(%arg13 : memref<80x128xf32, #tpu.memory_space<vmem>>)
      %dma_start3A_171 = arith.constant 3 : i32
      %dma_start3A_172 = arith.constant 0 : i32
      %dma_start3A_173 = tpu.memref_slice %arg9[%dma_start3A_171, %dma_start3A_172] : memref<25x80xi32, #tpu.memory_space<vmem>> -> memref<1x80xi32, #tpu.memory_space<vmem>>
      %dma_start3A_174 = tpu.memref_squeeze %dma_start3A_173 : memref<1x80xi32, #tpu.memory_space<vmem>> -> memref<80xi32, #tpu.memory_space<vmem>>
      %dma_start3A_175 = arith.constant 0 : i32
      %dma_start3A_176 = arith.constant 0 : i32
      %dma_start3A_177 = tpu.memref_slice %arg7[%dma_start3A_175, %dma_start3A_176] : memref<10240x128xf32, #tpu.memory_space<vmem_shared>> -> memref<10240x128xf32, #tpu.memory_space<vmem_shared>>
      tpu.enqueue_indirect_dma source(%arg13 : memref<80x128xf32, #tpu.memory_space<vmem>>) target(%dma_start3A_177 : memref<10240x128xf32, #tpu.memory_space<vmem_shared>>) offsets(%dma_start3A_174 : memref<80xi32, #tpu.memory_space<vmem>>) semaphore(%arg21 : memref<!tpu.dma_semaphore, #tpu.memory_space<semaphore_mem>>) {add = true}
      %dma_wait3A_178 = arith.constant 3 : i32
      %dma_wait3A_179 = arith.constant 0 : i32
      %dma_wait3A_180 = tpu.memref_slice %arg9[%dma_wait3A_178, %dma_wait3A_179] : memref<25x80xi32, #tpu.memory_space<vmem>> -> memref<1x80xi32, #tpu.memory_space<vmem>>
      %dma_wait3A_181 = tpu.memref_squeeze %dma_wait3A_180 : memref<1x80xi32, #tpu.memory_space<vmem>> -> memref<80xi32, #tpu.memory_space<vmem>>
      %dma_wait3A_182 = arith.constant 0 : i32
      %dma_wait3A_183 = arith.constant 0 : i32
      %dma_wait3A_184 = tpu.memref_slice %arg7[%dma_wait3A_182, %dma_wait3A_183] : memref<10240x128xf32, #tpu.memory_space<vmem_shared>> -> memref<10240x128xf32, #tpu.memory_space<vmem_shared>>
      tpu.wait_indirect_dma semaphore(%arg21 : memref<!tpu.dma_semaphore, #tpu.memory_space<semaphore_mem>>) src(%arg13 : memref<80x128xf32, #tpu.memory_space<vmem>>) dst(%dma_wait3A_184 : memref<10240x128xf32, #tpu.memory_space<vmem_shared>>)
      %dma_start3A_185 = arith.constant 7 : i32
      %dma_start3A_186 = arith.constant 0 : i32
      %dma_start3A_187 = tpu.memref_slice %arg8[%dma_start3A_185, %dma_start3A_186] : memref<25x80xi32, #tpu.memory_space<vmem>> -> memref<1x80xi32, #tpu.memory_space<vmem>>
      %dma_start3A_188 = tpu.memref_squeeze %dma_start3A_187 : memref<1x80xi32, #tpu.memory_space<vmem>> -> memref<80xi32, #tpu.memory_space<vmem>>
      %dma_start3A_189 = arith.constant 0 : i32
      %dma_start3A_190 = arith.constant 0 : i32
      %dma_start3A_191 = tpu.memref_slice %arg2[%arg0, %dma_start3A_189, %dma_start3A_190] : memref<2x10000x128xf32, #tpu.memory_space<hbm>> -> memref<1x10000x128xf32, #tpu.memory_space<hbm>>
      %dma_start3A_192 = tpu.memref_squeeze %dma_start3A_191 : memref<1x10000x128xf32, #tpu.memory_space<hbm>> -> memref<10000x128xf32, #tpu.memory_space<hbm>>
      %dma_start3A_193 = arith.constant 0 : i32
      %dma_start3A_194 = arith.constant 0 : i32
      %dma_start3A_195 = tpu.memref_slice %dma_start3A_192[%dma_start3A_193, %dma_start3A_194] : memref<10000x128xf32, #tpu.memory_space<hbm>> -> memref<10000x128xf32, #tpu.memory_space<hbm>>
      tpu.enqueue_indirect_dma source(%dma_start3A_195 : memref<10000x128xf32, #tpu.memory_space<hbm>>) target(%arg13 : memref<80x128xf32, #tpu.memory_space<vmem>>) offsets(%dma_start3A_188 : memref<80xi32, #tpu.memory_space<vmem>>) semaphore(%arg17 : memref<!tpu.dma_semaphore, #tpu.memory_space<semaphore_mem>>)
      %dma_wait3A_196 = arith.constant 4 : i32
      %dma_wait3A_197 = arith.constant 0 : i32
      %dma_wait3A_198 = tpu.memref_slice %arg8[%dma_wait3A_196, %dma_wait3A_197] : memref<25x80xi32, #tpu.memory_space<vmem>> -> memref<1x80xi32, #tpu.memory_space<vmem>>
      %dma_wait3A_199 = tpu.memref_squeeze %dma_wait3A_198 : memref<1x80xi32, #tpu.memory_space<vmem>> -> memref<80xi32, #tpu.memory_space<vmem>>
      %dma_wait3A_200 = arith.constant 0 : i32
      %dma_wait3A_201 = arith.constant 0 : i32
      %dma_wait3A_202 = tpu.memref_slice %arg2[%arg0, %dma_wait3A_200, %dma_wait3A_201] : memref<2x10000x128xf32, #tpu.memory_space<hbm>> -> memref<1x10000x128xf32, #tpu.memory_space<hbm>>
      %dma_wait3A_203 = tpu.memref_squeeze %dma_wait3A_202 : memref<1x10000x128xf32, #tpu.memory_space<hbm>> -> memref<10000x128xf32, #tpu.memory_space<hbm>>
      %dma_wait3A_204 = arith.constant 0 : i32
      %dma_wait3A_205 = arith.constant 0 : i32
      %dma_wait3A_206 = tpu.memref_slice %dma_wait3A_203[%dma_wait3A_204, %dma_wait3A_205] : memref<10000x128xf32, #tpu.memory_space<hbm>> -> memref<10000x128xf32, #tpu.memory_space<hbm>>
      tpu.wait_indirect_dma semaphore(%arg14 : memref<!tpu.dma_semaphore, #tpu.memory_space<semaphore_mem>>) src(%dma_wait3A_206 : memref<10000x128xf32, #tpu.memory_space<hbm>>) dst(%arg10 : memref<80x128xf32, #tpu.memory_space<vmem>>)
      %dma_start3A_207 = arith.constant 4 : i32
      %dma_start3A_208 = arith.constant 0 : i32
      %dma_start3A_209 = tpu.memref_slice %arg9[%dma_start3A_207, %dma_start3A_208] : memref<25x80xi32, #tpu.memory_space<vmem>> -> memref<1x80xi32, #tpu.memory_space<vmem>>
      %dma_start3A_210 = tpu.memref_squeeze %dma_start3A_209 : memref<1x80xi32, #tpu.memory_space<vmem>> -> memref<80xi32, #tpu.memory_space<vmem>>
      %dma_start3A_211 = arith.constant 0 : i32
      %dma_start3A_212 = arith.constant 0 : i32
      %dma_start3A_213 = tpu.memref_slice %arg7[%dma_start3A_211, %dma_start3A_212] : memref<10240x128xf32, #tpu.memory_space<vmem_shared>> -> memref<10240x128xf32, #tpu.memory_space<vmem_shared>>
      tpu.enqueue_indirect_dma source(%arg10 : memref<80x128xf32, #tpu.memory_space<vmem>>) target(%dma_start3A_213 : memref<10240x128xf32, #tpu.memory_space<vmem_shared>>) offsets(%dma_start3A_210 : memref<80xi32, #tpu.memory_space<vmem>>) semaphore(%arg18 : memref<!tpu.dma_semaphore, #tpu.memory_space<semaphore_mem>>) {add = true}
      %dma_wait3A_214 = arith.constant 4 : i32
      %dma_wait3A_215 = arith.constant 0 : i32
      %dma_wait3A_216 = tpu.memref_slice %arg9[%dma_wait3A_214, %dma_wait3A_215] : memref<25x80xi32, #tpu.memory_space<vmem>> -> memref<1x80xi32, #tpu.memory_space<vmem>>
      %dma_wait3A_217 = tpu.memref_squeeze %dma_wait3A_216 : memref<1x80xi32, #tpu.memory_space<vmem>> -> memref<80xi32, #tpu.memory_space<vmem>>
      %dma_wait3A_218 = arith.constant 0 : i32
      %dma_wait3A_219 = arith.constant 0 : i32
      %dma_wait3A_220 = tpu.memref_slice %arg7[%dma_wait3A_218, %dma_wait3A_219] : memref<10240x128xf32, #tpu.memory_space<vmem_shared>> -> memref<10240x128xf32, #tpu.memory_space<vmem_shared>>
      tpu.wait_indirect_dma semaphore(%arg18 : memref<!tpu.dma_semaphore, #tpu.memory_space<semaphore_mem>>) src(%arg10 : memref<80x128xf32, #tpu.memory_space<vmem>>) dst(%dma_wait3A_220 : memref<10240x128xf32, #tpu.memory_space<vmem_shared>>)
      %dma_start3A_221 = arith.constant 8 : i32
      %dma_start3A_222 = arith.constant 0 : i32
      %dma_start3A_223 = tpu.memref_slice %arg8[%dma_start3A_221, %dma_start3A_222] : memref<25x80xi32, #tpu.memory_space<vmem>> -> memref<1x80xi32, #tpu.memory_space<vmem>>
      %dma_start3A_224 = tpu.memref_squeeze %dma_start3A_223 : memref<1x80xi32, #tpu.memory_space<vmem>> -> memref<80xi32, #tpu.memory_space<vmem>>
      %dma_start3A_225 = arith.constant 0 : i32
      %dma_start3A_226 = arith.constant 0 : i32
      %dma_start3A_227 = tpu.memref_slice %arg2[%arg0, %dma_start3A_225, %dma_start3A_226] : memref<2x10000x128xf32, #tpu.memory_space<hbm>> -> memref<1x10000x128xf32, #tpu.memory_space<hbm>>
      %dma_start3A_228 = tpu.memref_squeeze %dma_start3A_227 : memref<1x10000x128xf32, #tpu.memory_space<hbm>> -> memref<10000x128xf32, #tpu.memory_space<hbm>>
      %dma_start3A_229 = arith.constant 0 : i32
      %dma_start3A_230 = arith.constant 0 : i32
      %dma_start3A_231 = tpu.memref_slice %dma_start3A_228[%dma_start3A_229, %dma_start3A_230] : memref<10000x128xf32, #tpu.memory_space<hbm>> -> memref<10000x128xf32, #tpu.memory_space<hbm>>
      tpu.enqueue_indirect_dma source(%dma_start3A_231 : memref<10000x128xf32, #tpu.memory_space<hbm>>) target(%arg10 : memref<80x128xf32, #tpu.memory_space<vmem>>) offsets(%dma_start3A_224 : memref<80xi32, #tpu.memory_space<vmem>>) semaphore(%arg14 : memref<!tpu.dma_semaphore, #tpu.memory_space<semaphore_mem>>)
      %dma_wait3A_232 = arith.constant 5 : i32
      %dma_wait3A_233 = arith.constant 0 : i32
      %dma_wait3A_234 = tpu.memref_slice %arg8[%dma_wait3A_232, %dma_wait3A_233] : memref<25x80xi32, #tpu.memory_space<vmem>> -> memref<1x80xi32, #tpu.memory_space<vmem>>
      %dma_wait3A_235 = tpu.memref_squeeze %dma_wait3A_234 : memref<1x80xi32, #tpu.memory_space<vmem>> -> memref<80xi32, #tpu.memory_space<vmem>>
      %dma_wait3A_236 = arith.constant 0 : i32
      %dma_wait3A_237 = arith.constant 0 : i32
      %dma_wait3A_238 = tpu.memref_slice %arg2[%arg0, %dma_wait3A_236, %dma_wait3A_237] : memref<2x10000x128xf32, #tpu.memory_space<hbm>> -> memref<1x10000x128xf32, #tpu.memory_space<hbm>>
      %dma_wait3A_239 = tpu.memref_squeeze %dma_wait3A_238 : memref<1x10000x128xf32, #tpu.memory_space<hbm>> -> memref<10000x128xf32, #tpu.memory_space<hbm>>
      %dma_wait3A_240 = arith.constant 0 : i32
      %dma_wait3A_241 = arith.constant 0 : i32
      %dma_wait3A_242 = tpu.memref_slice %dma_wait3A_239[%dma_wait3A_240, %dma_wait3A_241] : memref<10000x128xf32, #tpu.memory_space<hbm>> -> memref<10000x128xf32, #tpu.memory_space<hbm>>
      tpu.wait_indirect_dma semaphore(%arg15 : memref<!tpu.dma_semaphore, #tpu.memory_space<semaphore_mem>>) src(%dma_wait3A_242 : memref<10000x128xf32, #tpu.memory_space<hbm>>) dst(%arg11 : memref<80x128xf32, #tpu.memory_space<vmem>>)
      %dma_start3A_243 = arith.constant 5 : i32
      %dma_start3A_244 = arith.constant 0 : i32
      %dma_start3A_245 = tpu.memref_slice %arg9[%dma_start3A_243, %dma_start3A_244] : memref<25x80xi32, #tpu.memory_space<vmem>> -> memref<1x80xi32, #tpu.memory_space<vmem>>
      %dma_start3A_246 = tpu.memref_squeeze %dma_start3A_245 : memref<1x80xi32, #tpu.memory_space<vmem>> -> memref<80xi32, #tpu.memory_space<vmem>>
      %dma_start3A_247 = arith.constant 0 : i32
      %dma_start3A_248 = arith.constant 0 : i32
      %dma_start3A_249 = tpu.memref_slice %arg7[%dma_start3A_247, %dma_start3A_248] : memref<10240x128xf32, #tpu.memory_space<vmem_shared>> -> memref<10240x128xf32, #tpu.memory_space<vmem_shared>>
      tpu.enqueue_indirect_dma source(%arg11 : memref<80x128xf32, #tpu.memory_space<vmem>>) target(%dma_start3A_249 : memref<10240x128xf32, #tpu.memory_space<vmem_shared>>) offsets(%dma_start3A_246 : memref<80xi32, #tpu.memory_space<vmem>>) semaphore(%arg19 : memref<!tpu.dma_semaphore, #tpu.memory_space<semaphore_mem>>) {add = true}
      %dma_wait3A_250 = arith.constant 5 : i32
      %dma_wait3A_251 = arith.constant 0 : i32
      %dma_wait3A_252 = tpu.memref_slice %arg9[%dma_wait3A_250, %dma_wait3A_251] : memref<25x80xi32, #tpu.memory_space<vmem>> -> memref<1x80xi32, #tpu.memory_space<vmem>>
      %dma_wait3A_253 = tpu.memref_squeeze %dma_wait3A_252 : memref<1x80xi32, #tpu.memory_space<vmem>> -> memref<80xi32, #tpu.memory_space<vmem>>
      %dma_wait3A_254 = arith.constant 0 : i32
      %dma_wait3A_255 = arith.constant 0 : i32
      %dma_wait3A_256 = tpu.memref_slice %arg7[%dma_wait3A_254, %dma_wait3A_255] : memref<10240x128xf32, #tpu.memory_space<vmem_shared>> -> memref<10240x128xf32, #tpu.memory_space<vmem_shared>>
      tpu.wait_indirect_dma semaphore(%arg19 : memref<!tpu.dma_semaphore, #tpu.memory_space<semaphore_mem>>) src(%arg11 : memref<80x128xf32, #tpu.memory_space<vmem>>) dst(%dma_wait3A_256 : memref<10240x128xf32, #tpu.memory_space<vmem_shared>>)
      %dma_start3A_257 = arith.constant 9 : i32
      %dma_start3A_258 = arith.constant 0 : i32
      %dma_start3A_259 = tpu.memref_slice %arg8[%dma_start3A_257, %dma_start3A_258] : memref<25x80xi32, #tpu.memory_space<vmem>> -> memref<1x80xi32, #tpu.memory_space<vmem>>
      %dma_start3A_260 = tpu.memref_squeeze %dma_start3A_259 : memref<1x80xi32, #tpu.memory_space<vmem>> -> memref<80xi32, #tpu.memory_space<vmem>>
      %dma_start3A_261 = arith.constant 0 : i32
      %dma_start3A_262 = arith.constant 0 : i32
      %dma_start3A_263 = tpu.memref_slice %arg2[%arg0, %dma_start3A_261, %dma_start3A_262] : memref<2x10000x128xf32, #tpu.memory_space<hbm>> -> memref<1x10000x128xf32, #tpu.memory_space<hbm>>
      %dma_start3A_264 = tpu.memref_squeeze %dma_start3A_263 : memref<1x10000x128xf32, #tpu.memory_space<hbm>> -> memref<10000x128xf32, #tpu.memory_space<hbm>>
      %dma_start3A_265 = arith.constant 0 : i32
      %dma_start3A_266 = arith.constant 0 : i32
      %dma_start3A_267 = tpu.memref_slice %dma_start3A_264[%dma_start3A_265, %dma_start3A_266] : memref<10000x128xf32, #tpu.memory_space<hbm>> -> memref<10000x128xf32, #tpu.memory_space<hbm>>
      tpu.enqueue_indirect_dma source(%dma_start3A_267 : memref<10000x128xf32, #tpu.memory_space<hbm>>) target(%arg11 : memref<80x128xf32, #tpu.memory_space<vmem>>) offsets(%dma_start3A_260 : memref<80xi32, #tpu.memory_space<vmem>>) semaphore(%arg15 : memref<!tpu.dma_semaphore, #tpu.memory_space<semaphore_mem>>)
      %dma_wait3A_268 = arith.constant 6 : i32
      %dma_wait3A_269 = arith.constant 0 : i32
      %dma_wait3A_270 = tpu.memref_slice %arg8[%dma_wait3A_268, %dma_wait3A_269] : memref<25x80xi32, #tpu.memory_space<vmem>> -> memref<1x80xi32, #tpu.memory_space<vmem>>
      %dma_wait3A_271 = tpu.memref_squeeze %dma_wait3A_270 : memref<1x80xi32, #tpu.memory_space<vmem>> -> memref<80xi32, #tpu.memory_space<vmem>>
      %dma_wait3A_272 = arith.constant 0 : i32
      %dma_wait3A_273 = arith.constant 0 : i32
      %dma_wait3A_274 = tpu.memref_slice %arg2[%arg0, %dma_wait3A_272, %dma_wait3A_273] : memref<2x10000x128xf32, #tpu.memory_space<hbm>> -> memref<1x10000x128xf32, #tpu.memory_space<hbm>>
      %dma_wait3A_275 = tpu.memref_squeeze %dma_wait3A_274 : memref<1x10000x128xf32, #tpu.memory_space<hbm>> -> memref<10000x128xf32, #tpu.memory_space<hbm>>
      %dma_wait3A_276 = arith.constant 0 : i32
      %dma_wait3A_277 = arith.constant 0 : i32
      %dma_wait3A_278 = tpu.memref_slice %dma_wait3A_275[%dma_wait3A_276, %dma_wait3A_277] : memref<10000x128xf32, #tpu.memory_space<hbm>> -> memref<10000x128xf32, #tpu.memory_space<hbm>>
      tpu.wait_indirect_dma semaphore(%arg16 : memref<!tpu.dma_semaphore, #tpu.memory_space<semaphore_mem>>) src(%dma_wait3A_278 : memref<10000x128xf32, #tpu.memory_space<hbm>>) dst(%arg12 : memref<80x128xf32, #tpu.memory_space<vmem>>)
      %dma_start3A_279 = arith.constant 6 : i32
      %dma_start3A_280 = arith.constant 0 : i32
      %dma_start3A_281 = tpu.memref_slice %arg9[%dma_start3A_279, %dma_start3A_280] : memref<25x80xi32, #tpu.memory_space<vmem>> -> memref<1x80xi32, #tpu.memory_space<vmem>>
      %dma_start3A_282 = tpu.memref_squeeze %dma_start3A_281 : memref<1x80xi32, #tpu.memory_space<vmem>> -> memref<80xi32, #tpu.memory_space<vmem>>
      %dma_start3A_283 = arith.constant 0 : i32
      %dma_start3A_284 = arith.constant 0 : i32
      %dma_start3A_285 = tpu.memref_slice %arg7[%dma_start3A_283, %dma_start3A_284] : memref<10240x128xf32, #tpu.memory_space<vmem_shared>> -> memref<10240x128xf32, #tpu.memory_space<vmem_shared>>
      tpu.enqueue_indirect_dma source(%arg12 : memref<80x128xf32, #tpu.memory_space<vmem>>) target(%dma_start3A_285 : memref<10240x128xf32, #tpu.memory_space<vmem_shared>>) offsets(%dma_start3A_282 : memref<80xi32, #tpu.memory_space<vmem>>) semaphore(%arg20 : memref<!tpu.dma_semaphore, #tpu.memory_space<semaphore_mem>>) {add = true}
      %dma_wait3A_286 = arith.constant 6 : i32
      %dma_wait3A_287 = arith.constant 0 : i32
      %dma_wait3A_288 = tpu.memref_slice %arg9[%dma_wait3A_286, %dma_wait3A_287] : memref<25x80xi32, #tpu.memory_space<vmem>> -> memref<1x80xi32, #tpu.memory_space<vmem>>
      %dma_wait3A_289 = tpu.memref_squeeze %dma_wait3A_288 : memref<1x80xi32, #tpu.memory_space<vmem>> -> memref<80xi32, #tpu.memory_space<vmem>>
      %dma_wait3A_290 = arith.constant 0 : i32
      %dma_wait3A_291 = arith.constant 0 : i32
      %dma_wait3A_292 = tpu.memref_slice %arg7[%dma_wait3A_290, %dma_wait3A_291] : memref<10240x128xf32, #tpu.memory_space<vmem_shared>> -> memref<10240x128xf32, #tpu.memory_space<vmem_shared>>
      tpu.wait_indirect_dma semaphore(%arg20 : memref<!tpu.dma_semaphore, #tpu.memory_space<semaphore_mem>>) src(%arg12 : memref<80x128xf32, #tpu.memory_space<vmem>>) dst(%dma_wait3A_292 : memref<10240x128xf32, #tpu.memory_space<vmem_shared>>)
      %dma_start3A_293 = arith.constant 10 : i32
      %dma_start3A_294 = arith.constant 0 : i32
      %dma_start3A_295 = tpu.memref_slice %arg8[%dma_start3A_293, %dma_start3A_294] : memref<25x80xi32, #tpu.memory_space<vmem>> -> memref<1x80xi32, #tpu.memory_space<vmem>>
      %dma_start3A_296 = tpu.memref_squeeze %dma_start3A_295 : memref<1x80xi32, #tpu.memory_space<vmem>> -> memref<80xi32, #tpu.memory_space<vmem>>
      %dma_start3A_297 = arith.constant 0 : i32
      %dma_start3A_298 = arith.constant 0 : i32
      %dma_start3A_299 = tpu.memref_slice %arg2[%arg0, %dma_start3A_297, %dma_start3A_298] : memref<2x10000x128xf32, #tpu.memory_space<hbm>> -> memref<1x10000x128xf32, #tpu.memory_space<hbm>>
      %dma_start3A_300 = tpu.memref_squeeze %dma_start3A_299 : memref<1x10000x128xf32, #tpu.memory_space<hbm>> -> memref<10000x128xf32, #tpu.memory_space<hbm>>
      %dma_start3A_301 = arith.constant 0 : i32
      %dma_start3A_302 = arith.constant 0 : i32
      %dma_start3A_303 = tpu.memref_slice %dma_start3A_300[%dma_start3A_301, %dma_start3A_302] : memref<10000x128xf32, #tpu.memory_space<hbm>> -> memref<10000x128xf32, #tpu.memory_space<hbm>>
      tpu.enqueue_indirect_dma source(%dma_start3A_303 : memref<10000x128xf32, #tpu.memory_space<hbm>>) target(%arg12 : memref<80x128xf32, #tpu.memory_space<vmem>>) offsets(%dma_start3A_296 : memref<80xi32, #tpu.memory_space<vmem>>) semaphore(%arg16 : memref<!tpu.dma_semaphore, #tpu.memory_space<semaphore_mem>>)
      %dma_wait3A_304 = arith.constant 7 : i32
      %dma_wait3A_305 = arith.constant 0 : i32
      %dma_wait3A_306 = tpu.memref_slice %arg8[%dma_wait3A_304, %dma_wait3A_305] : memref<25x80xi32, #tpu.memory_space<vmem>> -> memref<1x80xi32, #tpu.memory_space<vmem>>
      %dma_wait3A_307 = tpu.memref_squeeze %dma_wait3A_306 : memref<1x80xi32, #tpu.memory_space<vmem>> -> memref<80xi32, #tpu.memory_space<vmem>>
      %dma_wait3A_308 = arith.constant 0 : i32
      %dma_wait3A_309 = arith.constant 0 : i32
      %dma_wait3A_310 = tpu.memref_slice %arg2[%arg0, %dma_wait3A_308, %dma_wait3A_309] : memref<2x10000x128xf32, #tpu.memory_space<hbm>> -> memref<1x10000x128xf32, #tpu.memory_space<hbm>>
      %dma_wait3A_311 = tpu.memref_squeeze %dma_wait3A_310 : memref<1x10000x128xf32, #tpu.memory_space<hbm>> -> memref<10000x128xf32, #tpu.memory_space<hbm>>
      %dma_wait3A_312 = arith.constant 0 : i32
      %dma_wait3A_313 = arith.constant 0 : i32
      %dma_wait3A_314 = tpu.memref_slice %dma_wait3A_311[%dma_wait3A_312, %dma_wait3A_313] : memref<10000x128xf32, #tpu.memory_space<hbm>> -> memref<10000x128xf32, #tpu.memory_space<hbm>>
      tpu.wait_indirect_dma semaphore(%arg17 : memref<!tpu.dma_semaphore, #tpu.memory_space<semaphore_mem>>) src(%dma_wait3A_314 : memref<10000x128xf32, #tpu.memory_space<hbm>>) dst(%arg13 : memref<80x128xf32, #tpu.memory_space<vmem>>)
      %dma_start3A_315 = arith.constant 7 : i32
      %dma_start3A_316 = arith.constant 0 : i32
      %dma_start3A_317 = tpu.memref_slice %arg9[%dma_start3A_315, %dma_start3A_316] : memref<25x80xi32, #tpu.memory_space<vmem>> -> memref<1x80xi32, #tpu.memory_space<vmem>>
      %dma_start3A_318 = tpu.memref_squeeze %dma_start3A_317 : memref<1x80xi32, #tpu.memory_space<vmem>> -> memref<80xi32, #tpu.memory_space<vmem>>
      %dma_start3A_319 = arith.constant 0 : i32
      %dma_start3A_320 = arith.constant 0 : i32
      %dma_start3A_321 = tpu.memref_slice %arg7[%dma_start3A_319, %dma_start3A_320] : memref<10240x128xf32, #tpu.memory_space<vmem_shared>> -> memref<10240x128xf32, #tpu.memory_space<vmem_shared>>
      tpu.enqueue_indirect_dma source(%arg13 : memref<80x128xf32, #tpu.memory_space<vmem>>) target(%dma_start3A_321 : memref<10240x128xf32, #tpu.memory_space<vmem_shared>>) offsets(%dma_start3A_318 : memref<80xi32, #tpu.memory_space<vmem>>) semaphore(%arg21 : memref<!tpu.dma_semaphore, #tpu.memory_space<semaphore_mem>>) {add = true}
      %dma_wait3A_322 = arith.constant 7 : i32
      %dma_wait3A_323 = arith.constant 0 : i32
      %dma_wait3A_324 = tpu.memref_slice %arg9[%dma_wait3A_322, %dma_wait3A_323] : memref<25x80xi32, #tpu.memory_space<vmem>> -> memref<1x80xi32, #tpu.memory_space<vmem>>
      %dma_wait3A_325 = tpu.memref_squeeze %dma_wait3A_324 : memref<1x80xi32, #tpu.memory_space<vmem>> -> memref<80xi32, #tpu.memory_space<vmem>>
      %dma_wait3A_326 = arith.constant 0 : i32
      %dma_wait3A_327 = arith.constant 0 : i32
      %dma_wait3A_328 = tpu.memref_slice %arg7[%dma_wait3A_326, %dma_wait3A_327] : memref<10240x128xf32, #tpu.memory_space<vmem_shared>> -> memref<10240x128xf32, #tpu.memory_space<vmem_shared>>
      tpu.wait_indirect_dma semaphore(%arg21 : memref<!tpu.dma_semaphore, #tpu.memory_space<semaphore_mem>>) src(%arg13 : memref<80x128xf32, #tpu.memory_space<vmem>>) dst(%dma_wait3A_328 : memref<10240x128xf32, #tpu.memory_space<vmem_shared>>)
      %dma_start3A_329 = arith.constant 11 : i32
      %dma_start3A_330 = arith.constant 0 : i32
      %dma_start3A_331 = tpu.memref_slice %arg8[%dma_start3A_329, %dma_start3A_330] : memref<25x80xi32, #tpu.memory_space<vmem>> -> memref<1x80xi32, #tpu.memory_space<vmem>>
      %dma_start3A_332 = tpu.memref_squeeze %dma_start3A_331 : memref<1x80xi32, #tpu.memory_space<vmem>> -> memref<80xi32, #tpu.memory_space<vmem>>
      %dma_start3A_333 = arith.constant 0 : i32
      %dma_start3A_334 = arith.constant 0 : i32
      %dma_start3A_335 = tpu.memref_slice %arg2[%arg0, %dma_start3A_333, %dma_start3A_334] : memref<2x10000x128xf32, #tpu.memory_space<hbm>> -> memref<1x10000x128xf32, #tpu.memory_space<hbm>>
      %dma_start3A_336 = tpu.memref_squeeze %dma_start3A_335 : memref<1x10000x128xf32, #tpu.memory_space<hbm>> -> memref<10000x128xf32, #tpu.memory_space<hbm>>
      %dma_start3A_337 = arith.constant 0 : i32
      %dma_start3A_338 = arith.constant 0 : i32
      %dma_start3A_339 = tpu.memref_slice %dma_start3A_336[%dma_start3A_337, %dma_start3A_338] : memref<10000x128xf32, #tpu.memory_space<hbm>> -> memref<10000x128xf32, #tpu.memory_space<hbm>>
      tpu.enqueue_indirect_dma source(%dma_start3A_339 : memref<10000x128xf32, #tpu.memory_space<hbm>>) target(%arg13 : memref<80x128xf32, #tpu.memory_space<vmem>>) offsets(%dma_start3A_332 : memref<80xi32, #tpu.memory_space<vmem>>) semaphore(%arg17 : memref<!tpu.dma_semaphore, #tpu.memory_space<semaphore_mem>>)
      %dma_wait3A_340 = arith.constant 8 : i32
      %dma_wait3A_341 = arith.constant 0 : i32
      %dma_wait3A_342 = tpu.memref_slice %arg8[%dma_wait3A_340, %dma_wait3A_341] : memref<25x80xi32, #tpu.memory_space<vmem>> -> memref<1x80xi32, #tpu.memory_space<vmem>>
      %dma_wait3A_343 = tpu.memref_squeeze %dma_wait3A_342 : memref<1x80xi32, #tpu.memory_space<vmem>> -> memref<80xi32, #tpu.memory_space<vmem>>
      %dma_wait3A_344 = arith.constant 0 : i32
      %dma_wait3A_345 = arith.constant 0 : i32
      %dma_wait3A_346 = tpu.memref_slice %arg2[%arg0, %dma_wait3A_344, %dma_wait3A_345] : memref<2x10000x128xf32, #tpu.memory_space<hbm>> -> memref<1x10000x128xf32, #tpu.memory_space<hbm>>
      %dma_wait3A_347 = tpu.memref_squeeze %dma_wait3A_346 : memref<1x10000x128xf32, #tpu.memory_space<hbm>> -> memref<10000x128xf32, #tpu.memory_space<hbm>>
      %dma_wait3A_348 = arith.constant 0 : i32
      %dma_wait3A_349 = arith.constant 0 : i32
      %dma_wait3A_350 = tpu.memref_slice %dma_wait3A_347[%dma_wait3A_348, %dma_wait3A_349] : memref<10000x128xf32, #tpu.memory_space<hbm>> -> memref<10000x128xf32, #tpu.memory_space<hbm>>
      tpu.wait_indirect_dma semaphore(%arg14 : memref<!tpu.dma_semaphore, #tpu.memory_space<semaphore_mem>>) src(%dma_wait3A_350 : memref<10000x128xf32, #tpu.memory_space<hbm>>) dst(%arg10 : memref<80x128xf32, #tpu.memory_space<vmem>>)
      %dma_start3A_351 = arith.constant 8 : i32
      %dma_start3A_352 = arith.constant 0 : i32
      %dma_start3A_353 = tpu.memref_slice %arg9[%dma_start3A_351, %dma_start3A_352] : memref<25x80xi32, #tpu.memory_space<vmem>> -> memref<1x80xi32, #tpu.memory_space<vmem>>
      %dma_start3A_354 = tpu.memref_squeeze %dma_start3A_353 : memref<1x80xi32, #tpu.memory_space<vmem>> -> memref<80xi32, #tpu.memory_space<vmem>>
      %dma_start3A_355 = arith.constant 0 : i32
      %dma_start3A_356 = arith.constant 0 : i32
      %dma_start3A_357 = tpu.memref_slice %arg7[%dma_start3A_355, %dma_start3A_356] : memref<10240x128xf32, #tpu.memory_space<vmem_shared>> -> memref<10240x128xf32, #tpu.memory_space<vmem_shared>>
      tpu.enqueue_indirect_dma source(%arg10 : memref<80x128xf32, #tpu.memory_space<vmem>>) target(%dma_start3A_357 : memref<10240x128xf32, #tpu.memory_space<vmem_shared>>) offsets(%dma_start3A_354 : memref<80xi32, #tpu.memory_space<vmem>>) semaphore(%arg18 : memref<!tpu.dma_semaphore, #tpu.memory_space<semaphore_mem>>) {add = true}
      %dma_wait3A_358 = arith.constant 8 : i32
      %dma_wait3A_359 = arith.constant 0 : i32
      %dma_wait3A_360 = tpu.memref_slice %arg9[%dma_wait3A_358, %dma_wait3A_359] : memref<25x80xi32, #tpu.memory_space<vmem>> -> memref<1x80xi32, #tpu.memory_space<vmem>>
      %dma_wait3A_361 = tpu.memref_squeeze %dma_wait3A_360 : memref<1x80xi32, #tpu.memory_space<vmem>> -> memref<80xi32, #tpu.memory_space<vmem>>
      %dma_wait3A_362 = arith.constant 0 : i32
      %dma_wait3A_363 = arith.constant 0 : i32
      %dma_wait3A_364 = tpu.memref_slice %arg7[%dma_wait3A_362, %dma_wait3A_363] : memref<10240x128xf32, #tpu.memory_space<vmem_shared>> -> memref<10240x128xf32, #tpu.memory_space<vmem_shared>>
      tpu.wait_indirect_dma semaphore(%arg18 : memref<!tpu.dma_semaphore, #tpu.memory_space<semaphore_mem>>) src(%arg10 : memref<80x128xf32, #tpu.memory_space<vmem>>) dst(%dma_wait3A_364 : memref<10240x128xf32, #tpu.memory_space<vmem_shared>>)
      %dma_start3A_365 = arith.constant 12 : i32
      %dma_start3A_366 = arith.constant 0 : i32
      %dma_start3A_367 = tpu.memref_slice %arg8[%dma_start3A_365, %dma_start3A_366] : memref<25x80xi32, #tpu.memory_space<vmem>> -> memref<1x80xi32, #tpu.memory_space<vmem>>
      %dma_start3A_368 = tpu.memref_squeeze %dma_start3A_367 : memref<1x80xi32, #tpu.memory_space<vmem>> -> memref<80xi32, #tpu.memory_space<vmem>>
      %dma_start3A_369 = arith.constant 0 : i32
      %dma_start3A_370 = arith.constant 0 : i32
      %dma_start3A_371 = tpu.memref_slice %arg2[%arg0, %dma_start3A_369, %dma_start3A_370] : memref<2x10000x128xf32, #tpu.memory_space<hbm>> -> memref<1x10000x128xf32, #tpu.memory_space<hbm>>
      %dma_start3A_372 = tpu.memref_squeeze %dma_start3A_371 : memref<1x10000x128xf32, #tpu.memory_space<hbm>> -> memref<10000x128xf32, #tpu.memory_space<hbm>>
      %dma_start3A_373 = arith.constant 0 : i32
      %dma_start3A_374 = arith.constant 0 : i32
      %dma_start3A_375 = tpu.memref_slice %dma_start3A_372[%dma_start3A_373, %dma_start3A_374] : memref<10000x128xf32, #tpu.memory_space<hbm>> -> memref<10000x128xf32, #tpu.memory_space<hbm>>
      tpu.enqueue_indirect_dma source(%dma_start3A_375 : memref<10000x128xf32, #tpu.memory_space<hbm>>) target(%arg10 : memref<80x128xf32, #tpu.memory_space<vmem>>) offsets(%dma_start3A_368 : memref<80xi32, #tpu.memory_space<vmem>>) semaphore(%arg14 : memref<!tpu.dma_semaphore, #tpu.memory_space<semaphore_mem>>)
      %dma_wait3A_376 = arith.constant 9 : i32
      %dma_wait3A_377 = arith.constant 0 : i32
      %dma_wait3A_378 = tpu.memref_slice %arg8[%dma_wait3A_376, %dma_wait3A_377] : memref<25x80xi32, #tpu.memory_space<vmem>> -> memref<1x80xi32, #tpu.memory_space<vmem>>
      %dma_wait3A_379 = tpu.memref_squeeze %dma_wait3A_378 : memref<1x80xi32, #tpu.memory_space<vmem>> -> memref<80xi32, #tpu.memory_space<vmem>>
      %dma_wait3A_380 = arith.constant 0 : i32
      %dma_wait3A_381 = arith.constant 0 : i32
      %dma_wait3A_382 = tpu.memref_slice %arg2[%arg0, %dma_wait3A_380, %dma_wait3A_381] : memref<2x10000x128xf32, #tpu.memory_space<hbm>> -> memref<1x10000x128xf32, #tpu.memory_space<hbm>>
      %dma_wait3A_383 = tpu.memref_squeeze %dma_wait3A_382 : memref<1x10000x128xf32, #tpu.memory_space<hbm>> -> memref<10000x128xf32, #tpu.memory_space<hbm>>
      %dma_wait3A_384 = arith.constant 0 : i32
      %dma_wait3A_385 = arith.constant 0 : i32
      %dma_wait3A_386 = tpu.memref_slice %dma_wait3A_383[%dma_wait3A_384, %dma_wait3A_385] : memref<10000x128xf32, #tpu.memory_space<hbm>> -> memref<10000x128xf32, #tpu.memory_space<hbm>>
      tpu.wait_indirect_dma semaphore(%arg15 : memref<!tpu.dma_semaphore, #tpu.memory_space<semaphore_mem>>) src(%dma_wait3A_386 : memref<10000x128xf32, #tpu.memory_space<hbm>>) dst(%arg11 : memref<80x128xf32, #tpu.memory_space<vmem>>)
      %dma_start3A_387 = arith.constant 9 : i32
      %dma_start3A_388 = arith.constant 0 : i32
      %dma_start3A_389 = tpu.memref_slice %arg9[%dma_start3A_387, %dma_start3A_388] : memref<25x80xi32, #tpu.memory_space<vmem>> -> memref<1x80xi32, #tpu.memory_space<vmem>>
      %dma_start3A_390 = tpu.memref_squeeze %dma_start3A_389 : memref<1x80xi32, #tpu.memory_space<vmem>> -> memref<80xi32, #tpu.memory_space<vmem>>
      %dma_start3A_391 = arith.constant 0 : i32
      %dma_start3A_392 = arith.constant 0 : i32
      %dma_start3A_393 = tpu.memref_slice %arg7[%dma_start3A_391, %dma_start3A_392] : memref<10240x128xf32, #tpu.memory_space<vmem_shared>> -> memref<10240x128xf32, #tpu.memory_space<vmem_shared>>
      tpu.enqueue_indirect_dma source(%arg11 : memref<80x128xf32, #tpu.memory_space<vmem>>) target(%dma_start3A_393 : memref<10240x128xf32, #tpu.memory_space<vmem_shared>>) offsets(%dma_start3A_390 : memref<80xi32, #tpu.memory_space<vmem>>) semaphore(%arg19 : memref<!tpu.dma_semaphore, #tpu.memory_space<semaphore_mem>>) {add = true}
      %dma_wait3A_394 = arith.constant 9 : i32
      %dma_wait3A_395 = arith.constant 0 : i32
      %dma_wait3A_396 = tpu.memref_slice %arg9[%dma_wait3A_394, %dma_wait3A_395] : memref<25x80xi32, #tpu.memory_space<vmem>> -> memref<1x80xi32, #tpu.memory_space<vmem>>
      %dma_wait3A_397 = tpu.memref_squeeze %dma_wait3A_396 : memref<1x80xi32, #tpu.memory_space<vmem>> -> memref<80xi32, #tpu.memory_space<vmem>>
      %dma_wait3A_398 = arith.constant 0 : i32
      %dma_wait3A_399 = arith.constant 0 : i32
      %dma_wait3A_400 = tpu.memref_slice %arg7[%dma_wait3A_398, %dma_wait3A_399] : memref<10240x128xf32, #tpu.memory_space<vmem_shared>> -> memref<10240x128xf32, #tpu.memory_space<vmem_shared>>
      tpu.wait_indirect_dma semaphore(%arg19 : memref<!tpu.dma_semaphore, #tpu.memory_space<semaphore_mem>>) src(%arg11 : memref<80x128xf32, #tpu.memory_space<vmem>>) dst(%dma_wait3A_400 : memref<10240x128xf32, #tpu.memory_space<vmem_shared>>)
      %dma_start3A_401 = arith.constant 13 : i32
      %dma_start3A_402 = arith.constant 0 : i32
      %dma_start3A_403 = tpu.memref_slice %arg8[%dma_start3A_401, %dma_start3A_402] : memref<25x80xi32, #tpu.memory_space<vmem>> -> memref<1x80xi32, #tpu.memory_space<vmem>>
      %dma_start3A_404 = tpu.memref_squeeze %dma_start3A_403 : memref<1x80xi32, #tpu.memory_space<vmem>> -> memref<80xi32, #tpu.memory_space<vmem>>
      %dma_start3A_405 = arith.constant 0 : i32
      %dma_start3A_406 = arith.constant 0 : i32
      %dma_start3A_407 = tpu.memref_slice %arg2[%arg0, %dma_start3A_405, %dma_start3A_406] : memref<2x10000x128xf32, #tpu.memory_space<hbm>> -> memref<1x10000x128xf32, #tpu.memory_space<hbm>>
      %dma_start3A_408 = tpu.memref_squeeze %dma_start3A_407 : memref<1x10000x128xf32, #tpu.memory_space<hbm>> -> memref<10000x128xf32, #tpu.memory_space<hbm>>
      %dma_start3A_409 = arith.constant 0 : i32
      %dma_start3A_410 = arith.constant 0 : i32
      %dma_start3A_411 = tpu.memref_slice %dma_start3A_408[%dma_start3A_409, %dma_start3A_410] : memref<10000x128xf32, #tpu.memory_space<hbm>> -> memref<10000x128xf32, #tpu.memory_space<hbm>>
      tpu.enqueue_indirect_dma source(%dma_start3A_411 : memref<10000x128xf32, #tpu.memory_space<hbm>>) target(%arg11 : memref<80x128xf32, #tpu.memory_space<vmem>>) offsets(%dma_start3A_404 : memref<80xi32, #tpu.memory_space<vmem>>) semaphore(%arg15 : memref<!tpu.dma_semaphore, #tpu.memory_space<semaphore_mem>>)
      %dma_wait3A_412 = arith.constant 10 : i32
      %dma_wait3A_413 = arith.constant 0 : i32
      %dma_wait3A_414 = tpu.memref_slice %arg8[%dma_wait3A_412, %dma_wait3A_413] : memref<25x80xi32, #tpu.memory_space<vmem>> -> memref<1x80xi32, #tpu.memory_space<vmem>>
      %dma_wait3A_415 = tpu.memref_squeeze %dma_wait3A_414 : memref<1x80xi32, #tpu.memory_space<vmem>> -> memref<80xi32, #tpu.memory_space<vmem>>
      %dma_wait3A_416 = arith.constant 0 : i32
      %dma_wait3A_417 = arith.constant 0 : i32
      %dma_wait3A_418 = tpu.memref_slice %arg2[%arg0, %dma_wait3A_416, %dma_wait3A_417] : memref<2x10000x128xf32, #tpu.memory_space<hbm>> -> memref<1x10000x128xf32, #tpu.memory_space<hbm>>
      %dma_wait3A_419 = tpu.memref_squeeze %dma_wait3A_418 : memref<1x10000x128xf32, #tpu.memory_space<hbm>> -> memref<10000x128xf32, #tpu.memory_space<hbm>>
      %dma_wait3A_420 = arith.constant 0 : i32
      %dma_wait3A_421 = arith.constant 0 : i32
      %dma_wait3A_422 = tpu.memref_slice %dma_wait3A_419[%dma_wait3A_420, %dma_wait3A_421] : memref<10000x128xf32, #tpu.memory_space<hbm>> -> memref<10000x128xf32, #tpu.memory_space<hbm>>
      tpu.wait_indirect_dma semaphore(%arg16 : memref<!tpu.dma_semaphore, #tpu.memory_space<semaphore_mem>>) src(%dma_wait3A_422 : memref<10000x128xf32, #tpu.memory_space<hbm>>) dst(%arg12 : memref<80x128xf32, #tpu.memory_space<vmem>>)
      %dma_start3A_423 = arith.constant 10 : i32
      %dma_start3A_424 = arith.constant 0 : i32
      %dma_start3A_425 = tpu.memref_slice %arg9[%dma_start3A_423, %dma_start3A_424] : memref<25x80xi32, #tpu.memory_space<vmem>> -> memref<1x80xi32, #tpu.memory_space<vmem>>
      %dma_start3A_426 = tpu.memref_squeeze %dma_start3A_425 : memref<1x80xi32, #tpu.memory_space<vmem>> -> memref<80xi32, #tpu.memory_space<vmem>>
      %dma_start3A_427 = arith.constant 0 : i32
      %dma_start3A_428 = arith.constant 0 : i32
      %dma_start3A_429 = tpu.memref_slice %arg7[%dma_start3A_427, %dma_start3A_428] : memref<10240x128xf32, #tpu.memory_space<vmem_shared>> -> memref<10240x128xf32, #tpu.memory_space<vmem_shared>>
      tpu.enqueue_indirect_dma source(%arg12 : memref<80x128xf32, #tpu.memory_space<vmem>>) target(%dma_start3A_429 : memref<10240x128xf32, #tpu.memory_space<vmem_shared>>) offsets(%dma_start3A_426 : memref<80xi32, #tpu.memory_space<vmem>>) semaphore(%arg20 : memref<!tpu.dma_semaphore, #tpu.memory_space<semaphore_mem>>) {add = true}
      %dma_wait3A_430 = arith.constant 10 : i32
      %dma_wait3A_431 = arith.constant 0 : i32
      %dma_wait3A_432 = tpu.memref_slice %arg9[%dma_wait3A_430, %dma_wait3A_431] : memref<25x80xi32, #tpu.memory_space<vmem>> -> memref<1x80xi32, #tpu.memory_space<vmem>>
      %dma_wait3A_433 = tpu.memref_squeeze %dma_wait3A_432 : memref<1x80xi32, #tpu.memory_space<vmem>> -> memref<80xi32, #tpu.memory_space<vmem>>
      %dma_wait3A_434 = arith.constant 0 : i32
      %dma_wait3A_435 = arith.constant 0 : i32
      %dma_wait3A_436 = tpu.memref_slice %arg7[%dma_wait3A_434, %dma_wait3A_435] : memref<10240x128xf32, #tpu.memory_space<vmem_shared>> -> memref<10240x128xf32, #tpu.memory_space<vmem_shared>>
      tpu.wait_indirect_dma semaphore(%arg20 : memref<!tpu.dma_semaphore, #tpu.memory_space<semaphore_mem>>) src(%arg12 : memref<80x128xf32, #tpu.memory_space<vmem>>) dst(%dma_wait3A_436 : memref<10240x128xf32, #tpu.memory_space<vmem_shared>>)
      %dma_start3A_437 = arith.constant 14 : i32
      %dma_start3A_438 = arith.constant 0 : i32
      %dma_start3A_439 = tpu.memref_slice %arg8[%dma_start3A_437, %dma_start3A_438] : memref<25x80xi32, #tpu.memory_space<vmem>> -> memref<1x80xi32, #tpu.memory_space<vmem>>
      %dma_start3A_440 = tpu.memref_squeeze %dma_start3A_439 : memref<1x80xi32, #tpu.memory_space<vmem>> -> memref<80xi32, #tpu.memory_space<vmem>>
      %dma_start3A_441 = arith.constant 0 : i32
      %dma_start3A_442 = arith.constant 0 : i32
      %dma_start3A_443 = tpu.memref_slice %arg2[%arg0, %dma_start3A_441, %dma_start3A_442] : memref<2x10000x128xf32, #tpu.memory_space<hbm>> -> memref<1x10000x128xf32, #tpu.memory_space<hbm>>
      %dma_start3A_444 = tpu.memref_squeeze %dma_start3A_443 : memref<1x10000x128xf32, #tpu.memory_space<hbm>> -> memref<10000x128xf32, #tpu.memory_space<hbm>>
      %dma_start3A_445 = arith.constant 0 : i32
      %dma_start3A_446 = arith.constant 0 : i32
      %dma_start3A_447 = tpu.memref_slice %dma_start3A_444[%dma_start3A_445, %dma_start3A_446] : memref<10000x128xf32, #tpu.memory_space<hbm>> -> memref<10000x128xf32, #tpu.memory_space<hbm>>
      tpu.enqueue_indirect_dma source(%dma_start3A_447 : memref<10000x128xf32, #tpu.memory_space<hbm>>) target(%arg12 : memref<80x128xf32, #tpu.memory_space<vmem>>) offsets(%dma_start3A_440 : memref<80xi32, #tpu.memory_space<vmem>>) semaphore(%arg16 : memref<!tpu.dma_semaphore, #tpu.memory_space<semaphore_mem>>)
      %dma_wait3A_448 = arith.constant 11 : i32
      %dma_wait3A_449 = arith.constant 0 : i32
      %dma_wait3A_450 = tpu.memref_slice %arg8[%dma_wait3A_448, %dma_wait3A_449] : memref<25x80xi32, #tpu.memory_space<vmem>> -> memref<1x80xi32, #tpu.memory_space<vmem>>
      %dma_wait3A_451 = tpu.memref_squeeze %dma_wait3A_450 : memref<1x80xi32, #tpu.memory_space<vmem>> -> memref<80xi32, #tpu.memory_space<vmem>>
      %dma_wait3A_452 = arith.constant 0 : i32
      %dma_wait3A_453 = arith.constant 0 : i32
      %dma_wait3A_454 = tpu.memref_slice %arg2[%arg0, %dma_wait3A_452, %dma_wait3A_453] : memref<2x10000x128xf32, #tpu.memory_space<hbm>> -> memref<1x10000x128xf32, #tpu.memory_space<hbm>>
      %dma_wait3A_455 = tpu.memref_squeeze %dma_wait3A_454 : memref<1x10000x128xf32, #tpu.memory_space<hbm>> -> memref<10000x128xf32, #tpu.memory_space<hbm>>
      %dma_wait3A_456 = arith.constant 0 : i32
      %dma_wait3A_457 = arith.constant 0 : i32
      %dma_wait3A_458 = tpu.memref_slice %dma_wait3A_455[%dma_wait3A_456, %dma_wait3A_457] : memref<10000x128xf32, #tpu.memory_space<hbm>> -> memref<10000x128xf32, #tpu.memory_space<hbm>>
      tpu.wait_indirect_dma semaphore(%arg17 : memref<!tpu.dma_semaphore, #tpu.memory_space<semaphore_mem>>) src(%dma_wait3A_458 : memref<10000x128xf32, #tpu.memory_space<hbm>>) dst(%arg13 : memref<80x128xf32, #tpu.memory_space<vmem>>)
      %dma_start3A_459 = arith.constant 11 : i32
      %dma_start3A_460 = arith.constant 0 : i32
      %dma_start3A_461 = tpu.memref_slice %arg9[%dma_start3A_459, %dma_start3A_460] : memref<25x80xi32, #tpu.memory_space<vmem>> -> memref<1x80xi32, #tpu.memory_space<vmem>>
      %dma_start3A_462 = tpu.memref_squeeze %dma_start3A_461 : memref<1x80xi32, #tpu.memory_space<vmem>> -> memref<80xi32, #tpu.memory_space<vmem>>
      %dma_start3A_463 = arith.constant 0 : i32
      %dma_start3A_464 = arith.constant 0 : i32
      %dma_start3A_465 = tpu.memref_slice %arg7[%dma_start3A_463, %dma_start3A_464] : memref<10240x128xf32, #tpu.memory_space<vmem_shared>> -> memref<10240x128xf32, #tpu.memory_space<vmem_shared>>
      tpu.enqueue_indirect_dma source(%arg13 : memref<80x128xf32, #tpu.memory_space<vmem>>) target(%dma_start3A_465 : memref<10240x128xf32, #tpu.memory_space<vmem_shared>>) offsets(%dma_start3A_462 : memref<80xi32, #tpu.memory_space<vmem>>) semaphore(%arg21 : memref<!tpu.dma_semaphore, #tpu.memory_space<semaphore_mem>>) {add = true}
      %dma_wait3A_466 = arith.constant 11 : i32
      %dma_wait3A_467 = arith.constant 0 : i32
      %dma_wait3A_468 = tpu.memref_slice %arg9[%dma_wait3A_466, %dma_wait3A_467] : memref<25x80xi32, #tpu.memory_space<vmem>> -> memref<1x80xi32, #tpu.memory_space<vmem>>
      %dma_wait3A_469 = tpu.memref_squeeze %dma_wait3A_468 : memref<1x80xi32, #tpu.memory_space<vmem>> -> memref<80xi32, #tpu.memory_space<vmem>>
      %dma_wait3A_470 = arith.constant 0 : i32
      %dma_wait3A_471 = arith.constant 0 : i32
      %dma_wait3A_472 = tpu.memref_slice %arg7[%dma_wait3A_470, %dma_wait3A_471] : memref<10240x128xf32, #tpu.memory_space<vmem_shared>> -> memref<10240x128xf32, #tpu.memory_space<vmem_shared>>
      tpu.wait_indirect_dma semaphore(%arg21 : memref<!tpu.dma_semaphore, #tpu.memory_space<semaphore_mem>>) src(%arg13 : memref<80x128xf32, #tpu.memory_space<vmem>>) dst(%dma_wait3A_472 : memref<10240x128xf32, #tpu.memory_space<vmem_shared>>)
      %dma_start3A_473 = arith.constant 15 : i32
      %dma_start3A_474 = arith.constant 0 : i32
      %dma_start3A_475 = tpu.memref_slice %arg8[%dma_start3A_473, %dma_start3A_474] : memref<25x80xi32, #tpu.memory_space<vmem>> -> memref<1x80xi32, #tpu.memory_space<vmem>>
      %dma_start3A_476 = tpu.memref_squeeze %dma_start3A_475 : memref<1x80xi32, #tpu.memory_space<vmem>> -> memref<80xi32, #tpu.memory_space<vmem>>
      %dma_start3A_477 = arith.constant 0 : i32
      %dma_start3A_478 = arith.constant 0 : i32
      %dma_start3A_479 = tpu.memref_slice %arg2[%arg0, %dma_start3A_477, %dma_start3A_478] : memref<2x10000x128xf32, #tpu.memory_space<hbm>> -> memref<1x10000x128xf32, #tpu.memory_space<hbm>>
      %dma_start3A_480 = tpu.memref_squeeze %dma_start3A_479 : memref<1x10000x128xf32, #tpu.memory_space<hbm>> -> memref<10000x128xf32, #tpu.memory_space<hbm>>
      %dma_start3A_481 = arith.constant 0 : i32
      %dma_start3A_482 = arith.constant 0 : i32
      %dma_start3A_483 = tpu.memref_slice %dma_start3A_480[%dma_start3A_481, %dma_start3A_482] : memref<10000x128xf32, #tpu.memory_space<hbm>> -> memref<10000x128xf32, #tpu.memory_space<hbm>>
      tpu.enqueue_indirect_dma source(%dma_start3A_483 : memref<10000x128xf32, #tpu.memory_space<hbm>>) target(%arg13 : memref<80x128xf32, #tpu.memory_space<vmem>>) offsets(%dma_start3A_476 : memref<80xi32, #tpu.memory_space<vmem>>) semaphore(%arg17 : memref<!tpu.dma_semaphore, #tpu.memory_space<semaphore_mem>>)
      %dma_wait3A_484 = arith.constant 12 : i32
      %dma_wait3A_485 = arith.constant 0 : i32
      %dma_wait3A_486 = tpu.memref_slice %arg8[%dma_wait3A_484, %dma_wait3A_485] : memref<25x80xi32, #tpu.memory_space<vmem>> -> memref<1x80xi32, #tpu.memory_space<vmem>>
      %dma_wait3A_487 = tpu.memref_squeeze %dma_wait3A_486 : memref<1x80xi32, #tpu.memory_space<vmem>> -> memref<80xi32, #tpu.memory_space<vmem>>
      %dma_wait3A_488 = arith.constant 0 : i32
      %dma_wait3A_489 = arith.constant 0 : i32
      %dma_wait3A_490 = tpu.memref_slice %arg2[%arg0, %dma_wait3A_488, %dma_wait3A_489] : memref<2x10000x128xf32, #tpu.memory_space<hbm>> -> memref<1x10000x128xf32, #tpu.memory_space<hbm>>
      %dma_wait3A_491 = tpu.memref_squeeze %dma_wait3A_490 : memref<1x10000x128xf32, #tpu.memory_space<hbm>> -> memref<10000x128xf32, #tpu.memory_space<hbm>>
      %dma_wait3A_492 = arith.constant 0 : i32
      %dma_wait3A_493 = arith.constant 0 : i32
      %dma_wait3A_494 = tpu.memref_slice %dma_wait3A_491[%dma_wait3A_492, %dma_wait3A_493] : memref<10000x128xf32, #tpu.memory_space<hbm>> -> memref<10000x128xf32, #tpu.memory_space<hbm>>
      tpu.wait_indirect_dma semaphore(%arg14 : memref<!tpu.dma_semaphore, #tpu.memory_space<semaphore_mem>>) src(%dma_wait3A_494 : memref<10000x128xf32, #tpu.memory_space<hbm>>) dst(%arg10 : memref<80x128xf32, #tpu.memory_space<vmem>>)
      %dma_start3A_495 = arith.constant 12 : i32
      %dma_start3A_496 = arith.constant 0 : i32
      %dma_start3A_497 = tpu.memref_slice %arg9[%dma_start3A_495, %dma_start3A_496] : memref<25x80xi32, #tpu.memory_space<vmem>> -> memref<1x80xi32, #tpu.memory_space<vmem>>
      %dma_start3A_498 = tpu.memref_squeeze %dma_start3A_497 : memref<1x80xi32, #tpu.memory_space<vmem>> -> memref<80xi32, #tpu.memory_space<vmem>>
      %dma_start3A_499 = arith.constant 0 : i32
      %dma_start3A_500 = arith.constant 0 : i32
      %dma_start3A_501 = tpu.memref_slice %arg7[%dma_start3A_499, %dma_start3A_500] : memref<10240x128xf32, #tpu.memory_space<vmem_shared>> -> memref<10240x128xf32, #tpu.memory_space<vmem_shared>>
      tpu.enqueue_indirect_dma source(%arg10 : memref<80x128xf32, #tpu.memory_space<vmem>>) target(%dma_start3A_501 : memref<10240x128xf32, #tpu.memory_space<vmem_shared>>) offsets(%dma_start3A_498 : memref<80xi32, #tpu.memory_space<vmem>>) semaphore(%arg18 : memref<!tpu.dma_semaphore, #tpu.memory_space<semaphore_mem>>) {add = true}
      %dma_wait3A_502 = arith.constant 12 : i32
      %dma_wait3A_503 = arith.constant 0 : i32
      %dma_wait3A_504 = tpu.memref_slice %arg9[%dma_wait3A_502, %dma_wait3A_503] : memref<25x80xi32, #tpu.memory_space<vmem>> -> memref<1x80xi32, #tpu.memory_space<vmem>>
      %dma_wait3A_505 = tpu.memref_squeeze %dma_wait3A_504 : memref<1x80xi32, #tpu.memory_space<vmem>> -> memref<80xi32, #tpu.memory_space<vmem>>
      %dma_wait3A_506 = arith.constant 0 : i32
      %dma_wait3A_507 = arith.constant 0 : i32
      %dma_wait3A_508 = tpu.memref_slice %arg7[%dma_wait3A_506, %dma_wait3A_507] : memref<10240x128xf32, #tpu.memory_space<vmem_shared>> -> memref<10240x128xf32, #tpu.memory_space<vmem_shared>>
      tpu.wait_indirect_dma semaphore(%arg18 : memref<!tpu.dma_semaphore, #tpu.memory_space<semaphore_mem>>) src(%arg10 : memref<80x128xf32, #tpu.memory_space<vmem>>) dst(%dma_wait3A_508 : memref<10240x128xf32, #tpu.memory_space<vmem_shared>>)
      %dma_start3A_509 = arith.constant 16 : i32
      %dma_start3A_510 = arith.constant 0 : i32
      %dma_start3A_511 = tpu.memref_slice %arg8[%dma_start3A_509, %dma_start3A_510] : memref<25x80xi32, #tpu.memory_space<vmem>> -> memref<1x80xi32, #tpu.memory_space<vmem>>
      %dma_start3A_512 = tpu.memref_squeeze %dma_start3A_511 : memref<1x80xi32, #tpu.memory_space<vmem>> -> memref<80xi32, #tpu.memory_space<vmem>>
      %dma_start3A_513 = arith.constant 0 : i32
      %dma_start3A_514 = arith.constant 0 : i32
      %dma_start3A_515 = tpu.memref_slice %arg2[%arg0, %dma_start3A_513, %dma_start3A_514] : memref<2x10000x128xf32, #tpu.memory_space<hbm>> -> memref<1x10000x128xf32, #tpu.memory_space<hbm>>
      %dma_start3A_516 = tpu.memref_squeeze %dma_start3A_515 : memref<1x10000x128xf32, #tpu.memory_space<hbm>> -> memref<10000x128xf32, #tpu.memory_space<hbm>>
      %dma_start3A_517 = arith.constant 0 : i32
      %dma_start3A_518 = arith.constant 0 : i32
      %dma_start3A_519 = tpu.memref_slice %dma_start3A_516[%dma_start3A_517, %dma_start3A_518] : memref<10000x128xf32, #tpu.memory_space<hbm>> -> memref<10000x128xf32, #tpu.memory_space<hbm>>
      tpu.enqueue_indirect_dma source(%dma_start3A_519 : memref<10000x128xf32, #tpu.memory_space<hbm>>) target(%arg10 : memref<80x128xf32, #tpu.memory_space<vmem>>) offsets(%dma_start3A_512 : memref<80xi32, #tpu.memory_space<vmem>>) semaphore(%arg14 : memref<!tpu.dma_semaphore, #tpu.memory_space<semaphore_mem>>)
      %dma_wait3A_520 = arith.constant 13 : i32
      %dma_wait3A_521 = arith.constant 0 : i32
      %dma_wait3A_522 = tpu.memref_slice %arg8[%dma_wait3A_520, %dma_wait3A_521] : memref<25x80xi32, #tpu.memory_space<vmem>> -> memref<1x80xi32, #tpu.memory_space<vmem>>
      %dma_wait3A_523 = tpu.memref_squeeze %dma_wait3A_522 : memref<1x80xi32, #tpu.memory_space<vmem>> -> memref<80xi32, #tpu.memory_space<vmem>>
      %dma_wait3A_524 = arith.constant 0 : i32
      %dma_wait3A_525 = arith.constant 0 : i32
      %dma_wait3A_526 = tpu.memref_slice %arg2[%arg0, %dma_wait3A_524, %dma_wait3A_525] : memref<2x10000x128xf32, #tpu.memory_space<hbm>> -> memref<1x10000x128xf32, #tpu.memory_space<hbm>>
      %dma_wait3A_527 = tpu.memref_squeeze %dma_wait3A_526 : memref<1x10000x128xf32, #tpu.memory_space<hbm>> -> memref<10000x128xf32, #tpu.memory_space<hbm>>
      %dma_wait3A_528 = arith.constant 0 : i32
      %dma_wait3A_529 = arith.constant 0 : i32
      %dma_wait3A_530 = tpu.memref_slice %dma_wait3A_527[%dma_wait3A_528, %dma_wait3A_529] : memref<10000x128xf32, #tpu.memory_space<hbm>> -> memref<10000x128xf32, #tpu.memory_space<hbm>>
      tpu.wait_indirect_dma semaphore(%arg15 : memref<!tpu.dma_semaphore, #tpu.memory_space<semaphore_mem>>) src(%dma_wait3A_530 : memref<10000x128xf32, #tpu.memory_space<hbm>>) dst(%arg11 : memref<80x128xf32, #tpu.memory_space<vmem>>)
      %dma_start3A_531 = arith.constant 13 : i32
      %dma_start3A_532 = arith.constant 0 : i32
      %dma_start3A_533 = tpu.memref_slice %arg9[%dma_start3A_531, %dma_start3A_532] : memref<25x80xi32, #tpu.memory_space<vmem>> -> memref<1x80xi32, #tpu.memory_space<vmem>>
      %dma_start3A_534 = tpu.memref_squeeze %dma_start3A_533 : memref<1x80xi32, #tpu.memory_space<vmem>> -> memref<80xi32, #tpu.memory_space<vmem>>
      %dma_start3A_535 = arith.constant 0 : i32
      %dma_start3A_536 = arith.constant 0 : i32
      %dma_start3A_537 = tpu.memref_slice %arg7[%dma_start3A_535, %dma_start3A_536] : memref<10240x128xf32, #tpu.memory_space<vmem_shared>> -> memref<10240x128xf32, #tpu.memory_space<vmem_shared>>
      tpu.enqueue_indirect_dma source(%arg11 : memref<80x128xf32, #tpu.memory_space<vmem>>) target(%dma_start3A_537 : memref<10240x128xf32, #tpu.memory_space<vmem_shared>>) offsets(%dma_start3A_534 : memref<80xi32, #tpu.memory_space<vmem>>) semaphore(%arg19 : memref<!tpu.dma_semaphore, #tpu.memory_space<semaphore_mem>>) {add = true}
      %dma_wait3A_538 = arith.constant 13 : i32
      %dma_wait3A_539 = arith.constant 0 : i32
      %dma_wait3A_540 = tpu.memref_slice %arg9[%dma_wait3A_538, %dma_wait3A_539] : memref<25x80xi32, #tpu.memory_space<vmem>> -> memref<1x80xi32, #tpu.memory_space<vmem>>
      %dma_wait3A_541 = tpu.memref_squeeze %dma_wait3A_540 : memref<1x80xi32, #tpu.memory_space<vmem>> -> memref<80xi32, #tpu.memory_space<vmem>>
      %dma_wait3A_542 = arith.constant 0 : i32
      %dma_wait3A_543 = arith.constant 0 : i32
      %dma_wait3A_544 = tpu.memref_slice %arg7[%dma_wait3A_542, %dma_wait3A_543] : memref<10240x128xf32, #tpu.memory_space<vmem_shared>> -> memref<10240x128xf32, #tpu.memory_space<vmem_shared>>
      tpu.wait_indirect_dma semaphore(%arg19 : memref<!tpu.dma_semaphore, #tpu.memory_space<semaphore_mem>>) src(%arg11 : memref<80x128xf32, #tpu.memory_space<vmem>>) dst(%dma_wait3A_544 : memref<10240x128xf32, #tpu.memory_space<vmem_shared>>)
      %dma_start3A_545 = arith.constant 17 : i32
      %dma_start3A_546 = arith.constant 0 : i32
      %dma_start3A_547 = tpu.memref_slice %arg8[%dma_start3A_545, %dma_start3A_546] : memref<25x80xi32, #tpu.memory_space<vmem>> -> memref<1x80xi32, #tpu.memory_space<vmem>>
      %dma_start3A_548 = tpu.memref_squeeze %dma_start3A_547 : memref<1x80xi32, #tpu.memory_space<vmem>> -> memref<80xi32, #tpu.memory_space<vmem>>
      %dma_start3A_549 = arith.constant 0 : i32
      %dma_start3A_550 = arith.constant 0 : i32
      %dma_start3A_551 = tpu.memref_slice %arg2[%arg0, %dma_start3A_549, %dma_start3A_550] : memref<2x10000x128xf32, #tpu.memory_space<hbm>> -> memref<1x10000x128xf32, #tpu.memory_space<hbm>>
      %dma_start3A_552 = tpu.memref_squeeze %dma_start3A_551 : memref<1x10000x128xf32, #tpu.memory_space<hbm>> -> memref<10000x128xf32, #tpu.memory_space<hbm>>
      %dma_start3A_553 = arith.constant 0 : i32
      %dma_start3A_554 = arith.constant 0 : i32
      %dma_start3A_555 = tpu.memref_slice %dma_start3A_552[%dma_start3A_553, %dma_start3A_554] : memref<10000x128xf32, #tpu.memory_space<hbm>> -> memref<10000x128xf32, #tpu.memory_space<hbm>>
      tpu.enqueue_indirect_dma source(%dma_start3A_555 : memref<10000x128xf32, #tpu.memory_space<hbm>>) target(%arg11 : memref<80x128xf32, #tpu.memory_space<vmem>>) offsets(%dma_start3A_548 : memref<80xi32, #tpu.memory_space<vmem>>) semaphore(%arg15 : memref<!tpu.dma_semaphore, #tpu.memory_space<semaphore_mem>>)
      %dma_wait3A_556 = arith.constant 14 : i32
      %dma_wait3A_557 = arith.constant 0 : i32
      %dma_wait3A_558 = tpu.memref_slice %arg8[%dma_wait3A_556, %dma_wait3A_557] : memref<25x80xi32, #tpu.memory_space<vmem>> -> memref<1x80xi32, #tpu.memory_space<vmem>>
      %dma_wait3A_559 = tpu.memref_squeeze %dma_wait3A_558 : memref<1x80xi32, #tpu.memory_space<vmem>> -> memref<80xi32, #tpu.memory_space<vmem>>
      %dma_wait3A_560 = arith.constant 0 : i32
      %dma_wait3A_561 = arith.constant 0 : i32
      %dma_wait3A_562 = tpu.memref_slice %arg2[%arg0, %dma_wait3A_560, %dma_wait3A_561] : memref<2x10000x128xf32, #tpu.memory_space<hbm>> -> memref<1x10000x128xf32, #tpu.memory_space<hbm>>
      %dma_wait3A_563 = tpu.memref_squeeze %dma_wait3A_562 : memref<1x10000x128xf32, #tpu.memory_space<hbm>> -> memref<10000x128xf32, #tpu.memory_space<hbm>>
      %dma_wait3A_564 = arith.constant 0 : i32
      %dma_wait3A_565 = arith.constant 0 : i32
      %dma_wait3A_566 = tpu.memref_slice %dma_wait3A_563[%dma_wait3A_564, %dma_wait3A_565] : memref<10000x128xf32, #tpu.memory_space<hbm>> -> memref<10000x128xf32, #tpu.memory_space<hbm>>
      tpu.wait_indirect_dma semaphore(%arg16 : memref<!tpu.dma_semaphore, #tpu.memory_space<semaphore_mem>>) src(%dma_wait3A_566 : memref<10000x128xf32, #tpu.memory_space<hbm>>) dst(%arg12 : memref<80x128xf32, #tpu.memory_space<vmem>>)
      %dma_start3A_567 = arith.constant 14 : i32
      %dma_start3A_568 = arith.constant 0 : i32
      %dma_start3A_569 = tpu.memref_slice %arg9[%dma_start3A_567, %dma_start3A_568] : memref<25x80xi32, #tpu.memory_space<vmem>> -> memref<1x80xi32, #tpu.memory_space<vmem>>
      %dma_start3A_570 = tpu.memref_squeeze %dma_start3A_569 : memref<1x80xi32, #tpu.memory_space<vmem>> -> memref<80xi32, #tpu.memory_space<vmem>>
      %dma_start3A_571 = arith.constant 0 : i32
      %dma_start3A_572 = arith.constant 0 : i32
      %dma_start3A_573 = tpu.memref_slice %arg7[%dma_start3A_571, %dma_start3A_572] : memref<10240x128xf32, #tpu.memory_space<vmem_shared>> -> memref<10240x128xf32, #tpu.memory_space<vmem_shared>>
      tpu.enqueue_indirect_dma source(%arg12 : memref<80x128xf32, #tpu.memory_space<vmem>>) target(%dma_start3A_573 : memref<10240x128xf32, #tpu.memory_space<vmem_shared>>) offsets(%dma_start3A_570 : memref<80xi32, #tpu.memory_space<vmem>>) semaphore(%arg20 : memref<!tpu.dma_semaphore, #tpu.memory_space<semaphore_mem>>) {add = true}
      %dma_wait3A_574 = arith.constant 14 : i32
      %dma_wait3A_575 = arith.constant 0 : i32
      %dma_wait3A_576 = tpu.memref_slice %arg9[%dma_wait3A_574, %dma_wait3A_575] : memref<25x80xi32, #tpu.memory_space<vmem>> -> memref<1x80xi32, #tpu.memory_space<vmem>>
      %dma_wait3A_577 = tpu.memref_squeeze %dma_wait3A_576 : memref<1x80xi32, #tpu.memory_space<vmem>> -> memref<80xi32, #tpu.memory_space<vmem>>
      %dma_wait3A_578 = arith.constant 0 : i32
      %dma_wait3A_579 = arith.constant 0 : i32
      %dma_wait3A_580 = tpu.memref_slice %arg7[%dma_wait3A_578, %dma_wait3A_579] : memref<10240x128xf32, #tpu.memory_space<vmem_shared>> -> memref<10240x128xf32, #tpu.memory_space<vmem_shared>>
      tpu.wait_indirect_dma semaphore(%arg20 : memref<!tpu.dma_semaphore, #tpu.memory_space<semaphore_mem>>) src(%arg12 : memref<80x128xf32, #tpu.memory_space<vmem>>) dst(%dma_wait3A_580 : memref<10240x128xf32, #tpu.memory_space<vmem_shared>>)
      %dma_start3A_581 = arith.constant 18 : i32
      %dma_start3A_582 = arith.constant 0 : i32
      %dma_start3A_583 = tpu.memref_slice %arg8[%dma_start3A_581, %dma_start3A_582] : memref<25x80xi32, #tpu.memory_space<vmem>> -> memref<1x80xi32, #tpu.memory_space<vmem>>
      %dma_start3A_584 = tpu.memref_squeeze %dma_start3A_583 : memref<1x80xi32, #tpu.memory_space<vmem>> -> memref<80xi32, #tpu.memory_space<vmem>>
      %dma_start3A_585 = arith.constant 0 : i32
      %dma_start3A_586 = arith.constant 0 : i32
      %dma_start3A_587 = tpu.memref_slice %arg2[%arg0, %dma_start3A_585, %dma_start3A_586] : memref<2x10000x128xf32, #tpu.memory_space<hbm>> -> memref<1x10000x128xf32, #tpu.memory_space<hbm>>
      %dma_start3A_588 = tpu.memref_squeeze %dma_start3A_587 : memref<1x10000x128xf32, #tpu.memory_space<hbm>> -> memref<10000x128xf32, #tpu.memory_space<hbm>>
      %dma_start3A_589 = arith.constant 0 : i32
      %dma_start3A_590 = arith.constant 0 : i32
      %dma_start3A_591 = tpu.memref_slice %dma_start3A_588[%dma_start3A_589, %dma_start3A_590] : memref<10000x128xf32, #tpu.memory_space<hbm>> -> memref<10000x128xf32, #tpu.memory_space<hbm>>
      tpu.enqueue_indirect_dma source(%dma_start3A_591 : memref<10000x128xf32, #tpu.memory_space<hbm>>) target(%arg12 : memref<80x128xf32, #tpu.memory_space<vmem>>) offsets(%dma_start3A_584 : memref<80xi32, #tpu.memory_space<vmem>>) semaphore(%arg16 : memref<!tpu.dma_semaphore, #tpu.memory_space<semaphore_mem>>)
      %dma_wait3A_592 = arith.constant 15 : i32
      %dma_wait3A_593 = arith.constant 0 : i32
      %dma_wait3A_594 = tpu.memref_slice %arg8[%dma_wait3A_592, %dma_wait3A_593] : memref<25x80xi32, #tpu.memory_space<vmem>> -> memref<1x80xi32, #tpu.memory_space<vmem>>
      %dma_wait3A_595 = tpu.memref_squeeze %dma_wait3A_594 : memref<1x80xi32, #tpu.memory_space<vmem>> -> memref<80xi32, #tpu.memory_space<vmem>>
      %dma_wait3A_596 = arith.constant 0 : i32
      %dma_wait3A_597 = arith.constant 0 : i32
      %dma_wait3A_598 = tpu.memref_slice %arg2[%arg0, %dma_wait3A_596, %dma_wait3A_597] : memref<2x10000x128xf32, #tpu.memory_space<hbm>> -> memref<1x10000x128xf32, #tpu.memory_space<hbm>>
      %dma_wait3A_599 = tpu.memref_squeeze %dma_wait3A_598 : memref<1x10000x128xf32, #tpu.memory_space<hbm>> -> memref<10000x128xf32, #tpu.memory_space<hbm>>
      %dma_wait3A_600 = arith.constant 0 : i32
      %dma_wait3A_601 = arith.constant 0 : i32
      %dma_wait3A_602 = tpu.memref_slice %dma_wait3A_599[%dma_wait3A_600, %dma_wait3A_601] : memref<10000x128xf32, #tpu.memory_space<hbm>> -> memref<10000x128xf32, #tpu.memory_space<hbm>>
      tpu.wait_indirect_dma semaphore(%arg17 : memref<!tpu.dma_semaphore, #tpu.memory_space<semaphore_mem>>) src(%dma_wait3A_602 : memref<10000x128xf32, #tpu.memory_space<hbm>>) dst(%arg13 : memref<80x128xf32, #tpu.memory_space<vmem>>)
      %dma_start3A_603 = arith.constant 15 : i32
      %dma_start3A_604 = arith.constant 0 : i32
      %dma_start3A_605 = tpu.memref_slice %arg9[%dma_start3A_603, %dma_start3A_604] : memref<25x80xi32, #tpu.memory_space<vmem>> -> memref<1x80xi32, #tpu.memory_space<vmem>>
      %dma_start3A_606 = tpu.memref_squeeze %dma_start3A_605 : memref<1x80xi32, #tpu.memory_space<vmem>> -> memref<80xi32, #tpu.memory_space<vmem>>
      %dma_start3A_607 = arith.constant 0 : i32
      %dma_start3A_608 = arith.constant 0 : i32
      %dma_start3A_609 = tpu.memref_slice %arg7[%dma_start3A_607, %dma_start3A_608] : memref<10240x128xf32, #tpu.memory_space<vmem_shared>> -> memref<10240x128xf32, #tpu.memory_space<vmem_shared>>
      tpu.enqueue_indirect_dma source(%arg13 : memref<80x128xf32, #tpu.memory_space<vmem>>) target(%dma_start3A_609 : memref<10240x128xf32, #tpu.memory_space<vmem_shared>>) offsets(%dma_start3A_606 : memref<80xi32, #tpu.memory_space<vmem>>) semaphore(%arg21 : memref<!tpu.dma_semaphore, #tpu.memory_space<semaphore_mem>>) {add = true}
      %dma_wait3A_610 = arith.constant 15 : i32
      %dma_wait3A_611 = arith.constant 0 : i32
      %dma_wait3A_612 = tpu.memref_slice %arg9[%dma_wait3A_610, %dma_wait3A_611] : memref<25x80xi32, #tpu.memory_space<vmem>> -> memref<1x80xi32, #tpu.memory_space<vmem>>
      %dma_wait3A_613 = tpu.memref_squeeze %dma_wait3A_612 : memref<1x80xi32, #tpu.memory_space<vmem>> -> memref<80xi32, #tpu.memory_space<vmem>>
      %dma_wait3A_614 = arith.constant 0 : i32
      %dma_wait3A_615 = arith.constant 0 : i32
      %dma_wait3A_616 = tpu.memref_slice %arg7[%dma_wait3A_614, %dma_wait3A_615] : memref<10240x128xf32, #tpu.memory_space<vmem_shared>> -> memref<10240x128xf32, #tpu.memory_space<vmem_shared>>
      tpu.wait_indirect_dma semaphore(%arg21 : memref<!tpu.dma_semaphore, #tpu.memory_space<semaphore_mem>>) src(%arg13 : memref<80x128xf32, #tpu.memory_space<vmem>>) dst(%dma_wait3A_616 : memref<10240x128xf32, #tpu.memory_space<vmem_shared>>)
      %dma_start3A_617 = arith.constant 19 : i32
      %dma_start3A_618 = arith.constant 0 : i32
      %dma_start3A_619 = tpu.memref_slice %arg8[%dma_start3A_617, %dma_start3A_618] : memref<25x80xi32, #tpu.memory_space<vmem>> -> memref<1x80xi32, #tpu.memory_space<vmem>>
      %dma_start3A_620 = tpu.memref_squeeze %dma_start3A_619 : memref<1x80xi32, #tpu.memory_space<vmem>> -> memref<80xi32, #tpu.memory_space<vmem>>
      %dma_start3A_621 = arith.constant 0 : i32
      %dma_start3A_622 = arith.constant 0 : i32
      %dma_start3A_623 = tpu.memref_slice %arg2[%arg0, %dma_start3A_621, %dma_start3A_622] : memref<2x10000x128xf32, #tpu.memory_space<hbm>> -> memref<1x10000x128xf32, #tpu.memory_space<hbm>>
      %dma_start3A_624 = tpu.memref_squeeze %dma_start3A_623 : memref<1x10000x128xf32, #tpu.memory_space<hbm>> -> memref<10000x128xf32, #tpu.memory_space<hbm>>
      %dma_start3A_625 = arith.constant 0 : i32
      %dma_start3A_626 = arith.constant 0 : i32
      %dma_start3A_627 = tpu.memref_slice %dma_start3A_624[%dma_start3A_625, %dma_start3A_626] : memref<10000x128xf32, #tpu.memory_space<hbm>> -> memref<10000x128xf32, #tpu.memory_space<hbm>>
      tpu.enqueue_indirect_dma source(%dma_start3A_627 : memref<10000x128xf32, #tpu.memory_space<hbm>>) target(%arg13 : memref<80x128xf32, #tpu.memory_space<vmem>>) offsets(%dma_start3A_620 : memref<80xi32, #tpu.memory_space<vmem>>) semaphore(%arg17 : memref<!tpu.dma_semaphore, #tpu.memory_space<semaphore_mem>>)
      %dma_wait3A_628 = arith.constant 16 : i32
      %dma_wait3A_629 = arith.constant 0 : i32
      %dma_wait3A_630 = tpu.memref_slice %arg8[%dma_wait3A_628, %dma_wait3A_629] : memref<25x80xi32, #tpu.memory_space<vmem>> -> memref<1x80xi32, #tpu.memory_space<vmem>>
      %dma_wait3A_631 = tpu.memref_squeeze %dma_wait3A_630 : memref<1x80xi32, #tpu.memory_space<vmem>> -> memref<80xi32, #tpu.memory_space<vmem>>
      %dma_wait3A_632 = arith.constant 0 : i32
      %dma_wait3A_633 = arith.constant 0 : i32
      %dma_wait3A_634 = tpu.memref_slice %arg2[%arg0, %dma_wait3A_632, %dma_wait3A_633] : memref<2x10000x128xf32, #tpu.memory_space<hbm>> -> memref<1x10000x128xf32, #tpu.memory_space<hbm>>
      %dma_wait3A_635 = tpu.memref_squeeze %dma_wait3A_634 : memref<1x10000x128xf32, #tpu.memory_space<hbm>> -> memref<10000x128xf32, #tpu.memory_space<hbm>>
      %dma_wait3A_636 = arith.constant 0 : i32
      %dma_wait3A_637 = arith.constant 0 : i32
      %dma_wait3A_638 = tpu.memref_slice %dma_wait3A_635[%dma_wait3A_636, %dma_wait3A_637] : memref<10000x128xf32, #tpu.memory_space<hbm>> -> memref<10000x128xf32, #tpu.memory_space<hbm>>
      tpu.wait_indirect_dma semaphore(%arg14 : memref<!tpu.dma_semaphore, #tpu.memory_space<semaphore_mem>>) src(%dma_wait3A_638 : memref<10000x128xf32, #tpu.memory_space<hbm>>) dst(%arg10 : memref<80x128xf32, #tpu.memory_space<vmem>>)
      %dma_start3A_639 = arith.constant 16 : i32
      %dma_start3A_640 = arith.constant 0 : i32
      %dma_start3A_641 = tpu.memref_slice %arg9[%dma_start3A_639, %dma_start3A_640] : memref<25x80xi32, #tpu.memory_space<vmem>> -> memref<1x80xi32, #tpu.memory_space<vmem>>
      %dma_start3A_642 = tpu.memref_squeeze %dma_start3A_641 : memref<1x80xi32, #tpu.memory_space<vmem>> -> memref<80xi32, #tpu.memory_space<vmem>>
      %dma_start3A_643 = arith.constant 0 : i32
      %dma_start3A_644 = arith.constant 0 : i32
      %dma_start3A_645 = tpu.memref_slice %arg7[%dma_start3A_643, %dma_start3A_644] : memref<10240x128xf32, #tpu.memory_space<vmem_shared>> -> memref<10240x128xf32, #tpu.memory_space<vmem_shared>>
      tpu.enqueue_indirect_dma source(%arg10 : memref<80x128xf32, #tpu.memory_space<vmem>>) target(%dma_start3A_645 : memref<10240x128xf32, #tpu.memory_space<vmem_shared>>) offsets(%dma_start3A_642 : memref<80xi32, #tpu.memory_space<vmem>>) semaphore(%arg18 : memref<!tpu.dma_semaphore, #tpu.memory_space<semaphore_mem>>) {add = true}
      %dma_wait3A_646 = arith.constant 16 : i32
      %dma_wait3A_647 = arith.constant 0 : i32
      %dma_wait3A_648 = tpu.memref_slice %arg9[%dma_wait3A_646, %dma_wait3A_647] : memref<25x80xi32, #tpu.memory_space<vmem>> -> memref<1x80xi32, #tpu.memory_space<vmem>>
      %dma_wait3A_649 = tpu.memref_squeeze %dma_wait3A_648 : memref<1x80xi32, #tpu.memory_space<vmem>> -> memref<80xi32, #tpu.memory_space<vmem>>
      %dma_wait3A_650 = arith.constant 0 : i32
      %dma_wait3A_651 = arith.constant 0 : i32
      %dma_wait3A_652 = tpu.memref_slice %arg7[%dma_wait3A_650, %dma_wait3A_651] : memref<10240x128xf32, #tpu.memory_space<vmem_shared>> -> memref<10240x128xf32, #tpu.memory_space<vmem_shared>>
      tpu.wait_indirect_dma semaphore(%arg18 : memref<!tpu.dma_semaphore, #tpu.memory_space<semaphore_mem>>) src(%arg10 : memref<80x128xf32, #tpu.memory_space<vmem>>) dst(%dma_wait3A_652 : memref<10240x128xf32, #tpu.memory_space<vmem_shared>>)
      %dma_start3A_653 = arith.constant 20 : i32
      %dma_start3A_654 = arith.constant 0 : i32
      %dma_start3A_655 = tpu.memref_slice %arg8[%dma_start3A_653, %dma_start3A_654] : memref<25x80xi32, #tpu.memory_space<vmem>> -> memref<1x80xi32, #tpu.memory_space<vmem>>
      %dma_start3A_656 = tpu.memref_squeeze %dma_start3A_655 : memref<1x80xi32, #tpu.memory_space<vmem>> -> memref<80xi32, #tpu.memory_space<vmem>>
      %dma_start3A_657 = arith.constant 0 : i32
      %dma_start3A_658 = arith.constant 0 : i32
      %dma_start3A_659 = tpu.memref_slice %arg2[%arg0, %dma_start3A_657, %dma_start3A_658] : memref<2x10000x128xf32, #tpu.memory_space<hbm>> -> memref<1x10000x128xf32, #tpu.memory_space<hbm>>
      %dma_start3A_660 = tpu.memref_squeeze %dma_start3A_659 : memref<1x10000x128xf32, #tpu.memory_space<hbm>> -> memref<10000x128xf32, #tpu.memory_space<hbm>>
      %dma_start3A_661 = arith.constant 0 : i32
      %dma_start3A_662 = arith.constant 0 : i32
      %dma_start3A_663 = tpu.memref_slice %dma_start3A_660[%dma_start3A_661, %dma_start3A_662] : memref<10000x128xf32, #tpu.memory_space<hbm>> -> memref<10000x128xf32, #tpu.memory_space<hbm>>
      tpu.enqueue_indirect_dma source(%dma_start3A_663 : memref<10000x128xf32, #tpu.memory_space<hbm>>) target(%arg10 : memref<80x128xf32, #tpu.memory_space<vmem>>) offsets(%dma_start3A_656 : memref<80xi32, #tpu.memory_space<vmem>>) semaphore(%arg14 : memref<!tpu.dma_semaphore, #tpu.memory_space<semaphore_mem>>)
      %dma_wait3A_664 = arith.constant 17 : i32
      %dma_wait3A_665 = arith.constant 0 : i32
      %dma_wait3A_666 = tpu.memref_slice %arg8[%dma_wait3A_664, %dma_wait3A_665] : memref<25x80xi32, #tpu.memory_space<vmem>> -> memref<1x80xi32, #tpu.memory_space<vmem>>
      %dma_wait3A_667 = tpu.memref_squeeze %dma_wait3A_666 : memref<1x80xi32, #tpu.memory_space<vmem>> -> memref<80xi32, #tpu.memory_space<vmem>>
      %dma_wait3A_668 = arith.constant 0 : i32
      %dma_wait3A_669 = arith.constant 0 : i32
      %dma_wait3A_670 = tpu.memref_slice %arg2[%arg0, %dma_wait3A_668, %dma_wait3A_669] : memref<2x10000x128xf32, #tpu.memory_space<hbm>> -> memref<1x10000x128xf32, #tpu.memory_space<hbm>>
      %dma_wait3A_671 = tpu.memref_squeeze %dma_wait3A_670 : memref<1x10000x128xf32, #tpu.memory_space<hbm>> -> memref<10000x128xf32, #tpu.memory_space<hbm>>
      %dma_wait3A_672 = arith.constant 0 : i32
      %dma_wait3A_673 = arith.constant 0 : i32
      %dma_wait3A_674 = tpu.memref_slice %dma_wait3A_671[%dma_wait3A_672, %dma_wait3A_673] : memref<10000x128xf32, #tpu.memory_space<hbm>> -> memref<10000x128xf32, #tpu.memory_space<hbm>>
      tpu.wait_indirect_dma semaphore(%arg15 : memref<!tpu.dma_semaphore, #tpu.memory_space<semaphore_mem>>) src(%dma_wait3A_674 : memref<10000x128xf32, #tpu.memory_space<hbm>>) dst(%arg11 : memref<80x128xf32, #tpu.memory_space<vmem>>)
      %dma_start3A_675 = arith.constant 17 : i32
      %dma_start3A_676 = arith.constant 0 : i32
      %dma_start3A_677 = tpu.memref_slice %arg9[%dma_start3A_675, %dma_start3A_676] : memref<25x80xi32, #tpu.memory_space<vmem>> -> memref<1x80xi32, #tpu.memory_space<vmem>>
      %dma_start3A_678 = tpu.memref_squeeze %dma_start3A_677 : memref<1x80xi32, #tpu.memory_space<vmem>> -> memref<80xi32, #tpu.memory_space<vmem>>
      %dma_start3A_679 = arith.constant 0 : i32
      %dma_start3A_680 = arith.constant 0 : i32
      %dma_start3A_681 = tpu.memref_slice %arg7[%dma_start3A_679, %dma_start3A_680] : memref<10240x128xf32, #tpu.memory_space<vmem_shared>> -> memref<10240x128xf32, #tpu.memory_space<vmem_shared>>
      tpu.enqueue_indirect_dma source(%arg11 : memref<80x128xf32, #tpu.memory_space<vmem>>) target(%dma_start3A_681 : memref<10240x128xf32, #tpu.memory_space<vmem_shared>>) offsets(%dma_start3A_678 : memref<80xi32, #tpu.memory_space<vmem>>) semaphore(%arg19 : memref<!tpu.dma_semaphore, #tpu.memory_space<semaphore_mem>>) {add = true}
      %dma_wait3A_682 = arith.constant 17 : i32
      %dma_wait3A_683 = arith.constant 0 : i32
      %dma_wait3A_684 = tpu.memref_slice %arg9[%dma_wait3A_682, %dma_wait3A_683] : memref<25x80xi32, #tpu.memory_space<vmem>> -> memref<1x80xi32, #tpu.memory_space<vmem>>
      %dma_wait3A_685 = tpu.memref_squeeze %dma_wait3A_684 : memref<1x80xi32, #tpu.memory_space<vmem>> -> memref<80xi32, #tpu.memory_space<vmem>>
      %dma_wait3A_686 = arith.constant 0 : i32
      %dma_wait3A_687 = arith.constant 0 : i32
      %dma_wait3A_688 = tpu.memref_slice %arg7[%dma_wait3A_686, %dma_wait3A_687] : memref<10240x128xf32, #tpu.memory_space<vmem_shared>> -> memref<10240x128xf32, #tpu.memory_space<vmem_shared>>
      tpu.wait_indirect_dma semaphore(%arg19 : memref<!tpu.dma_semaphore, #tpu.memory_space<semaphore_mem>>) src(%arg11 : memref<80x128xf32, #tpu.memory_space<vmem>>) dst(%dma_wait3A_688 : memref<10240x128xf32, #tpu.memory_space<vmem_shared>>)
      %dma_start3A_689 = arith.constant 21 : i32
      %dma_start3A_690 = arith.constant 0 : i32
      %dma_start3A_691 = tpu.memref_slice %arg8[%dma_start3A_689, %dma_start3A_690] : memref<25x80xi32, #tpu.memory_space<vmem>> -> memref<1x80xi32, #tpu.memory_space<vmem>>
      %dma_start3A_692 = tpu.memref_squeeze %dma_start3A_691 : memref<1x80xi32, #tpu.memory_space<vmem>> -> memref<80xi32, #tpu.memory_space<vmem>>
      %dma_start3A_693 = arith.constant 0 : i32
      %dma_start3A_694 = arith.constant 0 : i32
      %dma_start3A_695 = tpu.memref_slice %arg2[%arg0, %dma_start3A_693, %dma_start3A_694] : memref<2x10000x128xf32, #tpu.memory_space<hbm>> -> memref<1x10000x128xf32, #tpu.memory_space<hbm>>
      %dma_start3A_696 = tpu.memref_squeeze %dma_start3A_695 : memref<1x10000x128xf32, #tpu.memory_space<hbm>> -> memref<10000x128xf32, #tpu.memory_space<hbm>>
      %dma_start3A_697 = arith.constant 0 : i32
      %dma_start3A_698 = arith.constant 0 : i32
      %dma_start3A_699 = tpu.memref_slice %dma_start3A_696[%dma_start3A_697, %dma_start3A_698] : memref<10000x128xf32, #tpu.memory_space<hbm>> -> memref<10000x128xf32, #tpu.memory_space<hbm>>
      tpu.enqueue_indirect_dma source(%dma_start3A_699 : memref<10000x128xf32, #tpu.memory_space<hbm>>) target(%arg11 : memref<80x128xf32, #tpu.memory_space<vmem>>) offsets(%dma_start3A_692 : memref<80xi32, #tpu.memory_space<vmem>>) semaphore(%arg15 : memref<!tpu.dma_semaphore, #tpu.memory_space<semaphore_mem>>)
      %dma_wait3A_700 = arith.constant 18 : i32
      %dma_wait3A_701 = arith.constant 0 : i32
      %dma_wait3A_702 = tpu.memref_slice %arg8[%dma_wait3A_700, %dma_wait3A_701] : memref<25x80xi32, #tpu.memory_space<vmem>> -> memref<1x80xi32, #tpu.memory_space<vmem>>
      %dma_wait3A_703 = tpu.memref_squeeze %dma_wait3A_702 : memref<1x80xi32, #tpu.memory_space<vmem>> -> memref<80xi32, #tpu.memory_space<vmem>>
      %dma_wait3A_704 = arith.constant 0 : i32
      %dma_wait3A_705 = arith.constant 0 : i32
      %dma_wait3A_706 = tpu.memref_slice %arg2[%arg0, %dma_wait3A_704, %dma_wait3A_705] : memref<2x10000x128xf32, #tpu.memory_space<hbm>> -> memref<1x10000x128xf32, #tpu.memory_space<hbm>>
      %dma_wait3A_707 = tpu.memref_squeeze %dma_wait3A_706 : memref<1x10000x128xf32, #tpu.memory_space<hbm>> -> memref<10000x128xf32, #tpu.memory_space<hbm>>
      %dma_wait3A_708 = arith.constant 0 : i32
      %dma_wait3A_709 = arith.constant 0 : i32
      %dma_wait3A_710 = tpu.memref_slice %dma_wait3A_707[%dma_wait3A_708, %dma_wait3A_709] : memref<10000x128xf32, #tpu.memory_space<hbm>> -> memref<10000x128xf32, #tpu.memory_space<hbm>>
      tpu.wait_indirect_dma semaphore(%arg16 : memref<!tpu.dma_semaphore, #tpu.memory_space<semaphore_mem>>) src(%dma_wait3A_710 : memref<10000x128xf32, #tpu.memory_space<hbm>>) dst(%arg12 : memref<80x128xf32, #tpu.memory_space<vmem>>)
      %dma_start3A_711 = arith.constant 18 : i32
      %dma_start3A_712 = arith.constant 0 : i32
      %dma_start3A_713 = tpu.memref_slice %arg9[%dma_start3A_711, %dma_start3A_712] : memref<25x80xi32, #tpu.memory_space<vmem>> -> memref<1x80xi32, #tpu.memory_space<vmem>>
      %dma_start3A_714 = tpu.memref_squeeze %dma_start3A_713 : memref<1x80xi32, #tpu.memory_space<vmem>> -> memref<80xi32, #tpu.memory_space<vmem>>
      %dma_start3A_715 = arith.constant 0 : i32
      %dma_start3A_716 = arith.constant 0 : i32
      %dma_start3A_717 = tpu.memref_slice %arg7[%dma_start3A_715, %dma_start3A_716] : memref<10240x128xf32, #tpu.memory_space<vmem_shared>> -> memref<10240x128xf32, #tpu.memory_space<vmem_shared>>
      tpu.enqueue_indirect_dma source(%arg12 : memref<80x128xf32, #tpu.memory_space<vmem>>) target(%dma_start3A_717 : memref<10240x128xf32, #tpu.memory_space<vmem_shared>>) offsets(%dma_start3A_714 : memref<80xi32, #tpu.memory_space<vmem>>) semaphore(%arg20 : memref<!tpu.dma_semaphore, #tpu.memory_space<semaphore_mem>>) {add = true}
      %dma_wait3A_718 = arith.constant 18 : i32
      %dma_wait3A_719 = arith.constant 0 : i32
      %dma_wait3A_720 = tpu.memref_slice %arg9[%dma_wait3A_718, %dma_wait3A_719] : memref<25x80xi32, #tpu.memory_space<vmem>> -> memref<1x80xi32, #tpu.memory_space<vmem>>
      %dma_wait3A_721 = tpu.memref_squeeze %dma_wait3A_720 : memref<1x80xi32, #tpu.memory_space<vmem>> -> memref<80xi32, #tpu.memory_space<vmem>>
      %dma_wait3A_722 = arith.constant 0 : i32
      %dma_wait3A_723 = arith.constant 0 : i32
      %dma_wait3A_724 = tpu.memref_slice %arg7[%dma_wait3A_722, %dma_wait3A_723] : memref<10240x128xf32, #tpu.memory_space<vmem_shared>> -> memref<10240x128xf32, #tpu.memory_space<vmem_shared>>
      tpu.wait_indirect_dma semaphore(%arg20 : memref<!tpu.dma_semaphore, #tpu.memory_space<semaphore_mem>>) src(%arg12 : memref<80x128xf32, #tpu.memory_space<vmem>>) dst(%dma_wait3A_724 : memref<10240x128xf32, #tpu.memory_space<vmem_shared>>)
      %dma_start3A_725 = arith.constant 22 : i32
      %dma_start3A_726 = arith.constant 0 : i32
      %dma_start3A_727 = tpu.memref_slice %arg8[%dma_start3A_725, %dma_start3A_726] : memref<25x80xi32, #tpu.memory_space<vmem>> -> memref<1x80xi32, #tpu.memory_space<vmem>>
      %dma_start3A_728 = tpu.memref_squeeze %dma_start3A_727 : memref<1x80xi32, #tpu.memory_space<vmem>> -> memref<80xi32, #tpu.memory_space<vmem>>
      %dma_start3A_729 = arith.constant 0 : i32
      %dma_start3A_730 = arith.constant 0 : i32
      %dma_start3A_731 = tpu.memref_slice %arg2[%arg0, %dma_start3A_729, %dma_start3A_730] : memref<2x10000x128xf32, #tpu.memory_space<hbm>> -> memref<1x10000x128xf32, #tpu.memory_space<hbm>>
      %dma_start3A_732 = tpu.memref_squeeze %dma_start3A_731 : memref<1x10000x128xf32, #tpu.memory_space<hbm>> -> memref<10000x128xf32, #tpu.memory_space<hbm>>
      %dma_start3A_733 = arith.constant 0 : i32
      %dma_start3A_734 = arith.constant 0 : i32
      %dma_start3A_735 = tpu.memref_slice %dma_start3A_732[%dma_start3A_733, %dma_start3A_734] : memref<10000x128xf32, #tpu.memory_space<hbm>> -> memref<10000x128xf32, #tpu.memory_space<hbm>>
      tpu.enqueue_indirect_dma source(%dma_start3A_735 : memref<10000x128xf32, #tpu.memory_space<hbm>>) target(%arg12 : memref<80x128xf32, #tpu.memory_space<vmem>>) offsets(%dma_start3A_728 : memref<80xi32, #tpu.memory_space<vmem>>) semaphore(%arg16 : memref<!tpu.dma_semaphore, #tpu.memory_space<semaphore_mem>>)
      %dma_wait3A_736 = arith.constant 19 : i32
      %dma_wait3A_737 = arith.constant 0 : i32
      %dma_wait3A_738 = tpu.memref_slice %arg8[%dma_wait3A_736, %dma_wait3A_737] : memref<25x80xi32, #tpu.memory_space<vmem>> -> memref<1x80xi32, #tpu.memory_space<vmem>>
      %dma_wait3A_739 = tpu.memref_squeeze %dma_wait3A_738 : memref<1x80xi32, #tpu.memory_space<vmem>> -> memref<80xi32, #tpu.memory_space<vmem>>
      %dma_wait3A_740 = arith.constant 0 : i32
      %dma_wait3A_741 = arith.constant 0 : i32
      %dma_wait3A_742 = tpu.memref_slice %arg2[%arg0, %dma_wait3A_740, %dma_wait3A_741] : memref<2x10000x128xf32, #tpu.memory_space<hbm>> -> memref<1x10000x128xf32, #tpu.memory_space<hbm>>
      %dma_wait3A_743 = tpu.memref_squeeze %dma_wait3A_742 : memref<1x10000x128xf32, #tpu.memory_space<hbm>> -> memref<10000x128xf32, #tpu.memory_space<hbm>>
      %dma_wait3A_744 = arith.constant 0 : i32
      %dma_wait3A_745 = arith.constant 0 : i32
      %dma_wait3A_746 = tpu.memref_slice %dma_wait3A_743[%dma_wait3A_744, %dma_wait3A_745] : memref<10000x128xf32, #tpu.memory_space<hbm>> -> memref<10000x128xf32, #tpu.memory_space<hbm>>
      tpu.wait_indirect_dma semaphore(%arg17 : memref<!tpu.dma_semaphore, #tpu.memory_space<semaphore_mem>>) src(%dma_wait3A_746 : memref<10000x128xf32, #tpu.memory_space<hbm>>) dst(%arg13 : memref<80x128xf32, #tpu.memory_space<vmem>>)
      %dma_start3A_747 = arith.constant 19 : i32
      %dma_start3A_748 = arith.constant 0 : i32
      %dma_start3A_749 = tpu.memref_slice %arg9[%dma_start3A_747, %dma_start3A_748] : memref<25x80xi32, #tpu.memory_space<vmem>> -> memref<1x80xi32, #tpu.memory_space<vmem>>
      %dma_start3A_750 = tpu.memref_squeeze %dma_start3A_749 : memref<1x80xi32, #tpu.memory_space<vmem>> -> memref<80xi32, #tpu.memory_space<vmem>>
      %dma_start3A_751 = arith.constant 0 : i32
      %dma_start3A_752 = arith.constant 0 : i32
      %dma_start3A_753 = tpu.memref_slice %arg7[%dma_start3A_751, %dma_start3A_752] : memref<10240x128xf32, #tpu.memory_space<vmem_shared>> -> memref<10240x128xf32, #tpu.memory_space<vmem_shared>>
      tpu.enqueue_indirect_dma source(%arg13 : memref<80x128xf32, #tpu.memory_space<vmem>>) target(%dma_start3A_753 : memref<10240x128xf32, #tpu.memory_space<vmem_shared>>) offsets(%dma_start3A_750 : memref<80xi32, #tpu.memory_space<vmem>>) semaphore(%arg21 : memref<!tpu.dma_semaphore, #tpu.memory_space<semaphore_mem>>) {add = true}
      %dma_wait3A_754 = arith.constant 19 : i32
      %dma_wait3A_755 = arith.constant 0 : i32
      %dma_wait3A_756 = tpu.memref_slice %arg9[%dma_wait3A_754, %dma_wait3A_755] : memref<25x80xi32, #tpu.memory_space<vmem>> -> memref<1x80xi32, #tpu.memory_space<vmem>>
      %dma_wait3A_757 = tpu.memref_squeeze %dma_wait3A_756 : memref<1x80xi32, #tpu.memory_space<vmem>> -> memref<80xi32, #tpu.memory_space<vmem>>
      %dma_wait3A_758 = arith.constant 0 : i32
      %dma_wait3A_759 = arith.constant 0 : i32
      %dma_wait3A_760 = tpu.memref_slice %arg7[%dma_wait3A_758, %dma_wait3A_759] : memref<10240x128xf32, #tpu.memory_space<vmem_shared>> -> memref<10240x128xf32, #tpu.memory_space<vmem_shared>>
      tpu.wait_indirect_dma semaphore(%arg21 : memref<!tpu.dma_semaphore, #tpu.memory_space<semaphore_mem>>) src(%arg13 : memref<80x128xf32, #tpu.memory_space<vmem>>) dst(%dma_wait3A_760 : memref<10240x128xf32, #tpu.memory_space<vmem_shared>>)
      %dma_start3A_761 = arith.constant 23 : i32
      %dma_start3A_762 = arith.constant 0 : i32
      %dma_start3A_763 = tpu.memref_slice %arg8[%dma_start3A_761, %dma_start3A_762] : memref<25x80xi32, #tpu.memory_space<vmem>> -> memref<1x80xi32, #tpu.memory_space<vmem>>
      %dma_start3A_764 = tpu.memref_squeeze %dma_start3A_763 : memref<1x80xi32, #tpu.memory_space<vmem>> -> memref<80xi32, #tpu.memory_space<vmem>>
      %dma_start3A_765 = arith.constant 0 : i32
      %dma_start3A_766 = arith.constant 0 : i32
      %dma_start3A_767 = tpu.memref_slice %arg2[%arg0, %dma_start3A_765, %dma_start3A_766] : memref<2x10000x128xf32, #tpu.memory_space<hbm>> -> memref<1x10000x128xf32, #tpu.memory_space<hbm>>
      %dma_start3A_768 = tpu.memref_squeeze %dma_start3A_767 : memref<1x10000x128xf32, #tpu.memory_space<hbm>> -> memref<10000x128xf32, #tpu.memory_space<hbm>>
      %dma_start3A_769 = arith.constant 0 : i32
      %dma_start3A_770 = arith.constant 0 : i32
      %dma_start3A_771 = tpu.memref_slice %dma_start3A_768[%dma_start3A_769, %dma_start3A_770] : memref<10000x128xf32, #tpu.memory_space<hbm>> -> memref<10000x128xf32, #tpu.memory_space<hbm>>
      tpu.enqueue_indirect_dma source(%dma_start3A_771 : memref<10000x128xf32, #tpu.memory_space<hbm>>) target(%arg13 : memref<80x128xf32, #tpu.memory_space<vmem>>) offsets(%dma_start3A_764 : memref<80xi32, #tpu.memory_space<vmem>>) semaphore(%arg17 : memref<!tpu.dma_semaphore, #tpu.memory_space<semaphore_mem>>)
      %dma_wait3A_772 = arith.constant 20 : i32
      %dma_wait3A_773 = arith.constant 0 : i32
      %dma_wait3A_774 = tpu.memref_slice %arg8[%dma_wait3A_772, %dma_wait3A_773] : memref<25x80xi32, #tpu.memory_space<vmem>> -> memref<1x80xi32, #tpu.memory_space<vmem>>
      %dma_wait3A_775 = tpu.memref_squeeze %dma_wait3A_774 : memref<1x80xi32, #tpu.memory_space<vmem>> -> memref<80xi32, #tpu.memory_space<vmem>>
      %dma_wait3A_776 = arith.constant 0 : i32
      %dma_wait3A_777 = arith.constant 0 : i32
      %dma_wait3A_778 = tpu.memref_slice %arg2[%arg0, %dma_wait3A_776, %dma_wait3A_777] : memref<2x10000x128xf32, #tpu.memory_space<hbm>> -> memref<1x10000x128xf32, #tpu.memory_space<hbm>>
      %dma_wait3A_779 = tpu.memref_squeeze %dma_wait3A_778 : memref<1x10000x128xf32, #tpu.memory_space<hbm>> -> memref<10000x128xf32, #tpu.memory_space<hbm>>
      %dma_wait3A_780 = arith.constant 0 : i32
      %dma_wait3A_781 = arith.constant 0 : i32
      %dma_wait3A_782 = tpu.memref_slice %dma_wait3A_779[%dma_wait3A_780, %dma_wait3A_781] : memref<10000x128xf32, #tpu.memory_space<hbm>> -> memref<10000x128xf32, #tpu.memory_space<hbm>>
      tpu.wait_indirect_dma semaphore(%arg14 : memref<!tpu.dma_semaphore, #tpu.memory_space<semaphore_mem>>) src(%dma_wait3A_782 : memref<10000x128xf32, #tpu.memory_space<hbm>>) dst(%arg10 : memref<80x128xf32, #tpu.memory_space<vmem>>)
      %dma_start3A_783 = arith.constant 20 : i32
      %dma_start3A_784 = arith.constant 0 : i32
      %dma_start3A_785 = tpu.memref_slice %arg9[%dma_start3A_783, %dma_start3A_784] : memref<25x80xi32, #tpu.memory_space<vmem>> -> memref<1x80xi32, #tpu.memory_space<vmem>>
      %dma_start3A_786 = tpu.memref_squeeze %dma_start3A_785 : memref<1x80xi32, #tpu.memory_space<vmem>> -> memref<80xi32, #tpu.memory_space<vmem>>
      %dma_start3A_787 = arith.constant 0 : i32
      %dma_start3A_788 = arith.constant 0 : i32
      %dma_start3A_789 = tpu.memref_slice %arg7[%dma_start3A_787, %dma_start3A_788] : memref<10240x128xf32, #tpu.memory_space<vmem_shared>> -> memref<10240x128xf32, #tpu.memory_space<vmem_shared>>
      tpu.enqueue_indirect_dma source(%arg10 : memref<80x128xf32, #tpu.memory_space<vmem>>) target(%dma_start3A_789 : memref<10240x128xf32, #tpu.memory_space<vmem_shared>>) offsets(%dma_start3A_786 : memref<80xi32, #tpu.memory_space<vmem>>) semaphore(%arg18 : memref<!tpu.dma_semaphore, #tpu.memory_space<semaphore_mem>>) {add = true}
      %dma_wait3A_790 = arith.constant 20 : i32
      %dma_wait3A_791 = arith.constant 0 : i32
      %dma_wait3A_792 = tpu.memref_slice %arg9[%dma_wait3A_790, %dma_wait3A_791] : memref<25x80xi32, #tpu.memory_space<vmem>> -> memref<1x80xi32, #tpu.memory_space<vmem>>
      %dma_wait3A_793 = tpu.memref_squeeze %dma_wait3A_792 : memref<1x80xi32, #tpu.memory_space<vmem>> -> memref<80xi32, #tpu.memory_space<vmem>>
      %dma_wait3A_794 = arith.constant 0 : i32
      %dma_wait3A_795 = arith.constant 0 : i32
      %dma_wait3A_796 = tpu.memref_slice %arg7[%dma_wait3A_794, %dma_wait3A_795] : memref<10240x128xf32, #tpu.memory_space<vmem_shared>> -> memref<10240x128xf32, #tpu.memory_space<vmem_shared>>
      tpu.wait_indirect_dma semaphore(%arg18 : memref<!tpu.dma_semaphore, #tpu.memory_space<semaphore_mem>>) src(%arg10 : memref<80x128xf32, #tpu.memory_space<vmem>>) dst(%dma_wait3A_796 : memref<10240x128xf32, #tpu.memory_space<vmem_shared>>)
      %dma_start3A_797 = arith.constant 24 : i32
      %dma_start3A_798 = arith.constant 0 : i32
      %dma_start3A_799 = tpu.memref_slice %arg8[%dma_start3A_797, %dma_start3A_798] : memref<25x80xi32, #tpu.memory_space<vmem>> -> memref<1x80xi32, #tpu.memory_space<vmem>>
      %dma_start3A_800 = tpu.memref_squeeze %dma_start3A_799 : memref<1x80xi32, #tpu.memory_space<vmem>> -> memref<80xi32, #tpu.memory_space<vmem>>
      %dma_start3A_801 = arith.constant 0 : i32
      %dma_start3A_802 = arith.constant 0 : i32
      %dma_start3A_803 = tpu.memref_slice %arg2[%arg0, %dma_start3A_801, %dma_start3A_802] : memref<2x10000x128xf32, #tpu.memory_space<hbm>> -> memref<1x10000x128xf32, #tpu.memory_space<hbm>>
      %dma_start3A_804 = tpu.memref_squeeze %dma_start3A_803 : memref<1x10000x128xf32, #tpu.memory_space<hbm>> -> memref<10000x128xf32, #tpu.memory_space<hbm>>
      %dma_start3A_805 = arith.constant 0 : i32
      %dma_start3A_806 = arith.constant 0 : i32
      %dma_start3A_807 = tpu.memref_slice %dma_start3A_804[%dma_start3A_805, %dma_start3A_806] : memref<10000x128xf32, #tpu.memory_space<hbm>> -> memref<10000x128xf32, #tpu.memory_space<hbm>>
      tpu.enqueue_indirect_dma source(%dma_start3A_807 : memref<10000x128xf32, #tpu.memory_space<hbm>>) target(%arg10 : memref<80x128xf32, #tpu.memory_space<vmem>>) offsets(%dma_start3A_800 : memref<80xi32, #tpu.memory_space<vmem>>) semaphore(%arg14 : memref<!tpu.dma_semaphore, #tpu.memory_space<semaphore_mem>>)
      %dma_wait3A_808 = arith.constant 21 : i32
      %dma_wait3A_809 = arith.constant 0 : i32
      %dma_wait3A_810 = tpu.memref_slice %arg8[%dma_wait3A_808, %dma_wait3A_809] : memref<25x80xi32, #tpu.memory_space<vmem>> -> memref<1x80xi32, #tpu.memory_space<vmem>>
      %dma_wait3A_811 = tpu.memref_squeeze %dma_wait3A_810 : memref<1x80xi32, #tpu.memory_space<vmem>> -> memref<80xi32, #tpu.memory_space<vmem>>
      %dma_wait3A_812 = arith.constant 0 : i32
      %dma_wait3A_813 = arith.constant 0 : i32
      %dma_wait3A_814 = tpu.memref_slice %arg2[%arg0, %dma_wait3A_812, %dma_wait3A_813] : memref<2x10000x128xf32, #tpu.memory_space<hbm>> -> memref<1x10000x128xf32, #tpu.memory_space<hbm>>
      %dma_wait3A_815 = tpu.memref_squeeze %dma_wait3A_814 : memref<1x10000x128xf32, #tpu.memory_space<hbm>> -> memref<10000x128xf32, #tpu.memory_space<hbm>>
      %dma_wait3A_816 = arith.constant 0 : i32
      %dma_wait3A_817 = arith.constant 0 : i32
      %dma_wait3A_818 = tpu.memref_slice %dma_wait3A_815[%dma_wait3A_816, %dma_wait3A_817] : memref<10000x128xf32, #tpu.memory_space<hbm>> -> memref<10000x128xf32, #tpu.memory_space<hbm>>
      tpu.wait_indirect_dma semaphore(%arg15 : memref<!tpu.dma_semaphore, #tpu.memory_space<semaphore_mem>>) src(%dma_wait3A_818 : memref<10000x128xf32, #tpu.memory_space<hbm>>) dst(%arg11 : memref<80x128xf32, #tpu.memory_space<vmem>>)
      %dma_start3A_819 = arith.constant 21 : i32
      %dma_start3A_820 = arith.constant 0 : i32
      %dma_start3A_821 = tpu.memref_slice %arg9[%dma_start3A_819, %dma_start3A_820] : memref<25x80xi32, #tpu.memory_space<vmem>> -> memref<1x80xi32, #tpu.memory_space<vmem>>
      %dma_start3A_822 = tpu.memref_squeeze %dma_start3A_821 : memref<1x80xi32, #tpu.memory_space<vmem>> -> memref<80xi32, #tpu.memory_space<vmem>>
      %dma_start3A_823 = arith.constant 0 : i32
      %dma_start3A_824 = arith.constant 0 : i32
      %dma_start3A_825 = tpu.memref_slice %arg7[%dma_start3A_823, %dma_start3A_824] : memref<10240x128xf32, #tpu.memory_space<vmem_shared>> -> memref<10240x128xf32, #tpu.memory_space<vmem_shared>>
      tpu.enqueue_indirect_dma source(%arg11 : memref<80x128xf32, #tpu.memory_space<vmem>>) target(%dma_start3A_825 : memref<10240x128xf32, #tpu.memory_space<vmem_shared>>) offsets(%dma_start3A_822 : memref<80xi32, #tpu.memory_space<vmem>>) semaphore(%arg19 : memref<!tpu.dma_semaphore, #tpu.memory_space<semaphore_mem>>) {add = true}
      %dma_wait3A_826 = arith.constant 22 : i32
      %dma_wait3A_827 = arith.constant 0 : i32
      %dma_wait3A_828 = tpu.memref_slice %arg8[%dma_wait3A_826, %dma_wait3A_827] : memref<25x80xi32, #tpu.memory_space<vmem>> -> memref<1x80xi32, #tpu.memory_space<vmem>>
      %dma_wait3A_829 = tpu.memref_squeeze %dma_wait3A_828 : memref<1x80xi32, #tpu.memory_space<vmem>> -> memref<80xi32, #tpu.memory_space<vmem>>
      %dma_wait3A_830 = arith.constant 0 : i32
      %dma_wait3A_831 = arith.constant 0 : i32
      %dma_wait3A_832 = tpu.memref_slice %arg2[%arg0, %dma_wait3A_830, %dma_wait3A_831] : memref<2x10000x128xf32, #tpu.memory_space<hbm>> -> memref<1x10000x128xf32, #tpu.memory_space<hbm>>
      %dma_wait3A_833 = tpu.memref_squeeze %dma_wait3A_832 : memref<1x10000x128xf32, #tpu.memory_space<hbm>> -> memref<10000x128xf32, #tpu.memory_space<hbm>>
      %dma_wait3A_834 = arith.constant 0 : i32
      %dma_wait3A_835 = arith.constant 0 : i32
      %dma_wait3A_836 = tpu.memref_slice %dma_wait3A_833[%dma_wait3A_834, %dma_wait3A_835] : memref<10000x128xf32, #tpu.memory_space<hbm>> -> memref<10000x128xf32, #tpu.memory_space<hbm>>
      tpu.wait_indirect_dma semaphore(%arg16 : memref<!tpu.dma_semaphore, #tpu.memory_space<semaphore_mem>>) src(%dma_wait3A_836 : memref<10000x128xf32, #tpu.memory_space<hbm>>) dst(%arg12 : memref<80x128xf32, #tpu.memory_space<vmem>>)
      %dma_start3A_837 = arith.constant 22 : i32
      %dma_start3A_838 = arith.constant 0 : i32
      %dma_start3A_839 = tpu.memref_slice %arg9[%dma_start3A_837, %dma_start3A_838] : memref<25x80xi32, #tpu.memory_space<vmem>> -> memref<1x80xi32, #tpu.memory_space<vmem>>
      %dma_start3A_840 = tpu.memref_squeeze %dma_start3A_839 : memref<1x80xi32, #tpu.memory_space<vmem>> -> memref<80xi32, #tpu.memory_space<vmem>>
      %dma_start3A_841 = arith.constant 0 : i32
      %dma_start3A_842 = arith.constant 0 : i32
      %dma_start3A_843 = tpu.memref_slice %arg7[%dma_start3A_841, %dma_start3A_842] : memref<10240x128xf32, #tpu.memory_space<vmem_shared>> -> memref<10240x128xf32, #tpu.memory_space<vmem_shared>>
      tpu.enqueue_indirect_dma source(%arg12 : memref<80x128xf32, #tpu.memory_space<vmem>>) target(%dma_start3A_843 : memref<10240x128xf32, #tpu.memory_space<vmem_shared>>) offsets(%dma_start3A_840 : memref<80xi32, #tpu.memory_space<vmem>>) semaphore(%arg20 : memref<!tpu.dma_semaphore, #tpu.memory_space<semaphore_mem>>) {add = true}
      %dma_wait3A_844 = arith.constant 23 : i32
      %dma_wait3A_845 = arith.constant 0 : i32
      %dma_wait3A_846 = tpu.memref_slice %arg8[%dma_wait3A_844, %dma_wait3A_845] : memref<25x80xi32, #tpu.memory_space<vmem>> -> memref<1x80xi32, #tpu.memory_space<vmem>>
      %dma_wait3A_847 = tpu.memref_squeeze %dma_wait3A_846 : memref<1x80xi32, #tpu.memory_space<vmem>> -> memref<80xi32, #tpu.memory_space<vmem>>
      %dma_wait3A_848 = arith.constant 0 : i32
      %dma_wait3A_849 = arith.constant 0 : i32
      %dma_wait3A_850 = tpu.memref_slice %arg2[%arg0, %dma_wait3A_848, %dma_wait3A_849] : memref<2x10000x128xf32, #tpu.memory_space<hbm>> -> memref<1x10000x128xf32, #tpu.memory_space<hbm>>
      %dma_wait3A_851 = tpu.memref_squeeze %dma_wait3A_850 : memref<1x10000x128xf32, #tpu.memory_space<hbm>> -> memref<10000x128xf32, #tpu.memory_space<hbm>>
      %dma_wait3A_852 = arith.constant 0 : i32
      %dma_wait3A_853 = arith.constant 0 : i32
      %dma_wait3A_854 = tpu.memref_slice %dma_wait3A_851[%dma_wait3A_852, %dma_wait3A_853] : memref<10000x128xf32, #tpu.memory_space<hbm>> -> memref<10000x128xf32, #tpu.memory_space<hbm>>
      tpu.wait_indirect_dma semaphore(%arg17 : memref<!tpu.dma_semaphore, #tpu.memory_space<semaphore_mem>>) src(%dma_wait3A_854 : memref<10000x128xf32, #tpu.memory_space<hbm>>) dst(%arg13 : memref<80x128xf32, #tpu.memory_space<vmem>>)
      %dma_start3A_855 = arith.constant 23 : i32
      %dma_start3A_856 = arith.constant 0 : i32
      %dma_start3A_857 = tpu.memref_slice %arg9[%dma_start3A_855, %dma_start3A_856] : memref<25x80xi32, #tpu.memory_space<vmem>> -> memref<1x80xi32, #tpu.memory_space<vmem>>
      %dma_start3A_858 = tpu.memref_squeeze %dma_start3A_857 : memref<1x80xi32, #tpu.memory_space<vmem>> -> memref<80xi32, #tpu.memory_space<vmem>>
      %dma_start3A_859 = arith.constant 0 : i32
      %dma_start3A_860 = arith.constant 0 : i32
      %dma_start3A_861 = tpu.memref_slice %arg7[%dma_start3A_859, %dma_start3A_860] : memref<10240x128xf32, #tpu.memory_space<vmem_shared>> -> memref<10240x128xf32, #tpu.memory_space<vmem_shared>>
      tpu.enqueue_indirect_dma source(%arg13 : memref<80x128xf32, #tpu.memory_space<vmem>>) target(%dma_start3A_861 : memref<10240x128xf32, #tpu.memory_space<vmem_shared>>) offsets(%dma_start3A_858 : memref<80xi32, #tpu.memory_space<vmem>>) semaphore(%arg21 : memref<!tpu.dma_semaphore, #tpu.memory_space<semaphore_mem>>) {add = true}
      %dma_wait3A_862 = arith.constant 24 : i32
      %dma_wait3A_863 = arith.constant 0 : i32
      %dma_wait3A_864 = tpu.memref_slice %arg8[%dma_wait3A_862, %dma_wait3A_863] : memref<25x80xi32, #tpu.memory_space<vmem>> -> memref<1x80xi32, #tpu.memory_space<vmem>>
      %dma_wait3A_865 = tpu.memref_squeeze %dma_wait3A_864 : memref<1x80xi32, #tpu.memory_space<vmem>> -> memref<80xi32, #tpu.memory_space<vmem>>
      %dma_wait3A_866 = arith.constant 0 : i32
      %dma_wait3A_867 = arith.constant 0 : i32
      %dma_wait3A_868 = tpu.memref_slice %arg2[%arg0, %dma_wait3A_866, %dma_wait3A_867] : memref<2x10000x128xf32, #tpu.memory_space<hbm>> -> memref<1x10000x128xf32, #tpu.memory_space<hbm>>
      %dma_wait3A_869 = tpu.memref_squeeze %dma_wait3A_868 : memref<1x10000x128xf32, #tpu.memory_space<hbm>> -> memref<10000x128xf32, #tpu.memory_space<hbm>>
      %dma_wait3A_870 = arith.constant 0 : i32
      %dma_wait3A_871 = arith.constant 0 : i32
      %dma_wait3A_872 = tpu.memref_slice %dma_wait3A_869[%dma_wait3A_870, %dma_wait3A_871] : memref<10000x128xf32, #tpu.memory_space<hbm>> -> memref<10000x128xf32, #tpu.memory_space<hbm>>
      tpu.wait_indirect_dma semaphore(%arg14 : memref<!tpu.dma_semaphore, #tpu.memory_space<semaphore_mem>>) src(%dma_wait3A_872 : memref<10000x128xf32, #tpu.memory_space<hbm>>) dst(%arg10 : memref<80x128xf32, #tpu.memory_space<vmem>>)
      %dma_start3A_873 = arith.constant 24 : i32
      %dma_start3A_874 = arith.constant 0 : i32
      %dma_start3A_875 = tpu.memref_slice %arg9[%dma_start3A_873, %dma_start3A_874] : memref<25x80xi32, #tpu.memory_space<vmem>> -> memref<1x80xi32, #tpu.memory_space<vmem>>
      %dma_start3A_876 = tpu.memref_squeeze %dma_start3A_875 : memref<1x80xi32, #tpu.memory_space<vmem>> -> memref<80xi32, #tpu.memory_space<vmem>>
      %dma_start3A_877 = arith.constant 0 : i32
      %dma_start3A_878 = arith.constant 0 : i32
      %dma_start3A_879 = tpu.memref_slice %arg7[%dma_start3A_877, %dma_start3A_878] : memref<10240x128xf32, #tpu.memory_space<vmem_shared>> -> memref<10240x128xf32, #tpu.memory_space<vmem_shared>>
      tpu.enqueue_indirect_dma source(%arg10 : memref<80x128xf32, #tpu.memory_space<vmem>>) target(%dma_start3A_879 : memref<10240x128xf32, #tpu.memory_space<vmem_shared>>) offsets(%dma_start3A_876 : memref<80xi32, #tpu.memory_space<vmem>>) semaphore(%arg18 : memref<!tpu.dma_semaphore, #tpu.memory_space<semaphore_mem>>) {add = true}
      %dma_wait3A_880 = arith.constant 21 : i32
      %dma_wait3A_881 = arith.constant 0 : i32
      %dma_wait3A_882 = tpu.memref_slice %arg9[%dma_wait3A_880, %dma_wait3A_881] : memref<25x80xi32, #tpu.memory_space<vmem>> -> memref<1x80xi32, #tpu.memory_space<vmem>>
      %dma_wait3A_883 = tpu.memref_squeeze %dma_wait3A_882 : memref<1x80xi32, #tpu.memory_space<vmem>> -> memref<80xi32, #tpu.memory_space<vmem>>
      %dma_wait3A_884 = arith.constant 0 : i32
      %dma_wait3A_885 = arith.constant 0 : i32
      %dma_wait3A_886 = tpu.memref_slice %arg7[%dma_wait3A_884, %dma_wait3A_885] : memref<10240x128xf32, #tpu.memory_space<vmem_shared>> -> memref<10240x128xf32, #tpu.memory_space<vmem_shared>>
      tpu.wait_indirect_dma semaphore(%arg19 : memref<!tpu.dma_semaphore, #tpu.memory_space<semaphore_mem>>) src(%arg11 : memref<80x128xf32, #tpu.memory_space<vmem>>) dst(%dma_wait3A_886 : memref<10240x128xf32, #tpu.memory_space<vmem_shared>>)
      %dma_wait3A_887 = arith.constant 22 : i32
      %dma_wait3A_888 = arith.constant 0 : i32
      %dma_wait3A_889 = tpu.memref_slice %arg9[%dma_wait3A_887, %dma_wait3A_888] : memref<25x80xi32, #tpu.memory_space<vmem>> -> memref<1x80xi32, #tpu.memory_space<vmem>>
      %dma_wait3A_890 = tpu.memref_squeeze %dma_wait3A_889 : memref<1x80xi32, #tpu.memory_space<vmem>> -> memref<80xi32, #tpu.memory_space<vmem>>
      %dma_wait3A_891 = arith.constant 0 : i32
      %dma_wait3A_892 = arith.constant 0 : i32
      %dma_wait3A_893 = tpu.memref_slice %arg7[%dma_wait3A_891, %dma_wait3A_892] : memref<10240x128xf32, #tpu.memory_space<vmem_shared>> -> memref<10240x128xf32, #tpu.memory_space<vmem_shared>>
      tpu.wait_indirect_dma semaphore(%arg20 : memref<!tpu.dma_semaphore, #tpu.memory_space<semaphore_mem>>) src(%arg12 : memref<80x128xf32, #tpu.memory_space<vmem>>) dst(%dma_wait3A_893 : memref<10240x128xf32, #tpu.memory_space<vmem_shared>>)
      %dma_wait3A_894 = arith.constant 23 : i32
      %dma_wait3A_895 = arith.constant 0 : i32
      %dma_wait3A_896 = tpu.memref_slice %arg9[%dma_wait3A_894, %dma_wait3A_895] : memref<25x80xi32, #tpu.memory_space<vmem>> -> memref<1x80xi32, #tpu.memory_space<vmem>>
      %dma_wait3A_897 = tpu.memref_squeeze %dma_wait3A_896 : memref<1x80xi32, #tpu.memory_space<vmem>> -> memref<80xi32, #tpu.memory_space<vmem>>
      %dma_wait3A_898 = arith.constant 0 : i32
      %dma_wait3A_899 = arith.constant 0 : i32
      %dma_wait3A_900 = tpu.memref_slice %arg7[%dma_wait3A_898, %dma_wait3A_899] : memref<10240x128xf32, #tpu.memory_space<vmem_shared>> -> memref<10240x128xf32, #tpu.memory_space<vmem_shared>>
      tpu.wait_indirect_dma semaphore(%arg21 : memref<!tpu.dma_semaphore, #tpu.memory_space<semaphore_mem>>) src(%arg13 : memref<80x128xf32, #tpu.memory_space<vmem>>) dst(%dma_wait3A_900 : memref<10240x128xf32, #tpu.memory_space<vmem_shared>>)
      %dma_wait3A_901 = arith.constant 24 : i32
      %dma_wait3A_902 = arith.constant 0 : i32
      %dma_wait3A_903 = tpu.memref_slice %arg9[%dma_wait3A_901, %dma_wait3A_902] : memref<25x80xi32, #tpu.memory_space<vmem>> -> memref<1x80xi32, #tpu.memory_space<vmem>>
      %dma_wait3A_904 = tpu.memref_squeeze %dma_wait3A_903 : memref<1x80xi32, #tpu.memory_space<vmem>> -> memref<80xi32, #tpu.memory_space<vmem>>
      %dma_wait3A_905 = arith.constant 0 : i32
      %dma_wait3A_906 = arith.constant 0 : i32
      %dma_wait3A_907 = tpu.memref_slice %arg7[%dma_wait3A_905, %dma_wait3A_906] : memref<10240x128xf32, #tpu.memory_space<vmem_shared>> -> memref<10240x128xf32, #tpu.memory_space<vmem_shared>>
      tpu.wait_indirect_dma semaphore(%arg18 : memref<!tpu.dma_semaphore, #tpu.memory_space<semaphore_mem>>) src(%arg10 : memref<80x128xf32, #tpu.memory_space<vmem>>) dst(%dma_wait3A_907 : memref<10240x128xf32, #tpu.memory_space<vmem_shared>>)
      %scan3A_908 = arith.constant 0 : i32
      scf.yield %scan3A_908 : i32
    }
    %scan3A_6 = arith.constant 10 : i32
    %barrier3A_7 = arith.constant 0 : index
    tpu.barrier barrier_id(%barrier3A_7)
    "tpu.region"() ({
      %run_scoped3A = tpu.sem_alloc : memref<!tpu.dma_semaphore, #tpu.memory_space<semaphore_mem>>
      %dma_start3A = arith.constant 0 : i32
      %dma_start3A_8 = tpu.memref_slice %arg6[%arg0, %mul3A_0, %dma_start3A] : memref<2x10240x128xf32, #tpu.memory_space<hbm>> -> memref<1x640x128xf32, #tpu.memory_space<hbm>>
      %dma_start3A_9 = tpu.memref_squeeze %dma_start3A_8 : memref<1x640x128xf32, #tpu.memory_space<hbm>> -> memref<640x128xf32, #tpu.memory_space<hbm>>
      %dma_start3A_10 = arith.constant 0 : i32
      %dma_start3A_11 = tpu.memref_slice %arg7[%mul3A_0, %dma_start3A_10] : memref<10240x128xf32, #tpu.memory_space<vmem_shared>> -> memref<640x128xf32, #tpu.memory_space<vmem_shared>>
      tpu.enqueue_dma source(%dma_start3A_11 : memref<640x128xf32, #tpu.memory_space<vmem_shared>>) target(%dma_start3A_9 : memref<640x128xf32, #tpu.memory_space<hbm>>) target_semaphore(%run_scoped3A : memref<!tpu.dma_semaphore, #tpu.memory_space<semaphore_mem>>)
      %dma_wait3A = arith.constant 0 : i32
      %dma_wait3A_12 = tpu.memref_slice %arg6[%arg0, %mul3A_0, %dma_wait3A] : memref<2x10240x128xf32, #tpu.memory_space<hbm>> -> memref<1x640x128xf32, #tpu.memory_space<hbm>>
      %dma_wait3A_13 = tpu.memref_squeeze %dma_wait3A_12 : memref<1x640x128xf32, #tpu.memory_space<hbm>> -> memref<640x128xf32, #tpu.memory_space<hbm>>
      %dma_wait3A_14 = arith.constant 0 : i32
      %dma_wait3A_15 = tpu.memref_slice %arg7[%mul3A_0, %dma_wait3A_14] : memref<10240x128xf32, #tpu.memory_space<vmem_shared>> -> memref<640x128xf32, #tpu.memory_space<vmem_shared>>
      tpu.wait_dma2 semaphore(%run_scoped3A : memref<!tpu.dma_semaphore, #tpu.memory_space<semaphore_mem>>) src(%dma_wait3A_15 : memref<640x128xf32, #tpu.memory_space<vmem_shared>>) dst(%dma_wait3A_13 : memref<640x128xf32, #tpu.memory_space<hbm>>)
      tpu.yield
    }) : () -> ()
    return
  }
}

module attributes {stable_mosaic.version = 14 : i64} {
  func.func @_matmul_body(%arg0: i32, %arg1: memref<1000x128xf32, #tpu.memory_space<vmem>>, %arg2: memref<128x128xf32, #tpu.memory_space<vmem>>, %arg3: memref<1x128xf32, #tpu.memory_space<vmem>>, %arg4: memref<1000x128xf32, #tpu.memory_space<vmem>>) attributes {dimension_semantics = [#tpu.dimension_semantics<arbitrary>], iteration_bounds = array<i64: 10>, scalar_prefetch = 0 : i64, scratch_operands = 0 : i64, tpu.core_type = #tpu.core_type<tc>, window_params = [{transform_indices = @transform_0, window_bounds = array<i64: 1000, 128>}, {pipeline_mode = #tpu.pipeline_mode<synchronous>, transform_indices = @transform_1, window_bounds = array<i64: 128, 128>}, {pipeline_mode = #tpu.pipeline_mode<synchronous>, transform_indices = @transform_2, window_bounds = array<i64: 1, 128>}, {transform_indices = @transform_3, window_bounds = array<i64: 1000, 128>}]} {
    %get3A = arith.constant 0 : index
    %get3A_0 = arith.constant 0 : index
    %get3A_1 = vector.load %arg1[%get3A, %get3A_0] : memref<1000x128xf32, #tpu.memory_space<vmem>>, vector<1000x128xf32>
    %get3A_2 = arith.constant 0 : index
    %get3A_3 = arith.constant 0 : index
    %get3A_4 = vector.load %arg2[%get3A_2, %get3A_3] : memref<128x128xf32, #tpu.memory_space<vmem>>, vector<128x128xf32>
    %dot_general3A = arith.constant dense<0.000000e+00> : vector<1000x128xf32>
    %dot_general3A_5 = tpu.matmul %get3A_1, %get3A_4, %dot_general3A {dimension_numbers = #tpu.dot_dimension_numbers<[1], [0], [0], [1], [0, 0, 1, 1], [], []>, transpose_lhs_hint = false} : vector<1000x128xf32>, vector<128x128xf32>, vector<1000x128xf32> -> vector<1000x128xf32>
    %get3A_6 = arith.constant 0 : index
    %get3A_7 = arith.constant 0 : index
    %get3A_8 = vector.load %arg3[%get3A_6, %get3A_7] : memref<1x128xf32, #tpu.memory_space<vmem>>, vector<1x128xf32>
    %add3A = vector.broadcast %get3A_8 : vector<1x128xf32> to vector<1000x128xf32>
    %add3A_9 = arith.addf %dot_general3A_5, %add3A : vector<1000x128xf32>
    %swap3A = arith.constant 0 : index
    %swap3A_10 = arith.constant 0 : index
    %swap3A_11 = vector.load %arg4[%swap3A, %swap3A_10] : memref<1000x128xf32, #tpu.memory_space<vmem>>, vector<1000x128xf32>
    tpu.vector_store %arg4[%swap3A, %swap3A_10], %add3A_9 {strides = array<i32>} : memref<1000x128xf32, #tpu.memory_space<vmem>>, vector<1000x128xf32>,
    return
  }
  func.func @transform_0(%arg0: i32) -> (i32, i32) {
    %c0_i32 = arith.constant 0 : i32
    %c0_i32_0 = arith.constant 0 : i32
    return %arg0, %c0_i32 : i32, i32
  }
  func.func @transform_1(%arg0: i32) -> (i32, i32) {
    %c0_i32 = arith.constant 0 : i32
    %c0_i32_0 = arith.constant 0 : i32
    %c0_i32_1 = arith.constant 0 : i32
    return %c0_i32, %c0_i32_0 : i32, i32
  }
  func.func @transform_2(%arg0: i32) -> (i32, i32) {
    %c0_i32 = arith.constant 0 : i32
    %c0_i32_0 = arith.constant 0 : i32
    %c0_i32_1 = arith.constant 0 : i32
    return %c0_i32, %c0_i32_0 : i32, i32
  }
  func.func @transform_3(%arg0: i32) -> (i32, i32) {
    %c0_i32 = arith.constant 0 : i32
    %c0_i32_0 = arith.constant 0 : i32
    return %arg0, %c0_i32 : i32, i32
  }
}

module attributes {stable_mosaic.version = 14 : i64} {
  func.func @_tail_body(%arg0: i32, %arg1: memref<1000x128xf32, #tpu.memory_space<vmem>>, %arg2: memref<1x1000x128xf32, #tpu.memory_space<vmem>>, %arg3: memref<1x1000x128xf32, #tpu.memory_space<vmem>>, %arg4: memref<128x128xf32, #tpu.memory_space<vmem>>, %arg5: memref<1x128xf32, #tpu.memory_space<vmem>>, %arg6: memref<1x128xf32, #tpu.memory_space<vmem>>, %arg7: memref<1000x128xf32, #tpu.memory_space<vmem>>) attributes {dimension_semantics = [#tpu.dimension_semantics<arbitrary>], iteration_bounds = array<i64: 10>, scalar_prefetch = 0 : i64, scratch_operands = 0 : i64, tpu.core_type = #tpu.core_type<tc>, window_params = [{transform_indices = @transform_0, window_bounds = array<i64: 1000, 128>}, {transform_indices = @transform_1, window_bounds = array<i64: 1, 1000, 128>}, {transform_indices = @transform_2, window_bounds = array<i64: 1, 1000, 128>}, {pipeline_mode = #tpu.pipeline_mode<synchronous>, transform_indices = @transform_3, window_bounds = array<i64: 128, 128>}, {pipeline_mode = #tpu.pipeline_mode<synchronous>, transform_indices = @transform_4, window_bounds = array<i64: 1, 128>}, {pipeline_mode = #tpu.pipeline_mode<synchronous>, transform_indices = @transform_5, window_bounds = array<i64: 1, 128>}, {transform_indices = @transform_6, window_bounds = array<i64: 1000, 128>}]} {
    %get3A = arith.constant 0 : index
    %get3A_0 = arith.constant 0 : index
    %get3A_1 = arith.constant 0 : index
    %get3A_2 = vector.load %arg3[%get3A, %get3A_0, %get3A_1] : memref<1x1000x128xf32, #tpu.memory_space<vmem>>, vector<1x1000x128xf32>
    %get3A_3 = vector.shape_cast %get3A_2 : vector<1x1000x128xf32> to vector<1000x128xf32>
    %slice3A = vector.extract_strided_slice %get3A_3 {offsets = [0, 0], sizes = [1000, 1], strides = [1, 1]} : vector<1000x128xf32> to vector<1000x1xf32>
    %max3A = arith.constant 1.000000e+00 : f32
    %max3A_4 = vector.broadcast %max3A : f32 to vector<1000x1xf32>
    %max3A_5 = arith.maximumf %slice3A, %max3A_4 : vector<1000x1xf32>
    %get3A_6 = arith.constant 0 : index
    %get3A_7 = arith.constant 0 : index
    %get3A_8 = arith.constant 0 : index
    %get3A_9 = vector.load %arg2[%get3A_6, %get3A_7, %get3A_8] : memref<1x1000x128xf32, #tpu.memory_space<vmem>>, vector<1x1000x128xf32>
    %get3A_10 = vector.shape_cast %get3A_9 : vector<1x1000x128xf32> to vector<1000x128xf32>
    %div3A = vector.broadcast %max3A_5 : vector<1000x1xf32> to vector<1000x128xf32>
    %div3A_11 = arith.divf %get3A_10, %div3A : vector<1000x128xf32>
    %get3A_12 = arith.constant 0 : index
    %get3A_13 = arith.constant 0 : index
    %get3A_14 = vector.load %arg1[%get3A_12, %get3A_13] : memref<1000x128xf32, #tpu.memory_space<vmem>>, vector<1000x128xf32>
    %get3A_15 = arith.constant 0 : index
    %get3A_16 = arith.constant 0 : index
    %get3A_17 = vector.load %arg4[%get3A_15, %get3A_16] : memref<128x128xf32, #tpu.memory_space<vmem>>, vector<128x128xf32>
    %dot_general3A = arith.constant dense<0.000000e+00> : vector<1000x128xf32>
    %dot_general3A_18 = tpu.matmul %div3A_11, %get3A_17, %dot_general3A {dimension_numbers = #tpu.dot_dimension_numbers<[1], [0], [0], [1], [0, 0, 1, 1], [], []>, transpose_lhs_hint = false} : vector<1000x128xf32>, vector<128x128xf32>, vector<1000x128xf32> -> vector<1000x128xf32>
    %add3A = arith.addf %get3A_14, %dot_general3A_18 : vector<1000x128xf32>
    %max3A_19 = arith.constant 0.000000e+00 : f32
    %max3A_20 = vector.broadcast %max3A_19 : f32 to vector<1000x128xf32>
    %max3A_21 = arith.maximumf %add3A, %max3A_20 : vector<1000x128xf32>
    %reduce_sum3A = arith.constant dense<0.000000e+00> : vector<1000xf32>
    %reduce_sum3A_22 = vector.multi_reduction <add>, %max3A_21, %reduce_sum3A [1] : vector<1000x128xf32> to vector<1000xf32>
    %broadcast_in_dim3A = vector.shape_cast %reduce_sum3A_22 : vector<1000xf32> to vector<1000x1xf32>
    %div3A_23 = arith.constant 1.280000e+02 : f32
    %div3A_24 = vector.broadcast %div3A_23 : f32 to vector<1000x1xf32>
    %div3A_25 = arith.divf %broadcast_in_dim3A, %div3A_24 : vector<1000x1xf32>
    %sub3A = vector.broadcast %div3A_25 : vector<1000x1xf32> to vector<1000x128xf32>
    %sub3A_26 = arith.subf %max3A_21, %sub3A : vector<1000x128xf32>
    %integer_pow3A = arith.mulf %sub3A_26, %sub3A_26 : vector<1000x128xf32>
    %reduce_sum3A_27 = arith.constant dense<0.000000e+00> : vector<1000xf32>
    %reduce_sum3A_28 = vector.multi_reduction <add>, %integer_pow3A, %reduce_sum3A_27 [1] : vector<1000x128xf32> to vector<1000xf32>
    %broadcast_in_dim3A_29 = vector.shape_cast %reduce_sum3A_28 : vector<1000xf32> to vector<1000x1xf32>
    %div3A_30 = arith.constant 1.280000e+02 : f32
    %div3A_31 = vector.broadcast %div3A_30 : f32 to vector<1000x1xf32>
    %div3A_32 = arith.divf %broadcast_in_dim3A_29, %div3A_31 : vector<1000x1xf32>
    %sub3A_33 = vector.broadcast %div3A_25 : vector<1000x1xf32> to vector<1000x128xf32>
    %sub3A_34 = arith.subf %max3A_21, %sub3A_33 : vector<1000x128xf32>
    %add3A_35 = arith.constant 9.99999974E-6 : f32
    %add3A_36 = vector.broadcast %add3A_35 : f32 to vector<1000x1xf32>
    %add3A_37 = arith.addf %div3A_32, %add3A_36 : vector<1000x1xf32>
    %rsqrt3A = math.rsqrt %add3A_37 : vector<1000x1xf32>
    %mul3A = vector.broadcast %rsqrt3A : vector<1000x1xf32> to vector<1000x128xf32>
    %mul3A_38 = arith.mulf %sub3A_34, %mul3A : vector<1000x128xf32>
    %get3A_39 = arith.constant 0 : index
    %get3A_40 = arith.constant 0 : index
    %get3A_41 = vector.load %arg5[%get3A_39, %get3A_40] : memref<1x128xf32, #tpu.memory_space<vmem>>, vector<1x128xf32>
    %mul3A_42 = vector.broadcast %get3A_41 : vector<1x128xf32> to vector<1000x128xf32>
    %mul3A_43 = arith.mulf %mul3A_38, %mul3A_42 : vector<1000x128xf32>
    %get3A_44 = arith.constant 0 : index
    %get3A_45 = arith.constant 0 : index
    %get3A_46 = vector.load %arg6[%get3A_44, %get3A_45] : memref<1x128xf32, #tpu.memory_space<vmem>>, vector<1x128xf32>
    %add3A_47 = vector.broadcast %get3A_46 : vector<1x128xf32> to vector<1000x128xf32>
    %add3A_48 = arith.addf %mul3A_43, %add3A_47 : vector<1000x128xf32>
    %swap3A = arith.constant 0 : index
    %swap3A_49 = arith.constant 0 : index
    %swap3A_50 = vector.load %arg7[%swap3A, %swap3A_49] : memref<1000x128xf32, #tpu.memory_space<vmem>>, vector<1000x128xf32>
    tpu.vector_store %arg7[%swap3A, %swap3A_49], %add3A_48 {strides = array<i32>} : memref<1000x128xf32, #tpu.memory_space<vmem>>, vector<1000x128xf32>,
    return
  }
  func.func @transform_0(%arg0: i32) -> (i32, i32) {
    %c0_i32 = arith.constant 0 : i32
    %c0_i32_0 = arith.constant 0 : i32
    return %arg0, %c0_i32 : i32, i32
  }
  func.func @transform_1(%arg0: i32) -> (i32, i32, i32) {
    %c1_i32 = arith.constant 1 : i32
    %c0_i32 = arith.constant 0 : i32
    %c0_i32_0 = arith.constant 0 : i32
    return %c1_i32, %arg0, %c0_i32 : i32, i32, i32
  }
  func.func @transform_2(%arg0: i32) -> (i32, i32, i32) {
    %c1_i32 = arith.constant 1 : i32
    %c0_i32 = arith.constant 0 : i32
    %c0_i32_0 = arith.constant 0 : i32
    return %c1_i32, %arg0, %c0_i32 : i32, i32, i32
  }
  func.func @transform_3(%arg0: i32) -> (i32, i32) {
    %c0_i32 = arith.constant 0 : i32
    %c0_i32_0 = arith.constant 0 : i32
    %c0_i32_1 = arith.constant 0 : i32
    return %c0_i32, %c0_i32_0 : i32, i32
  }
  func.func @transform_4(%arg0: i32) -> (i32, i32) {
    %c0_i32 = arith.constant 0 : i32
    %c0_i32_0 = arith.constant 0 : i32
    %c0_i32_1 = arith.constant 0 : i32
    return %c0_i32, %c0_i32_0 : i32, i32
  }
  func.func @transform_5(%arg0: i32) -> (i32, i32) {
    %c0_i32 = arith.constant 0 : i32
    %c0_i32_0 = arith.constant 0 : i32
    %c0_i32_1 = arith.constant 0 : i32
    return %c0_i32, %c0_i32_0 : i32, i32
  }
  func.func @transform_6(%arg0: i32) -> (i32, i32) {
    %c0_i32 = arith.constant 0 : i32
    %c0_i32_0 = arith.constant 0 : i32
    return %arg0, %c0_i32 : i32, i32
  }
}

module attributes {stable_mosaic.version = 14 : i64} {
  func.func @_tail_body(%arg0: i32, %arg1: memref<1000x128xf32, #tpu.memory_space<vmem>>, %arg2: memref<1x1000x128xf32, #tpu.memory_space<vmem>>, %arg3: memref<1x1000x128xf32, #tpu.memory_space<vmem>>, %arg4: memref<128x128xf32, #tpu.memory_space<vmem>>, %arg5: memref<1x128xf32, #tpu.memory_space<vmem>>, %arg6: memref<1x128xf32, #tpu.memory_space<vmem>>, %arg7: memref<1000x128xf32, #tpu.memory_space<vmem>>) attributes {dimension_semantics = [#tpu.dimension_semantics<arbitrary>], iteration_bounds = array<i64: 10>, scalar_prefetch = 0 : i64, scratch_operands = 0 : i64, tpu.core_type = #tpu.core_type<tc>, window_params = [{transform_indices = @transform_0, window_bounds = array<i64: 1000, 128>}, {transform_indices = @transform_1, window_bounds = array<i64: 1, 1000, 128>}, {transform_indices = @transform_2, window_bounds = array<i64: 1, 1000, 128>}, {pipeline_mode = #tpu.pipeline_mode<synchronous>, transform_indices = @transform_3, window_bounds = array<i64: 128, 128>}, {pipeline_mode = #tpu.pipeline_mode<synchronous>, transform_indices = @transform_4, window_bounds = array<i64: 1, 128>}, {pipeline_mode = #tpu.pipeline_mode<synchronous>, transform_indices = @transform_5, window_bounds = array<i64: 1, 128>}, {transform_indices = @transform_6, window_bounds = array<i64: 1000, 128>}]} {
    %get3A = arith.constant 0 : index
    %get3A_0 = arith.constant 0 : index
    %get3A_1 = arith.constant 0 : index
    %get3A_2 = vector.load %arg3[%get3A, %get3A_0, %get3A_1] : memref<1x1000x128xf32, #tpu.memory_space<vmem>>, vector<1x1000x128xf32>
    %get3A_3 = vector.shape_cast %get3A_2 : vector<1x1000x128xf32> to vector<1000x128xf32>
    %slice3A = vector.extract_strided_slice %get3A_3 {offsets = [0, 0], sizes = [1000, 1], strides = [1, 1]} : vector<1000x128xf32> to vector<1000x1xf32>
    %max3A = arith.constant 1.000000e+00 : f32
    %max3A_4 = vector.broadcast %max3A : f32 to vector<1000x1xf32>
    %max3A_5 = arith.maximumf %slice3A, %max3A_4 : vector<1000x1xf32>
    %get3A_6 = arith.constant 0 : index
    %get3A_7 = arith.constant 0 : index
    %get3A_8 = arith.constant 0 : index
    %get3A_9 = vector.load %arg2[%get3A_6, %get3A_7, %get3A_8] : memref<1x1000x128xf32, #tpu.memory_space<vmem>>, vector<1x1000x128xf32>
    %get3A_10 = vector.shape_cast %get3A_9 : vector<1x1000x128xf32> to vector<1000x128xf32>
    %div3A = vector.broadcast %max3A_5 : vector<1000x1xf32> to vector<1000x128xf32>
    %div3A_11 = arith.divf %get3A_10, %div3A : vector<1000x128xf32>
    %get3A_12 = arith.constant 0 : index
    %get3A_13 = arith.constant 0 : index
    %get3A_14 = vector.load %arg1[%get3A_12, %get3A_13] : memref<1000x128xf32, #tpu.memory_space<vmem>>, vector<1000x128xf32>
    %get3A_15 = arith.constant 0 : index
    %get3A_16 = arith.constant 0 : index
    %get3A_17 = vector.load %arg4[%get3A_15, %get3A_16] : memref<128x128xf32, #tpu.memory_space<vmem>>, vector<128x128xf32>
    %dot_general3A = arith.constant dense<0.000000e+00> : vector<1000x128xf32>
    %dot_general3A_18 = tpu.matmul %div3A_11, %get3A_17, %dot_general3A {dimension_numbers = #tpu.dot_dimension_numbers<[1], [0], [0], [1], [0, 0, 1, 1], [], []>, transpose_lhs_hint = false} : vector<1000x128xf32>, vector<128x128xf32>, vector<1000x128xf32> -> vector<1000x128xf32>
    %add3A = arith.addf %get3A_14, %dot_general3A_18 : vector<1000x128xf32>
    %max3A_19 = arith.constant 0.000000e+00 : f32
    %max3A_20 = vector.broadcast %max3A_19 : f32 to vector<1000x128xf32>
    %max3A_21 = arith.maximumf %add3A, %max3A_20 : vector<1000x128xf32>
    %reduce_sum3A = arith.constant dense<0.000000e+00> : vector<1000xf32>
    %reduce_sum3A_22 = vector.multi_reduction <add>, %max3A_21, %reduce_sum3A [1] : vector<1000x128xf32> to vector<1000xf32>
    %broadcast_in_dim3A = vector.shape_cast %reduce_sum3A_22 : vector<1000xf32> to vector<1000x1xf32>
    %div3A_23 = arith.constant 1.280000e+02 : f32
    %div3A_24 = vector.broadcast %div3A_23 : f32 to vector<1000x1xf32>
    %div3A_25 = arith.divf %broadcast_in_dim3A, %div3A_24 : vector<1000x1xf32>
    %sub3A = vector.broadcast %div3A_25 : vector<1000x1xf32> to vector<1000x128xf32>
    %sub3A_26 = arith.subf %max3A_21, %sub3A : vector<1000x128xf32>
    %integer_pow3A = arith.mulf %sub3A_26, %sub3A_26 : vector<1000x128xf32>
    %reduce_sum3A_27 = arith.constant dense<0.000000e+00> : vector<1000xf32>
    %reduce_sum3A_28 = vector.multi_reduction <add>, %integer_pow3A, %reduce_sum3A_27 [1] : vector<1000x128xf32> to vector<1000xf32>
    %broadcast_in_dim3A_29 = vector.shape_cast %reduce_sum3A_28 : vector<1000xf32> to vector<1000x1xf32>
    %div3A_30 = arith.constant 1.280000e+02 : f32
    %div3A_31 = vector.broadcast %div3A_30 : f32 to vector<1000x1xf32>
    %div3A_32 = arith.divf %broadcast_in_dim3A_29, %div3A_31 : vector<1000x1xf32>
    %sub3A_33 = vector.broadcast %div3A_25 : vector<1000x1xf32> to vector<1000x128xf32>
    %sub3A_34 = arith.subf %max3A_21, %sub3A_33 : vector<1000x128xf32>
    %add3A_35 = arith.constant 9.99999974E-6 : f32
    %add3A_36 = vector.broadcast %add3A_35 : f32 to vector<1000x1xf32>
    %add3A_37 = arith.addf %div3A_32, %add3A_36 : vector<1000x1xf32>
    %rsqrt3A = math.rsqrt %add3A_37 : vector<1000x1xf32>
    %mul3A = vector.broadcast %rsqrt3A : vector<1000x1xf32> to vector<1000x128xf32>
    %mul3A_38 = arith.mulf %sub3A_34, %mul3A : vector<1000x128xf32>
    %get3A_39 = arith.constant 0 : index
    %get3A_40 = arith.constant 0 : index
    %get3A_41 = vector.load %arg5[%get3A_39, %get3A_40] : memref<1x128xf32, #tpu.memory_space<vmem>>, vector<1x128xf32>
    %mul3A_42 = vector.broadcast %get3A_41 : vector<1x128xf32> to vector<1000x128xf32>
    %mul3A_43 = arith.mulf %mul3A_38, %mul3A_42 : vector<1000x128xf32>
    %get3A_44 = arith.constant 0 : index
    %get3A_45 = arith.constant 0 : index
    %get3A_46 = vector.load %arg6[%get3A_44, %get3A_45] : memref<1x128xf32, #tpu.memory_space<vmem>>, vector<1x128xf32>
    %add3A_47 = vector.broadcast %get3A_46 : vector<1x128xf32> to vector<1000x128xf32>
    %add3A_48 = arith.addf %mul3A_43, %add3A_47 : vector<1000x128xf32>
    %swap3A = arith.constant 0 : index
    %swap3A_49 = arith.constant 0 : index
    %swap3A_50 = vector.load %arg7[%swap3A, %swap3A_49] : memref<1000x128xf32, #tpu.memory_space<vmem>>, vector<1000x128xf32>
    tpu.vector_store %arg7[%swap3A, %swap3A_49], %add3A_48 {strides = array<i32>} : memref<1000x128xf32, #tpu.memory_space<vmem>>, vector<1000x128xf32>,
    return
  }
  func.func @transform_0(%arg0: i32) -> (i32, i32) {
    %c0_i32 = arith.constant 0 : i32
    %c0_i32_0 = arith.constant 0 : i32
    return %arg0, %c0_i32 : i32, i32
  }
  func.func @transform_1(%arg0: i32) -> (i32, i32, i32) {
    %c0_i32 = arith.constant 0 : i32
    %c0_i32_0 = arith.constant 0 : i32
    %c0_i32_1 = arith.constant 0 : i32
    return %c0_i32, %arg0, %c0_i32_0 : i32, i32, i32
  }
  func.func @transform_2(%arg0: i32) -> (i32, i32, i32) {
    %c0_i32 = arith.constant 0 : i32
    %c0_i32_0 = arith.constant 0 : i32
    %c0_i32_1 = arith.constant 0 : i32
    return %c0_i32, %arg0, %c0_i32_0 : i32, i32, i32
  }
  func.func @transform_3(%arg0: i32) -> (i32, i32) {
    %c0_i32 = arith.constant 0 : i32
    %c0_i32_0 = arith.constant 0 : i32
    %c0_i32_1 = arith.constant 0 : i32
    return %c0_i32, %c0_i32_0 : i32, i32
  }
  func.func @transform_4(%arg0: i32) -> (i32, i32) {
    %c0_i32 = arith.constant 0 : i32
    %c0_i32_0 = arith.constant 0 : i32
    %c0_i32_1 = arith.constant 0 : i32
    return %c0_i32, %c0_i32_0 : i32, i32
  }
  func.func @transform_5(%arg0: i32) -> (i32, i32) {
    %c0_i32 = arith.constant 0 : i32
    %c0_i32_0 = arith.constant 0 : i32
    %c0_i32_1 = arith.constant 0 : i32
    return %c0_i32, %c0_i32_0 : i32, i32
  }
  func.func @transform_6(%arg0: i32) -> (i32, i32) {
    %c0_i32 = arith.constant 0 : i32
    %c0_i32_0 = arith.constant 0 : i32
    return %arg0, %c0_i32 : i32, i32
  }
}

</mosaic_0001>

<sc_bundles>
// kernel: kernel.11.cloned.1.call-start
scs
__scs_entry_jumppad:
0x0: {  	(pc) =	sbr.rel $0x88, $3  }
0x1: {  	(tag) =	ssettag $0x0;
	lr =	simm.s32 $0x1  }
0x2: {  	[smem:$0x3F96] =	sst lr;
	_ =	strace $0xD0000000  }
0x3: {  	_ = 	snop  }
0x4: {  	_ = 	snop  }
0x5: {  	_ = 	snop  }
0x6: {  	_ = 	snop  }
0x7: {  	_ = 	snop  }
__scs_overlays_trampoline_lowered:
0x8: {  	[smem:$0x3FA5] =	sst s0  }
0x9: {  	[smem:$0x3FA6] =	sst s1  }
0xa: {  	[smem:$0x3FA7] =	sst s2  }
0xb: {  	[smem:$0x3FA8] =	sst s3  }
0xc: {  	[smem:$0x3FA9] =	sst s4  }
0xd: {  	[smem:$0x3FAA] =	sst s5  }
0xe: {  	[smem:$0x3FAB] =	sst s6  }
0xf: {  	[smem:$0x3FAC] =	sst s7  }
0x10: {  	[smem:$0x3FAD] =	sst s8  }
0x11: {  	[smem:$0x3FAE] =	sst s9;
	s0 =	simm.s32 @!p0 $0x0  }
0x12: {  	s1 =	sld [smem:$0x3F94];
	s0 =	simm.s32 @p0 $0x1  }
0x13: {  	[smem:$0x3FAF] =	sst s0;
	s0 =	simm.s32 @!p1 $0x0  }
0x14: {  	s2 =	sld [smem:$0x3F93];
	s0 =	simm.s32 @p1 $0x1  }
0x15: {  	[smem:$0x3FB0] =	sst s0;
	s0 =	simm.s32 @!p2 $0x0  }
0x16: {  	s3 =	sld [smem:$0x3FDB];
	s0 =	simm.s32 @p2 $0x1  }
0x17: {  	s4 =	simm.s32 $0x1BF5;
	[smem:$0x3FB2] =	sst s0  }
0x18: {  	s0 =	sld [smem:$0x3F95];
	_ =	swait.ge [sflag:s4], $0x0  }
0x19: {  	s7 =	sld [smem:$0x3F96]  }
0x1a: {  	s8 =	sadd.s32 $0xFFFFE003, lr  }
0x1b: {  	s9 =	sadd.s32 $0xFFFFFEF7, lr;
	s5 =	simm.s32 $0xFFFFFFFF;
	p2 =	slt.u32 s8, $0xFFFFF086  }
0x1c: {  	p1 =	slt.u32 s9, $0xF7A;
	s5 =	simm.s32 @!p2 $0x0  }
0x1d: {  	s5 =	simm.s32 @p1 $0x1;
	p0 =	seq.s32 s7, s2  }
0x1e: {  	s7 =	smul.u32 @!p0 $0xF7A, s2;
	p2 =	seq.s32 @!p0 s5, $0x0  }
0x1f: {  	s9 =	smul.u32 $0xF7A, s1;
	s8 =	simm.s32 @!p0 $0x1BF5;
	p2 =	por !p2, p0  }
0x20: {  	[sflag:s8] =	ssyncset.s32 @!p0 $0xFFFFF086;
	s6 =	sadd.s32 @!p0 s3, s7;
	s7 =	simm.s32 @!p0 $0x108  }
0x21: {  	s3 =	sadd.s32 s3, s9;
	s6 =	sadd.s32 @!p0 $0x88, s6;
	s7 =	simm.s32 @p2 $0x1082  }
0x22: {  	[simem:s7], [sflag:s8] =	dma.local @!p0 [hbm:s6], $0xF7A  }
0x23: {  	s9 =	sor.u32 $0xD0000000, s2;
	s6 =	simm.s32 $0x108;
	_ =	swait.ge @!p0 [sflag:s8], $0x0  }
0x24: {  	s3 =	sadd.s32 $0x88, s3;
	s6 =	simm.s32 @!p1 $0x1082;
	[sflag:s4] =	ssyncset.s32 $0xFFFFF086  }
0x25: {  	[simem:s6], [sflag:s4] =	dma.local [hbm:s3], $0xF7A  }
0x26: {  	[smem:$0x3F96] =	sst s1;
	(tag) =	ssettag s2;
	_ =	strace s9  }
0x27: {  	s1 =	sld [smem:$0x3FA6]  }
0x28: {  	s2 =	sld [smem:$0x3FA7]  }
0x29: {  	s4 =	sld [smem:$0x3FA9]  }
0x2a: {  	p0 =	seq.s32 s5, $0x0;
	s5 =	sld [smem:$0x3FAA]  }
0x2b: {  	s6 =	sld [smem:$0x3FAB]  }
0x2c: {  	s7 =	sld [smem:$0x3FAC]  }
0x2d: {  	s3 =	simm.s32 $0x108;
	s8 =	sld [smem:$0x3FAD]  }
0x2e: {  	s3 =	simm.s32 @!p0 $0x1082;
	s9 =	sld [smem:$0x3FAE]  }
0x2f: {  	lr =	sadd.s32 s0, s3;
	s0 =	sld [smem:$0x3FA5]  }
0x30: {  	s3 =	sld [smem:$0x3FA8]  }
0x31: {  	[smem:$0x3FB1] =	sst s10  }
0x32: {  	s10 =	sld [smem:$0x3FAF];
	_ =	sdelay $0x3  }
0x33: {  	p0 =	seq.s32 s10, $0x1;
	s10 =	sld [smem:$0x3FB1];
	_ =	sdelay $0x3  }
0x34: {  	[smem:$0x3FB1] =	sst s10  }
0x35: {  	s10 =	sld [smem:$0x3FB0];
	_ =	sdelay $0x3  }
0x36: {  	p1 =	seq.s32 s10, $0x1;
	s10 =	sld [smem:$0x3FB1];
	_ =	sdelay $0x3  }
0x37: {  	[smem:$0x3FB1] =	sst s10  }
0x38: {  	s10 =	sld [smem:$0x3FB2]  }
0x39: {  	_ = 	snop;
	(pc) =	sbr.ind lr, $3  }
0x3a: {  	_ = 	snop  }
0x3b: {  	_ = 	snop  }
0x3c: {  	p2 =	seq.s32 s10, $0x1;
	s10 =	sld [smem:$0x3FB1]  }
0x3d: {  	_ =	shalt  }
0x3e: {  	_ =	shalt  }
0x3f: {  	_ =	shalt  }
0x40: {  	_ =	shalt  }
0x41: {  	_ =	shalt  }
0x42: {  	_ =	shalt  }
0x43: {  	_ =	shalt  }
0x44: {  	_ =	shalt  }
0x45: {  	_ =	shalt  }
0x46: {  	_ =	shalt  }
0x47: {  	_ =	shalt  }
0x48: {  	_ =	shalt  }
0x49: {  	_ =	shalt  }
0x4a: {  	_ =	shalt  }
0x4b: {  	_ =	shalt  }
0x4c: {  	_ =	shalt  }
0x4d: {  	_ =	shalt  }
0x4e: {  	_ =	shalt  }
0x4f: {  	_ =	shalt  }
0x50: {  	_ =	shalt  }
0x51: {  	_ =	shalt  }
0x52: {  	_ =	shalt  }
0x53: {  	_ =	shalt  }
0x54: {  	_ =	shalt  }
0x55: {  	_ =	shalt  }
0x56: {  	_ =	shalt  }
0x57: {  	_ =	shalt  }
0x58: {  	_ =	shalt  }
0x59: {  	_ =	shalt  }
0x5a: {  	_ =	shalt  }
0x5b: {  	_ =	shalt  }
0x5c: {  	_ =	shalt  }
0x5d: {  	_ =	shalt  }
0x5e: {  	_ =	shalt  }
0x5f: {  	_ =	shalt  }
0x60: {  	_ =	shalt  }
0x61: {  	_ =	shalt  }
0x62: {  	_ =	shalt  }
0x63: {  	_ =	shalt  }
0x64: {  	_ =	shalt  }
0x65: {  	_ =	shalt  }
0x66: {  	_ =	shalt  }
0x67: {  	_ =	shalt  }
0x68: {  	_ =	shalt  }
0x69: {  	_ =	shalt  }
0x6a: {  	_ =	shalt  }
0x6b: {  	_ =	shalt  }
0x6c: {  	_ =	shalt  }
0x6d: {  	_ =	shalt  }
0x6e: {  	_ =	shalt  }
0x6f: {  	_ =	shalt  }
0x70: {  	_ =	shalt  }
0x71: {  	_ =	shalt  }
0x72: {  	_ =	shalt  }
0x73: {  	_ =	shalt  }
0x74: {  	_ =	shalt  }
0x75: {  	_ =	shalt  }
0x76: {  	_ =	shalt  }
0x77: {  	_ =	shalt  }
0x78: {  	_ =	shalt  }
0x79: {  	_ =	shalt  }
0x7a: {  	_ =	shalt  }
0x7b: {  	_ =	shalt  }
0x7c: {  	_ =	shalt  }
0x7d: {  	_ =	shalt  }
0x7e: {  	_ =	shalt  }
0x7f: {  	_ =	shalt  }
0x80: {  	_ =	shalt  }
0x81: {  	_ =	shalt  }
0x82: {  	_ =	shalt  }
0x83: {  	_ =	shalt  }
0x84: {  	_ =	shalt  }
0x85: {  	_ =	shalt  }
0x86: {  	_ =	shalt  }
0x87: {  	_ =	shalt  }
.Lfunc_end0:
.L_simem_size_0:
called_computation.1_lowered:
.L_overlay_start_0:
0x88: {  	s2 =	sld [smem:$0x3FD9]  }
0x89: {  	s3 =	sld [smem:$0x3FFE];
	_ =	sdelay $0x1  }
0x8a: {  	s1 =	srdreg.scid  }
0x8b: {  	s0 =	sand.u32 $0x1, s1  }
0x8c: {  	s15 =	sshll.u32 s0, $0xA;
	s2 =	sadd.s32 s3, s2  }
0x8d: {  	s2 =	sadd.s32 s2, s15  }
0x8e: {  	[smem:$0x3FBD] =	sst s2  }
0x8f: {  	_ = 	snop  }
0x90: {  	s2 =	sld [smem:$0x3FD0];
	_ =	sdelay $0x2  }
0x91: {  	s4 =	simm.s32 $0xB;
	s16 =	simm.s32 $0x10  }
0x92: {  	[smem:s16], [sflag:s4] =	dma.local [hbm:s2], $0x1  }
0x93: {  	_ =	swait.eq [sflag:s4], $0x1  }
0x94: {  	[sflag:s4] =	ssyncset.done $0x0  }
0x95: {  	s17 =	sld [smem:$0x10];
	[sflag:s4] =	ssyncadd.s32 $0xFFFFFFFF  }
0x96: {  	s18 =	sld [smem:$0x11];
	(tm) =	ssettm $0x1  }
0x97: {  	s19 =	sld [smem:$0x3FFB];
	_ =	sdelay $0x3  }
0x98: {  	_ =	strace s19  }
0x99: {  	s2 =	sld [smem:$0x3FFC];
	_ =	sdelay $0x3  }
0x9a: {  	_ =	strace s2  }
0x9b: {  	s2 =	sld [smem:$0x3FFD];
	_ =	sdelay $0x3  }
0x9c: {  	_ =	strace s2  }
0x9d: {  	_ =	strace $0x8FFFFFFF  }
0x9e: {  	s20 =	sld [smem:$0x3FDB];
	_ =	sdelay $0x1  }
0x9f: {  	s5 =	simm.s32 $_scs_section_size  }
0xa0: {  	s6 =	simm.s32 $_size__tile_overlayer_lowered;
	s7 =	simm.s32 $_tile_overlayer_lowered  }
0xa1: {  	s8 =	simm.s32 $0x1BFF;
	s21 =	sshll.u32 s7, $0x1;
	s5 =	sadd.s32 s5, s20  }
0xa2: {  	s22 =	simm.s32 $0x0;
	s6 =	sshll.u32 s6, $0x1;
	s7 =	sadd.s32 s21, s5  }
0xa3: {  	[timem:s22], [sflag:s8] =	dma.local [hbm:s7], s6  }
0xa4: {  	_ =	swait.ge [sflag:s8], s6  }
0xa5: {  	s6 =	ssub.s32 $0x0, s6;
	[sflag:s8] =	ssyncset.done $0x0  }
0xa6: {  	[sflag:s8] =	ssyncadd.s32 s6;
	_ =	sdelay $0x1  }
0xa7: {  	s23 =	simm.s32 $0x1B8B  }
0xa8: {  	_ =	swait.ge [sflag:s23], $0x1  }
0xa9: {  	[sflag:s23] =	ssyncset.done $0x0  }
0xaa: {  	[sflag:s23] =	ssyncadd.s32 $0xFFFFFFFF  }
0xab: {  	s6 =	sld [smem:$0x0]  }
0xac: {  	s7 =	sand.u32 $0xFFFFFFFE, s1  }
0xad: {  	p0 =	sne.s32 s1, s7  }
0xae: {  	s7 =	sshll.u32 @p0 s7, $0xE  }
0xaf: {  	s7 =	sadd.s32 @p0 $0x11B8D, s7;
	s8 =	sshll.u32 @p0 s6, $0x11  }
0xb0: {  	s7 =	sor.u32 @p0 s8, s7  }
0xb1: {  	[sflag:s7] =	ssyncadd.remote.s32 @p0 $0x1;
	_ =	sdelay $0x1  }
0xb2: {  	s7 =	simm.s32 @p0 $0x1B8D  }
0xb3: {  	_ =	swait.eq @p0 [sflag:s7], $0x1  }
0xb4: {  	[sflag:s7] =	ssyncadd.s32 @p0 $0xFFFFFFFF  }
0xb5: {  	s8 =	sshll.u32 @!p0 s1, $0xE  }
0xb6: {  	s8 =	sor.u32 @!p0 $0x4000, s8;
	s7 =	simm.s32 @!p0 $0x1B8D  }
0xb7: {  	s6 =	sshll.u32 @!p0 s6, $0x11;
	s8 =	sadd.s32 @!p0 $0x11B8D, s8;
	_ =	swait.eq @!p0 [sflag:s7], $0x1  }
0xb8: {  	s6 =	sor.u32 @!p0 s6, s8;
	[sflag:s7] =	ssyncadd.s32 @!p0 $0xFFFFFFFF  }
0xb9: {  	s25 =	simm.s32 $0x1B8E;
	s24 =	sld [smem:$0x3FFE];
	[sflag:s6] =	ssyncadd.remote.s32 @!p0 $0x1  }
0xba: {  	s26 =	simm.s32 $execute0_lowered;
	[smem:$0x3FD2] =	sst s25  }
0xbb: {  	s7 =	sshll.u32 s26, $0x1;
	_ =	strace $0x80000049;
	[dreg:$0x1] =	wrdreg $0xFFFFFFFF  }
0xbc: {  	s28 =	simm.s32 $_size_execute0_lowered;
	s5 =	sadd.s32 s5, s7;
	[dreg:$0x0] =	wrdreg $0x0  }
0xbd: {  	s7 =	sshll.u32 s28, $0x1;
	[dreg:$0x2] =	wrdreg s5  }
0xbe: {  	[dreg:$0x3] =	wrdreg s7  }
0xbf: {  	[dreg:$0x4] =	wrdreg $0xC0  }
0xc0: {  	_ =	task [dreg:s22], $0x5FFFF  }
0xc1: {  	[dreg:$0x1] =	wrdreg $0xFFFFFFFF  }
0xc2: {  	[dreg:$0x0] =	wrdreg $0x60  }
0xc3: {  	[dreg:$0x2] =	wrdreg s18  }
0xc4: {  	[dreg:$0x3] =	wrdreg s24  }
0xc5: {  	[dreg:$0x4] =	wrdreg s17  }
0xc6: {  	[dreg:$0x5] =	wrdreg $0x0  }
0xc7: {  	[dreg:$0x6] =	wrdreg $0xA  }
0xc8: {  	_ =	task.clear_ibuf [dreg:s22], $0x7FFFF;
	_ =	strace $0x90000049  }
0xc9: {  	s29 =	simm.s32 $0xA;
	_ =	strace $0x8000004B  }
0xca: {  	_ =	swait.ge [sflag:s29], $0x1  }
0xcb: {  	[sflag:s29] =	ssyncadd.s32 $0xFFFFFFFF  }
0xcc: {  	_ =	strace $0x9000004B  }
0xcd: {  	_ =	sfence  }
0xce: {  	s30 =	sld [smem:$0x0];
	_ =	sdelay $0x2  }
0xcf: {  	s31 =	sshll.u32 s1, $0xD;
	s1 =	sshrl.u32 s1, $0x2  }
0xd0: {  	s4 =	sand.u32 $0x4000, s31;
	s1 =	sadd.s32 s1, s30  }
0xd1: {  	s0 =	sor.u32 s4, s0;
	s1 =	sshll.u32 s1, $0x11  }
0xd2: {  	s0 =	sor.u32 s1, s0  }
0xd3: {  	s0 =	sadd.s32 $0x8F2B, s0  }
0xd4: {  	[sflag:s0] =	ssyncadd.remote.s32 $0x1  }
0xd5: {  	_ =	sfence.sel $0xFFFF  }
0xd6: {  	[dreg:$0x0] =	wrdreg $0xFFFFFFFF;
	(pc) =	sbr.abs _section_cstart, $3  }
0xd7: {  	[dreg:$0x1] =	wrdreg $0xFFFFFFFF  }
0xd8: {  	_ =	task.clear_ibuf [dreg:s22], $0x2FFFF;
	_ =	strace $0x9FFFFFFF  }
0xd9: {  	(tm) =	ssettm $0x7FFFFFFF  }
tec
execute0_lowered:
.L_overlay_start_1:
0x0: {  	(tag) =	ssettag $0x1  }
0x1: {  	s7 =	rddreg [dreg:$0x0]  }
0x2: {  	s6 =	rddreg [dreg:$0x1]  }
0x3: {  	s1 =	rddreg [dreg:$0x2]  }
0x4: {  	s2 =	rddreg [dreg:$0x3]  }
0x5: {  	s3 =	srdreg.scid;
	s0 =	rddreg [dreg:$0x4];
	s4 =	simm.s32 $0x0  }
0x6: {  	s13 =	simm.s32 $0x50;
	s8 =	sand.u32 $0x1, s3;
	s3 =	stileid.u32  }
0x7: {  	s14 =	simm.s32 $0x1;
	[smem:$0x7FF] =	sst s4;
	s5 =	smul.u32 $0x140000, s8  }
0x8: {  	s15 =	simm.s32 $0x0;
	s9 =	smul.u32 $0x14000, s3;
	_ =	strace $0x8000004A  }
0x9: {  	s10 =	ssub.s32 $0x2, s8;
	s11 =	smul.u32 $0x50000, s3;
	s30 =	sshll.u32 s3, $0x6  }
0xa: {  	s31 =	sshll.u32 s3, $0xC;
	s8 =	sshll.u32 s8, $0x10;
	s12 =	sshrl.u32 s10, $0x1  }
0xb: {  	s7 =	sadd.s32 s7, s31;
	s9 =	sadd.s32 s9, s5;
	s5 =	sadd.s32 $0xF1400, s6  }
0xc: {  	s10 =	ssub.s32 s10, s12;
	s29 =	sshrl.u32 s11, $0x2;
	s9 =	sshrl.u32 s9, $0x3  }
0xd: {  	s7 =	sadd.s32 s8, s7;
	s12 =	simm.s32 $0x1C000;
	s9 =	sadd.s32 s9, s6  }
0xe: {  	s11 =	sadd.s32 s29, s2;
	s6 =	sor.u32 $0x1C02, s30;
	s8 =	sadd.s32 $0xF1A00, s9  }
0xf: {  	s9 =	smax.u32 s10, $0x1;
	s10 =	sshrl.u32 s11, $0x3;
	s11 =	simm.s32 $0x2  }
.LBB2_1:
0x10: {  	[spmem:s10], [sflag:s6] =	dma.local [hbm:s1], $0x2800  }
0x11: {  	_ =	swait.ge [sflag:s11], $0x2800  }
0x12: {  	[sflag:s11] =	ssyncset.done $0x0  }
0x13: {  	[sflag:s11] =	ssyncadd.s32 $0xFFFFD800  }
0x14: {  	[tilespmem:s12], [sflag:$0x2] =	stream.linear.gather [hbm4b:s5+s4], $0x2800, $0x38;
	[tilespmem:$0x1E800] =	vst v63  }
0x15: {  	_ =	swait.ge [sflag:s11], $0x2800  }
0x16: {  	[sflag:s11] =	ssyncset.done $0x0  }
0x17: {  	s16 =	simm.s32 $0x14000;
	[sflag:s11] =	ssyncadd.s32 $0xFFFFD800  }
0x18: {  	[tilespmem:s16], [sflag:$0x2] =	stream.linear.gather [hbm4b:s7+s4], $0x7D00, $0x38;
	[tilespmem:$0x1E800] =	vst v63  }
0x19: {  	_ =	swait.ge [sflag:s11], $0x7D00  }
0x1a: {  	[sflag:s11] =	ssyncset.done $0x0  }
0x1b: {  	p0 =	por $0x1, $0x1;
	[sflag:s11] =	ssyncadd.s32 $0xFFFF8300  }
0x1c: {  	s18 =	simm.s32 @!p0 $0x1;
	[bflag:$0x0] =	sbarrier.arrive $0xFFFF  }
0x1d: {  	[spmem:s2] =	stream.indirect.scatter.add.f32 [tilespmem:s12], [sflag:$0x1], $0x80, s16, s13, $0xb8;
	[tilespmem:$0x1E800] =	vst v63  }
0x1e: {  	_ =	swait.ge @!p0 [sflag:s18], $0x2800  }
0x1f: {  	s17 =	simm.s32 $0x1;
	[sflag:s18] =	ssyncset.done @!p0 $0x0  }
.LBB2_2:
0x20: {  	[sflag:s18] =	ssyncadd.s32 @!p0 $0xFFFFD800  }
0x21: {  	s16 =	sadd.s32 $0x80, s16;
	s18 =	smov.u32 s17;
	s17 =	sadd.s32 $0x1, s17  }
0x22: {  	p1 =	sne.s32 s17, $0xFA  }
0x23: {  	[spmem:s2] =	stream.indirect.scatter.add.f32 [tilespmem:s12], [sflag:$0x1], $0x80, s16, s13, $0xb8;
	[tilespmem:$0x1E800] =	vst v63  }
.Ltmp0:
0x24: {  	_ = 	snop;
	(pc) =	sbr.rel @p1 .LBB2_2-.Ltmp0, $4  }
0x25: {  	p0 =	slt.u32 s18, $0x8  }
0x26: {  	s18 =	simm.s32 @!p0 $0x1  }
0x27: {  	_ =	swait.ge @!p0 [sflag:s18], $0x2800  }
0x28: {  	[sflag:s18] =	ssyncset.done @!p0 $0x0  }
0x29: {  	[sflag:s18] =	ssyncadd.s32 @!p0 $0xFFFFD800  }
0x2a: {  	_ =	swait.ge [sflag:s14], $0x2800  }
0x2b: {  	[sflag:s14] =	ssyncset.done $0x0  }
0x2c: {  	[sflag:s14] =	ssyncadd.s32 $0xFFFFD800  }
0x2d: {  	_ =	swait.ge [sflag:s14], $0x2800  }
0x2e: {  	[sflag:s14] =	ssyncset.done $0x0  }
0x2f: {  	[sflag:s14] =	ssyncadd.s32 $0xFFFFD800  }
0x30: {  	_ =	swait.ge [sflag:s14], $0x2800  }
0x31: {  	[sflag:s14] =	ssyncset.done $0x0  }
0x32: {  	[sflag:s14] =	ssyncadd.s32 $0xFFFFD800  }
0x33: {  	_ =	swait.ge [sflag:s14], $0x2800  }
0x34: {  	[sflag:s14] =	ssyncset.done $0x0  }
0x35: {  	[sflag:s14] =	ssyncadd.s32 $0xFFFFD800  }
0x36: {  	_ =	swait.ge [sflag:s14], $0x2800  }
0x37: {  	[sflag:s14] =	ssyncset.done $0x0  }
0x38: {  	[sflag:s14] =	ssyncadd.s32 $0xFFFFD800  }
0x39: {  	_ =	swait.ge [sflag:s14], $0x2800  }
0x3a: {  	[sflag:s14] =	ssyncset.done $0x0  }
0x3b: {  	[sflag:s14] =	ssyncadd.s32 $0xFFFFD800  }
0x3c: {  	_ =	swait.ge [sflag:s14], $0x2800  }
0x3d: {  	[sflag:s14] =	ssyncset.done $0x0  }
0x3e: {  	[sflag:s14] =	ssyncadd.s32 $0xFFFFD800  }
0x3f: {  	_ =	swait.ge [sflag:s14], $0x2800  }
0x40: {  	s15 =	sadd.s32 $0x1, s15;
	[sflag:s14] =	ssyncset.done $0x0  }
0x41: {  	p0 =	sne.s32 s15, s9;
	[sflag:s14] =	ssyncadd.s32 $0xFFFFD800  }
.Ltmp1:
0x42: {  	[bflag:$0x0] =	sbarrier.arrive $0xFFFF;
	(pc) =	sbr.rel @p0 .LBB2_1-.Ltmp1, $4  }
0x43: {  	[hbm:s8], [sflag:s6] =	dma.local [spmem:s10], $0x2800  }
0x44: {  	_ =	swait.ge [sflag:s11], $0x2800  }
0x45: {  	[sflag:s11] =	ssyncset.done $0x0  }
0x46: {  	[sflag:s11] =	ssyncadd.s32 $0xFFFFD800  }
0x47: {  	_ =	sfence.sel $0x180000  }
0x48: {  	[bflag:$0x0] =	sbarrier.arrive $0xFFFF  }
0x49: {  	p0 =	sne.s32 s3, $0x0;
	_ =	strace $0x9000004A  }
0x4a: {  	s0 =	sadd.s32 @!p0 $0x100000, s0;
	[bflag:$0x2] =	sbarrier.arrive $0xFFFF  }
0x4b: {  	[sflag:s0] =	ssyncadd.tile.s32 @!p0 $0x1;
	_ =	shalt  }
.Lfunc_end2:
_tile_overlayer_lowered:
.L_overlay_start_2:
0x4c: {  	(tag) =	ssettag $0x2  }
0x4d: {  	s0 =	rddreg [dreg:$0x0];
	s2 =	stileid.u32  }
0x4e: {  	s1 =	rddreg [dreg:$0x1];
	p0 =	sne.s32 s2, $0x0  }
0x4f: {  	s3 =	rddreg [dreg:$0x2];
	[bflag:$0x3] =	sbarrier.arrive $0xFFFF;
	s2 =	simm.s32 @!p0 $0x1C02  }
0x50: {  	[timem:s3], [sflag:s2] =	dma.local @!p0 [hbm:s0], s1  }
0x51: {  	s0 =	simm.s32 @!p0 $0x2  }
0x52: {  	_ =	swait.ge @!p0 [sflag:s0], s1  }
0x53: {  	s1 =	ssub.s32 @!p0 $0x0, s1;
	[sflag:s0] =	ssyncset.done @!p0 $0x0  }
0x54: {  	[sflag:s0] =	ssyncadd.s32 @!p0 s1  }
0x55: {  	[bflag:$0x3] =	sbarrier.arrive $0xFFFF  }
0x56: {  	_ =	shalt  }

// kernel: kernel.8.cloned.1.call-start
scs
__scs_entry_jumppad:
0x0: {  	(pc) =	sbr.rel $0x88, $3  }
0x1: {  	(tag) =	ssettag $0x0;
	lr =	simm.s32 $0x1  }
0x2: {  	[smem:$0x3F96] =	sst lr;
	_ =	strace $0xD0000000  }
0x3: {  	_ = 	snop  }
0x4: {  	_ = 	snop  }
0x5: {  	_ = 	snop  }
0x6: {  	_ = 	snop  }
0x7: {  	_ = 	snop  }
__scs_overlays_trampoline_lowered:
0x8: {  	[smem:$0x3FA5] =	sst s0  }
0x9: {  	[smem:$0x3FA6] =	sst s1  }
0xa: {  	[smem:$0x3FA7] =	sst s2  }
0xb: {  	[smem:$0x3FA8] =	sst s3  }
0xc: {  	[smem:$0x3FA9] =	sst s4  }
0xd: {  	[smem:$0x3FAA] =	sst s5  }
0xe: {  	[smem:$0x3FAB] =	sst s6  }
0xf: {  	[smem:$0x3FAC] =	sst s7  }
0x10: {  	[smem:$0x3FAD] =	sst s8  }
0x11: {  	[smem:$0x3FAE] =	sst s9;
	s0 =	simm.s32 @!p0 $0x0  }
0x12: {  	s1 =	sld [smem:$0x3F94];
	s0 =	simm.s32 @p0 $0x1  }
0x13: {  	[smem:$0x3FAF] =	sst s0;
	s0 =	simm.s32 @!p1 $0x0  }
0x14: {  	s2 =	sld [smem:$0x3F93];
	s0 =	simm.s32 @p1 $0x1  }
0x15: {  	[smem:$0x3FB0] =	sst s0;
	s0 =	simm.s32 @!p2 $0x0  }
0x16: {  	s3 =	sld [smem:$0x3FDB];
	s0 =	simm.s32 @p2 $0x1  }
0x17: {  	s4 =	simm.s32 $0x1BF5;
	[smem:$0x3FB2] =	sst s0  }
0x18: {  	s0 =	sld [smem:$0x3F95];
	_ =	swait.ge [sflag:s4], $0x0  }
0x19: {  	s7 =	sld [smem:$0x3F96]  }
0x1a: {  	s8 =	sadd.s32 $0xFFFFE003, lr  }
0x1b: {  	s9 =	sadd.s32 $0xFFFFFEF7, lr;
	s5 =	simm.s32 $0xFFFFFFFF;
	p2 =	slt.u32 s8, $0xFFFFF086  }
0x1c: {  	p1 =	slt.u32 s9, $0xF7A;
	s5 =	simm.s32 @!p2 $0x0  }
0x1d: {  	s5 =	simm.s32 @p1 $0x1;
	p0 =	seq.s32 s7, s2  }
0x1e: {  	s7 =	smul.u32 @!p0 $0xF7A, s2;
	p2 =	seq.s32 @!p0 s5, $0x0  }
0x1f: {  	s9 =	smul.u32 $0xF7A, s1;
	s8 =	simm.s32 @!p0 $0x1BF5;
	p2 =	por !p2, p0  }
0x20: {  	[sflag:s8] =	ssyncset.s32 @!p0 $0xFFFFF086;
	s6 =	sadd.s32 @!p0 s3, s7;
	s7 =	simm.s32 @!p0 $0x108  }
0x21: {  	s3 =	sadd.s32 s3, s9;
	s6 =	sadd.s32 @!p0 $0x88, s6;
	s7 =	simm.s32 @p2 $0x1082  }
0x22: {  	[simem:s7], [sflag:s8] =	dma.local @!p0 [hbm:s6], $0xF7A  }
0x23: {  	s9 =	sor.u32 $0xD0000000, s2;
	s6 =	simm.s32 $0x108;
	_ =	swait.ge @!p0 [sflag:s8], $0x0  }
0x24: {  	s3 =	sadd.s32 $0x88, s3;
	s6 =	simm.s32 @!p1 $0x1082;
	[sflag:s4] =	ssyncset.s32 $0xFFFFF086  }
0x25: {  	[simem:s6], [sflag:s4] =	dma.local [hbm:s3], $0xF7A  }
0x26: {  	[smem:$0x3F96] =	sst s1;
	(tag) =	ssettag s2;
	_ =	strace s9  }
0x27: {  	s1 =	sld [smem:$0x3FA6]  }
0x28: {  	s2 =	sld [smem:$0x3FA7]  }
0x29: {  	s4 =	sld [smem:$0x3FA9]  }
0x2a: {  	p0 =	seq.s32 s5, $0x0;
	s5 =	sld [smem:$0x3FAA]  }
0x2b: {  	s6 =	sld [smem:$0x3FAB]  }
0x2c: {  	s7 =	sld [smem:$0x3FAC]  }
0x2d: {  	s3 =	simm.s32 $0x108;
	s8 =	sld [smem:$0x3FAD]  }
0x2e: {  	s3 =	simm.s32 @!p0 $0x1082;
	s9 =	sld [smem:$0x3FAE]  }
0x2f: {  	lr =	sadd.s32 s0, s3;
	s0 =	sld [smem:$0x3FA5]  }
0x30: {  	s3 =	sld [smem:$0x3FA8]  }
0x31: {  	[smem:$0x3FB1] =	sst s10  }
0x32: {  	s10 =	sld [smem:$0x3FAF];
	_ =	sdelay $0x3  }
0x33: {  	p0 =	seq.s32 s10, $0x1;
	s10 =	sld [smem:$0x3FB1];
	_ =	sdelay $0x3  }
0x34: {  	[smem:$0x3FB1] =	sst s10  }
0x35: {  	s10 =	sld [smem:$0x3FB0];
	_ =	sdelay $0x3  }
0x36: {  	p1 =	seq.s32 s10, $0x1;
	s10 =	sld [smem:$0x3FB1];
	_ =	sdelay $0x3  }
0x37: {  	[smem:$0x3FB1] =	sst s10  }
0x38: {  	s10 =	sld [smem:$0x3FB2]  }
0x39: {  	_ = 	snop;
	(pc) =	sbr.ind lr, $3  }
0x3a: {  	_ = 	snop  }
0x3b: {  	_ = 	snop  }
0x3c: {  	p2 =	seq.s32 s10, $0x1;
	s10 =	sld [smem:$0x3FB1]  }
0x3d: {  	_ =	shalt  }
0x3e: {  	_ =	shalt  }
0x3f: {  	_ =	shalt  }
0x40: {  	_ =	shalt  }
0x41: {  	_ =	shalt  }
0x42: {  	_ =	shalt  }
0x43: {  	_ =	shalt  }
0x44: {  	_ =	shalt  }
0x45: {  	_ =	shalt  }
0x46: {  	_ =	shalt  }
0x47: {  	_ =	shalt  }
0x48: {  	_ =	shalt  }
0x49: {  	_ =	shalt  }
0x4a: {  	_ =	shalt  }
0x4b: {  	_ =	shalt  }
0x4c: {  	_ =	shalt  }
0x4d: {  	_ =	shalt  }
0x4e: {  	_ =	shalt  }
0x4f: {  	_ =	shalt  }
0x50: {  	_ =	shalt  }
0x51: {  	_ =	shalt  }
0x52: {  	_ =	shalt  }
0x53: {  	_ =	shalt  }
0x54: {  	_ =	shalt  }
0x55: {  	_ =	shalt  }
0x56: {  	_ =	shalt  }
0x57: {  	_ =	shalt  }
0x58: {  	_ =	shalt  }
0x59: {  	_ =	shalt  }
0x5a: {  	_ =	shalt  }
0x5b: {  	_ =	shalt  }
0x5c: {  	_ =	shalt  }
0x5d: {  	_ =	shalt  }
0x5e: {  	_ =	shalt  }
0x5f: {  	_ =	shalt  }
0x60: {  	_ =	shalt  }
0x61: {  	_ =	shalt  }
0x62: {  	_ =	shalt  }
0x63: {  	_ =	shalt  }
0x64: {  	_ =	shalt  }
0x65: {  	_ =	shalt  }
0x66: {  	_ =	shalt  }
0x67: {  	_ =	shalt  }
0x68: {  	_ =	shalt  }
0x69: {  	_ =	shalt  }
0x6a: {  	_ =	shalt  }
0x6b: {  	_ =	shalt  }
0x6c: {  	_ =	shalt  }
0x6d: {  	_ =	shalt  }
0x6e: {  	_ =	shalt  }
0x6f: {  	_ =	shalt  }
0x70: {  	_ =	shalt  }
0x71: {  	_ =	shalt  }
0x72: {  	_ =	shalt  }
0x73: {  	_ =	shalt  }
0x74: {  	_ =	shalt  }
0x75: {  	_ =	shalt  }
0x76: {  	_ =	shalt  }
0x77: {  	_ =	shalt  }
0x78: {  	_ =	shalt  }
0x79: {  	_ =	shalt  }
0x7a: {  	_ =	shalt  }
0x7b: {  	_ =	shalt  }
0x7c: {  	_ =	shalt  }
0x7d: {  	_ =	shalt  }
0x7e: {  	_ =	shalt  }
0x7f: {  	_ =	shalt  }
0x80: {  	_ =	shalt  }
0x81: {  	_ =	shalt  }
0x82: {  	_ =	shalt  }
0x83: {  	_ =	shalt  }
0x84: {  	_ =	shalt  }
0x85: {  	_ =	shalt  }
0x86: {  	_ =	shalt  }
0x87: {  	_ =	shalt  }
.Lfunc_end0:
.L_simem_size_0:
called_computation_lowered:
.L_overlay_start_0:
0x88: {  	s2 =	sld [smem:$0x3FD9]  }
0x89: {  	s3 =	sld [smem:$0x3FFE];
	_ =	sdelay $0x1  }
0x8a: {  	s1 =	srdreg.scid  }
0x8b: {  	s0 =	sand.u32 $0x1, s1  }
0x8c: {  	s14 =	sshll.u32 s0, $0xA;
	s2 =	sadd.s32 s3, s2  }
0x8d: {  	s2 =	sadd.s32 s2, s14  }
0x8e: {  	[smem:$0x3FBD] =	sst s2  }
0x8f: {  	_ = 	snop  }
0x90: {  	s2 =	sld [smem:$0x3FD0];
	_ =	sdelay $0x2  }
0x91: {  	s15 =	simm.s32 $0xB;
	s4 =	simm.s32 $0x10  }
0x92: {  	[smem:s4], [sflag:s15] =	dma.local [hbm:s2], $0x1  }
0x93: {  	_ =	swait.eq [sflag:s15], $0x1  }
0x94: {  	[sflag:s15] =	ssyncset.done $0x0  }
0x95: {  	[sflag:s15] =	ssyncadd.s32 $0xFFFFFFFF  }
0x96: {  	s16 =	sld [smem:$0x10];
	(tm) =	ssettm $0x1  }
0x97: {  	s17 =	sld [smem:$0x3FFB];
	_ =	sdelay $0x3  }
0x98: {  	_ =	strace s17  }
0x99: {  	s3 =	sld [smem:$0x3FFC];
	_ =	sdelay $0x3  }
0x9a: {  	_ =	strace s3  }
0x9b: {  	s3 =	sld [smem:$0x3FFD];
	_ =	sdelay $0x3  }
0x9c: {  	_ =	strace s3  }
0x9d: {  	_ =	strace $0x8FFFFFFF  }
0x9e: {  	s18 =	sld [smem:$0x3FDB];
	_ =	sdelay $0x1  }
0x9f: {  	s19 =	simm.s32 $_scs_section_size  }
0xa0: {  	s5 =	simm.s32 $_size__tile_overlayer_lowered;
	s6 =	simm.s32 $_tile_overlayer_lowered  }
0xa1: {  	s22 =	simm.s32 $0x1BFF;
	s21 =	sshll.u32 s6, $0x1;
	s3 =	sadd.s32 s19, s18  }
0xa2: {  	s7 =	simm.s32 $0x0;
	s20 =	sshll.u32 s5, $0x1;
	s5 =	sadd.s32 s21, s3  }
0xa3: {  	[timem:s7], [sflag:s22] =	dma.local [hbm:s5], s20  }
0xa4: {  	_ =	swait.ge [sflag:s22], s20  }
0xa5: {  	s4 =	ssub.s32 $0x0, s20;
	[sflag:s22] =	ssyncset.done $0x0  }
0xa6: {  	[sflag:s22] =	ssyncadd.s32 s4;
	_ =	sdelay $0x1  }
0xa7: {  	s23 =	simm.s32 $0x1B8B  }
0xa8: {  	_ =	swait.ge [sflag:s23], $0x1  }
0xa9: {  	[sflag:s23] =	ssyncset.done $0x0  }
0xaa: {  	s25 =	simm.s32 $0x1B8E;
	s24 =	sld [smem:$0x3FFE];
	[sflag:s23] =	ssyncadd.s32 $0xFFFFFFFF  }
0xab: {  	s26 =	simm.s32 $execute0_lowered;
	[smem:$0x3FD2] =	sst s25  }
0xac: {  	s5 =	sshll.u32 s26, $0x1;
	_ =	strace $0x80000046;
	[dreg:$0x1] =	wrdreg $0xFFFFFFFF  }
0xad: {  	s28 =	simm.s32 $_size_execute0_lowered;
	s3 =	sadd.s32 s3, s5;
	[dreg:$0x0] =	wrdreg $0x0  }
0xae: {  	s5 =	sshll.u32 s28, $0x1;
	[dreg:$0x2] =	wrdreg s3  }
0xaf: {  	[dreg:$0x3] =	wrdreg s5  }
0xb0: {  	[dreg:$0x4] =	wrdreg $0xC0  }
0xb1: {  	_ =	task [dreg:s7], $0x5FFFF  }
0xb2: {  	[dreg:$0x1] =	wrdreg $0xFFFFFFFF  }
0xb3: {  	[dreg:$0x0] =	wrdreg $0x60  }
0xb4: {  	[dreg:$0x2] =	wrdreg s24  }
0xb5: {  	[dreg:$0x3] =	wrdreg s16  }
0xb6: {  	[dreg:$0x4] =	wrdreg $0x0  }
0xb7: {  	[dreg:$0x5] =	wrdreg $0x9  }
0xb8: {  	_ =	task.clear_ibuf [dreg:s7], $0x6FFFF;
	_ =	strace $0x90000046  }
0xb9: {  	s29 =	simm.s32 $0x9;
	_ =	strace $0x80000048  }
0xba: {  	_ =	swait.ge [sflag:s29], $0x1  }
0xbb: {  	[sflag:s29] =	ssyncadd.s32 $0xFFFFFFFF  }
0xbc: {  	_ =	strace $0x90000048  }
0xbd: {  	_ =	sfence  }
0xbe: {  	s30 =	sld [smem:$0x0];
	_ =	sdelay $0x2  }
0xbf: {  	s31 =	sshll.u32 s1, $0xD;
	s1 =	sshrl.u32 s1, $0x2  }
0xc0: {  	s3 =	sand.u32 $0x4000, s31;
	s1 =	sadd.s32 s1, s30  }
0xc1: {  	s0 =	sor.u32 s3, s0;
	s1 =	sshll.u32 s1, $0x11  }
0xc2: {  	s0 =	sor.u32 s1, s0  }
0xc3: {  	s0 =	sadd.s32 $0x8F2B, s0  }
0xc4: {  	[sflag:s0] =	ssyncadd.remote.s32 $0x1  }
0xc5: {  	_ =	sfence.sel $0xFFFF  }
0xc6: {  	[dreg:$0x0] =	wrdreg $0xFFFFFFFF;
	(pc) =	sbr.abs _section_cstart, $3  }
0xc7: {  	[dreg:$0x1] =	wrdreg $0xFFFFFFFF  }
0xc8: {  	_ =	task.clear_ibuf [dreg:s7], $0x2FFFF;
	_ =	strace $0x9FFFFFFF  }
0xc9: {  	(tm) =	ssettm $0x7FFFFFFF  }
tec
execute0_lowered:
.L_overlay_start_1:
0x0: {  	(tag) =	ssettag $0x1  }
0x1: {  	s0 =	srdreg.scid;
	s8 =	stileid.u32  }
0x2: {  	s0 =	sand.u32 $0x1, s0;
	s4 =	smul.u32 $0xA000, s8  }
0x3: {  	s1 =	smul.u32 $0xA0000, s0  }
0x4: {  	s2 =	rddreg [dreg:$0x0]  }
0x5: {  	s3 =	rddreg [dreg:$0x2];
	s1 =	sadd.s32 s4, s1;
	s4 =	simm.s32 $0x0  }
0x6: {  	s19 =	simm.s32 $0x14080;
	[smem:$0x7FF] =	sst s4  }
0x7: {  	s20 =	simm.s32 $0x14100;
	_ =	strace $0x80000047;
	[dreg:$0x6] =	wrdreg s19  }
0x8: {  	s21 =	simm.s32 $0x14180;
	[dreg:$0x7] =	wrdreg s20  }
0x9: {  	s22 =	simm.s32 $0x14200;
	[dreg:$0x8] =	wrdreg s21  }
0xa: {  	s23 =	simm.s32 $0x15080;
	[dreg:$0x9] =	wrdreg s22  }
0xb: {  	s24 =	simm.s32 $0x14280;
	[dreg:$0xa] =	wrdreg s23  }
0xc: {  	s25 =	simm.s32 $0x15100;
	s7 =	simm.s32 $0x14300;
	[dreg:$0xb] =	wrdreg s24  }
0xd: {  	s9 =	simm.s32 $0x15180;
	s10 =	simm.s32 $0x14380;
	[dreg:$0xc] =	wrdreg s25  }
0xe: {  	s11 =	simm.s32 $0x15200;
	s12 =	simm.s32 $0x14400;
	[dreg:$0xd] =	wrdreg s7  }
0xf: {  	s13 =	simm.s32 $0x15280;
	s14 =	simm.s32 $0x14480;
	[dreg:$0xe] =	wrdreg s9  }
0x10: {  	s15 =	simm.s32 $0x15300;
	s17 =	simm.s32 $0x14500;
	[dreg:$0xf] =	wrdreg s10  }
0x11: {  	s28 =	simm.s32 $0x14B80;
	s29 =	simm.s32 $0x15A00;
	[dreg:$0x10] =	wrdreg s11  }
0x12: {  	s30 =	simm.s32 $0x14C00;
	s26 =	smul.u32 $0x27100, s0;
	[dreg:$0x11] =	wrdreg s12  }
0x13: {  	s6 =	smul.u32 $0x140000, s0;
	s0 =	ssub.s32 $0x2, s0;
	[dreg:$0x12] =	wrdreg s13  }
0x14: {  	s31 =	simm.s32 $0x15A80;
	s16 =	sshrl.u32 s0, $0x1;
	[dreg:$0x13] =	wrdreg s14  }
0x15: {  	s18 =	smul.u32 $0x50000, s8;
	s0 =	ssub.s32 s0, s16;
	[dreg:$0x14] =	wrdreg s15  }
0x16: {  	s1 =	sshrl.u32 s1, $0x3;
	s0 =	smax.u32 s0, $0x1;
	[dreg:$0x15] =	wrdreg s17  }
0x17: {  	s16 =	simm.s32 $0x14880;
	s1 =	sadd.s32 s1, s2;
	[smem:$0x7ED] =	sst s0  }
0x18: {  	s7 =	smul.u32 $0x14000, s8;
	s19 =	simm.s32 $0x15380;
	[smem:$0x7F1] =	sst s16  }
0x19: {  	s20 =	simm.s32 $0x14580;
	s21 =	sshrl.u32 s18, $0x2;
	[dreg:$0x16] =	wrdreg s19  }
0x1a: {  	s22 =	simm.s32 $0x15400;
	s23 =	simm.s32 $0x14600;
	[dreg:$0x17] =	wrdreg s20  }
0x1b: {  	s24 =	sshll.u32 s8, $0x6;
	s25 =	simm.s32 $0x15480;
	[dreg:$0x18] =	wrdreg s22  }
0x1c: {  	s9 =	simm.s32 $0x15500;
	s10 =	simm.s32 $0x14700;
	[dreg:$0x19] =	wrdreg s23  }
0x1d: {  	s11 =	simm.s32 $0x15580;
	s12 =	simm.s32 $0x14780;
	[dreg:$0x1a] =	wrdreg s25  }
0x1e: {  	s13 =	simm.s32 $0x15600;
	s14 =	simm.s32 $0x14800;
	[dreg:$0x1c] =	wrdreg s9  }
0x1f: {  	s15 =	simm.s32 $0x15680;
	s17 =	simm.s32 $0x15700;
	[dreg:$0x1d] =	wrdreg s10  }
0x20: {  	s18 =	simm.s32 $0x14900;
	s16 =	simm.s32 $0x1B000;
	[dreg:$0x1e] =	wrdreg s11  }
0x21: {  	s0 =	simm.s32 $0x15B80;
	s5 =	sadd.s32 $0x3200, s1;
	[dreg:$0x1f] =	wrdreg s12  }
0x22: {  	s1 =	sadd.s32 $0x2B200, s1;
	s8 =	sor.u32 $0x1C09, s24;
	[smem:$0x7EE] =	sst s13  }
0x23: {  	s10 =	simm.s32 $0x9;
	s11 =	simm.s32 $0x14000;
	[smem:$0x7EF] =	sst s14  }
0x24: {  	s12 =	simm.s32 $0x15000;
	s13 =	simm.s32 $0x50;
	[smem:$0x7F0] =	sst s15  }
0x25: {  	s14 =	simm.s32 $0x16000;
	s15 =	simm.s32 $0x18800;
	[smem:$0x7F2] =	sst s17  }
0x26: {  	[smem:$0x7F3] =	sst s18;
	s19 =	simm.s32 $0x15780;
	s17 =	simm.s32 $0x1D800  }
0x27: {  	s20 =	simm.s32 $0x14980;
	s18 =	simm.s32 $0x1;
	[dreg:$0x4] =	wrdreg s5  }
0x28: {  	s22 =	simm.s32 $0x14A00;
	s23 =	simm.s32 $0x15880;
	[dreg:$0x5] =	wrdreg s1  }
0x29: {  	s24 =	simm.s32 $0x14A80;
	s25 =	simm.s32 $0x15900;
	[smem:$0x7F4] =	sst s19  }
0x2a: {  	s9 =	simm.s32 $0x0;
	s5 =	sadd.s32 s26, s2;
	[smem:$0x7F5] =	sst s20  }
0x2b: {  	s6 =	sadd.s32 s7, s6;
	s7 =	sadd.s32 s21, s3;
	[smem:$0x7F7] =	sst s22  }
0x2c: {  	s26 =	simm.s32 $0x14680;
	s21 =	simm.s32 $0x15800;
	[smem:$0x7F8] =	sst s23  }
0x2d: {  	s19 =	simm.s32 $0x5;
	s20 =	simm.s32 $0x2;
	[smem:$0x7F9] =	sst s24  }
0x2e: {  	s22 =	simm.s32 $0x3;
	s23 =	simm.s32 $0x7;
	[smem:$0x7FA] =	sst s25  }
0x2f: {  	s24 =	simm.s32 $0x4;
	s25 =	simm.s32 $0x8;
	[smem:$0x7FC] =	sst s8  }
0x30: {  	s1 =	simm.s32 $0x15B00;
	s6 =	sshrl.u32 s6, $0x3;
	[dreg:$0x1b] =	wrdreg s26  }
0x31: {  	s7 =	sshrl.u32 s7, $0x3;
	[smem:$0x7F6] =	sst s21;
	s26 =	simm.s32 $0x14B00  }
0x32: {  	s21 =	simm.s32 $0x6;
	s2 =	sadd.s32 s6, s2;
	[smem:$0x7FB] =	sst s26  }
0x33: {  	s6 =	sadd.s32 $0x53200, s5;
	[smem:$0x7FD] =	sst s7;
	s2 =	sadd.s32 $0xA1400, s2  }
0x34: {  	s26 =	simm.s32 $0x15980;
	[smem:$0x7EC] =	sst s2;
	s2 =	simm.s32 $0x15C00  }
.LBB2_1:
0x35: {  	[smem:$0x7EB] =	sst s9  }
0x36: {  	s5 =	rddreg [dreg:$0x1]  }
0x37: {  	[spmem:s7], [sflag:s8] =	dma.local [hbm:s5], $0x2800  }
0x38: {  	_ =	swait.ge [sflag:s10], $0x2800  }
0x39: {  	[sflag:s10] =	ssyncset.done $0x0  }
0x3a: {  	[sflag:s10] =	ssyncadd.s32 $0xFFFFD800  }
0x3b: {  	[bflag:$0x0] =	sbarrier.arrive $0xFFFF  }
0x3c: {  	s9 =	rddreg [dreg:$0x5]  }
0x3d: {  	s5 =	sadd.s32 $0x0, s9  }
0x3e: {  	[tilespmem:s11], [sflag:$0x9] =	stream.linear.gather [hbm4b:s5+s4], $0xC80, $0x38;
	v63 =	vld [tilespmem:$0x0]  }
0x3f: {  	_ =	swait.ge [sflag:s10], $0xC80  }
0x40: {  	s7 =	rddreg [dreg:$0x4];
	[sflag:s10] =	ssyncset.done $0x0  }
0x41: {  	[sflag:s10] =	ssyncadd.s32 $0xFFFFF380;
	s5 =	sadd.s32 $0x0, s7  }
0x42: {  	[tilespmem:s12], [sflag:$0x9] =	stream.linear.gather [hbm4b:s5+s4], $0xC80, $0x38;
	v63 =	vld [tilespmem:$0x0]  }
0x43: {  	_ =	swait.ge [sflag:s10], $0xC80  }
0x44: {  	[sflag:s10] =	ssyncset.done $0x0  }
0x45: {  	[sflag:s10] =	ssyncadd.s32 $0xFFFFF380  }
0x46: {  	[tilespmem:s14], [sflag:$0x1] =	stream.indirect.gather [hbm4b:s6+s13], $0x80, s11, s13, $0xb8;
	v63 =	vld [tilespmem:$0x0]  }
0x47: {  	s8 =	rddreg [dreg:$0x6]  }
0x48: {  	[tilespmem:s15], [sflag:$0x2] =	stream.indirect.gather [hbm4b:s6+s13], $0x80, s8, s13, $0xb8;
	v63 =	vld [tilespmem:$0x0]  }
0x49: {  	s9 =	rddreg [dreg:$0x7]  }
0x4a: {  	[tilespmem:s16], [sflag:$0x3] =	stream.indirect.gather [hbm4b:s6+s13], $0x80, s9, s13, $0xb8;
	v63 =	vld [tilespmem:$0x0]  }
0x4b: {  	s7 =	rddreg [dreg:$0x8]  }
0x4c: {  	[tilespmem:s17], [sflag:$0x4] =	stream.indirect.gather [hbm4b:s6+s13], $0x80, s7, s13, $0xb8;
	v63 =	vld [tilespmem:$0x0]  }
0x4d: {  	_ =	swait.ge [sflag:s18], $0x2800  }
0x4e: {  	[sflag:s18] =	ssyncset.done $0x0  }
0x4f: {  	[sflag:s18] =	ssyncadd.s32 $0xFFFFD800  }
0x50: {  	[spmem:s3] =	stream.indirect.scatter.add.f32 [tilespmem:s14], [sflag:$0x5], $0x80, s12, s13, $0xb8;
	v63 =	vld [tilespmem:$0x0]  }
0x51: {  	_ =	swait.ge [sflag:s19], $0x2800  }
0x52: {  	[sflag:s19] =	ssyncset.done $0x0  }
0x53: {  	s9 =	rddreg [dreg:$0x9];
	[sflag:s19] =	ssyncadd.s32 $0xFFFFD800  }
0x54: {  	[tilespmem:s14], [sflag:$0x1] =	stream.indirect.gather [hbm4b:s6+s13], $0x80, s9, s13, $0xb8;
	v63 =	vld [tilespmem:$0x0]  }
0x55: {  	_ =	swait.ge [sflag:s20], $0x2800  }
0x56: {  	[sflag:s20] =	ssyncset.done $0x0  }
0x57: {  	s7 =	rddreg [dreg:$0xa];
	[sflag:s20] =	ssyncadd.s32 $0xFFFFD800  }
0x58: {  	[spmem:s3] =	stream.indirect.scatter.add.f32 [tilespmem:s15], [sflag:$0x6], $0x80, s7, s13, $0xb8;
	v63 =	vld [tilespmem:$0x0]  }
0x59: {  	_ =	swait.ge [sflag:s21], $0x2800  }
0x5a: {  	[sflag:s21] =	ssyncset.done $0x0  }
0x5b: {  	s8 =	rddreg [dreg:$0xb];
	[sflag:s21] =	ssyncadd.s32 $0xFFFFD800  }
0x5c: {  	[tilespmem:s15], [sflag:$0x2] =	stream.indirect.gather [hbm4b:s6+s13], $0x80, s8, s13, $0xb8;
	v63 =	vld [tilespmem:$0x0]  }
0x5d: {  	_ =	swait.ge [sflag:s22], $0x2800  }
0x5e: {  	[sflag:s22] =	ssyncset.done $0x0  }
0x5f: {  	s9 =	rddreg [dreg:$0xc];
	[sflag:s22] =	ssyncadd.s32 $0xFFFFD800  }
0x60: {  	[spmem:s3] =	stream.indirect.scatter.add.f32 [tilespmem:s16], [sflag:$0x7], $0x80, s9, s13, $0xb8;
	v63 =	vld [tilespmem:$0x0]  }
0x61: {  	_ =	swait.ge [sflag:s23], $0x2800  }
0x62: {  	[sflag:s23] =	ssyncset.done $0x0  }
0x63: {  	s7 =	rddreg [dreg:$0xd];
	[sflag:s23] =	ssyncadd.s32 $0xFFFFD800  }
0x64: {  	[tilespmem:s16], [sflag:$0x3] =	stream.indirect.gather [hbm4b:s6+s13], $0x80, s7, s13, $0xb8;
	v63 =	vld [tilespmem:$0x0]  }
0x65: {  	_ =	swait.ge [sflag:s24], $0x2800  }
0x66: {  	[sflag:s24] =	ssyncset.done $0x0  }
0x67: {  	s8 =	rddreg [dreg:$0xe];
	[sflag:s24] =	ssyncadd.s32 $0xFFFFD800  }
0x68: {  	[spmem:s3] =	stream.indirect.scatter.add.f32 [tilespmem:s17], [sflag:$0x8], $0x80, s8, s13, $0xb8;
	v63 =	vld [tilespmem:$0x0]  }
0x69: {  	_ =	swait.ge [sflag:s25], $0x2800  }
0x6a: {  	[sflag:s25] =	ssyncset.done $0x0  }
0x6b: {  	s9 =	rddreg [dreg:$0xf];
	[sflag:s25] =	ssyncadd.s32 $0xFFFFD800  }
0x6c: {  	[tilespmem:s17], [sflag:$0x4] =	stream.indirect.gather [hbm4b:s6+s13], $0x80, s9, s13, $0xb8;
	v63 =	vld [tilespmem:$0x0]  }
0x6d: {  	_ =	swait.ge [sflag:s18], $0x2800  }
0x6e: {  	[sflag:s18] =	ssyncset.done $0x0  }
0x6f: {  	s7 =	rddreg [dreg:$0x10];
	[sflag:s18] =	ssyncadd.s32 $0xFFFFD800  }
0x70: {  	[spmem:s3] =	stream.indirect.scatter.add.f32 [tilespmem:s14], [sflag:$0x5], $0x80, s7, s13, $0xb8;
	v63 =	vld [tilespmem:$0x0]  }
0x71: {  	_ =	swait.ge [sflag:s19], $0x2800  }
0x72: {  	[sflag:s19] =	ssyncset.done $0x0  }
0x73: {  	s8 =	rddreg [dreg:$0x11];
	[sflag:s19] =	ssyncadd.s32 $0xFFFFD800  }
0x74: {  	[tilespmem:s14], [sflag:$0x1] =	stream.indirect.gather [hbm4b:s6+s13], $0x80, s8, s13, $0xb8;
	v63 =	vld [tilespmem:$0x0]  }
0x75: {  	_ =	swait.ge [sflag:s20], $0x2800  }
0x76: {  	[sflag:s20] =	ssyncset.done $0x0  }
0x77: {  	s9 =	rddreg [dreg:$0x12];
	[sflag:s20] =	ssyncadd.s32 $0xFFFFD800  }
0x78: {  	[spmem:s3] =	stream.indirect.scatter.add.f32 [tilespmem:s15], [sflag:$0x6], $0x80, s9, s13, $0xb8;
	v63 =	vld [tilespmem:$0x0]  }
0x79: {  	_ =	swait.ge [sflag:s21], $0x2800  }
0x7a: {  	[sflag:s21] =	ssyncset.done $0x0  }
0x7b: {  	s7 =	rddreg [dreg:$0x13];
	[sflag:s21] =	ssyncadd.s32 $0xFFFFD800  }
0x7c: {  	[tilespmem:s15], [sflag:$0x2] =	stream.indirect.gather [hbm4b:s6+s13], $0x80, s7, s13, $0xb8;
	v63 =	vld [tilespmem:$0x0]  }
0x7d: {  	_ =	swait.ge [sflag:s22], $0x2800  }
0x7e: {  	[sflag:s22] =	ssyncset.done $0x0  }
0x7f: {  	s8 =	rddreg [dreg:$0x14];
	[sflag:s22] =	ssyncadd.s32 $0xFFFFD800  }
0x80: {  	[spmem:s3] =	stream.indirect.scatter.add.f32 [tilespmem:s16], [sflag:$0x7], $0x80, s8, s13, $0xb8;
	v63 =	vld [tilespmem:$0x0]  }
0x81: {  	_ =	swait.ge [sflag:s23], $0x2800  }
0x82: {  	[sflag:s23] =	ssyncset.done $0x0  }
0x83: {  	s9 =	rddreg [dreg:$0x15];
	[sflag:s23] =	ssyncadd.s32 $0xFFFFD800  }
0x84: {  	[tilespmem:s16], [sflag:$0x3] =	stream.indirect.gather [hbm4b:s6+s13], $0x80, s9, s13, $0xb8;
	v63 =	vld [tilespmem:$0x0]  }
0x85: {  	_ =	swait.ge [sflag:s24], $0x2800  }
0x86: {  	[sflag:s24] =	ssyncset.done $0x0  }
0x87: {  	s7 =	rddreg [dreg:$0x16];
	[sflag:s24] =	ssyncadd.s32 $0xFFFFD800  }
0x88: {  	[spmem:s3] =	stream.indirect.scatter.add.f32 [tilespmem:s17], [sflag:$0x8], $0x80, s7, s13, $0xb8;
	v63 =	vld [tilespmem:$0x0]  }
0x89: {  	_ =	swait.ge [sflag:s25], $0x2800  }
0x8a: {  	[sflag:s25] =	ssyncset.done $0x0  }
0x8b: {  	s8 =	rddreg [dreg:$0x17];
	[sflag:s25] =	ssyncadd.s32 $0xFFFFD800  }
0x8c: {  	[tilespmem:s17], [sflag:$0x4] =	stream.indirect.gather [hbm4b:s6+s13], $0x80, s8, s13, $0xb8;
	v63 =	vld [tilespmem:$0x0]  }
0x8d: {  	_ =	swait.ge [sflag:s18], $0x2800  }
0x8e: {  	[sflag:s18] =	ssyncset.done $0x0  }
0x8f: {  	s9 =	rddreg [dreg:$0x18];
	[sflag:s18] =	ssyncadd.s32 $0xFFFFD800  }
0x90: {  	[spmem:s3] =	stream.indirect.scatter.add.f32 [tilespmem:s14], [sflag:$0x5], $0x80, s9, s13, $0xb8;
	v63 =	vld [tilespmem:$0x0]  }
0x91: {  	_ =	swait.ge [sflag:s19], $0x2800  }
0x92: {  	[sflag:s19] =	ssyncset.done $0x0  }
0x93: {  	s7 =	rddreg [dreg:$0x19];
	[sflag:s19] =	ssyncadd.s32 $0xFFFFD800  }
0x94: {  	[tilespmem:s14], [sflag:$0x1] =	stream.indirect.gather [hbm4b:s6+s13], $0x80, s7, s13, $0xb8;
	v63 =	vld [tilespmem:$0x0]  }
0x95: {  	_ =	swait.ge [sflag:s20], $0x2800  }
0x96: {  	[sflag:s20] =	ssyncset.done $0x0  }
0x97: {  	s8 =	rddreg [dreg:$0x1a];
	[sflag:s20] =	ssyncadd.s32 $0xFFFFD800  }
0x98: {  	[spmem:s3] =	stream.indirect.scatter.add.f32 [tilespmem:s15], [sflag:$0x6], $0x80, s8, s13, $0xb8;
	v63 =	vld [tilespmem:$0x0]  }
0x99: {  	_ =	swait.ge [sflag:s21], $0x2800  }
0x9a: {  	[sflag:s21] =	ssyncset.done $0x0  }
0x9b: {  	s9 =	rddreg [dreg:$0x1b];
	[sflag:s21] =	ssyncadd.s32 $0xFFFFD800  }
0x9c: {  	[tilespmem:s15], [sflag:$0x2] =	stream.indirect.gather [hbm4b:s6+s13], $0x80, s9, s13, $0xb8;
	v63 =	vld [tilespmem:$0x0]  }
0x9d: {  	_ =	swait.ge [sflag:s22], $0x2800  }
0x9e: {  	[sflag:s22] =	ssyncset.done $0x0  }
0x9f: {  	s7 =	rddreg [dreg:$0x1c];
	[sflag:s22] =	ssyncadd.s32 $0xFFFFD800  }
0xa0: {  	[spmem:s3] =	stream.indirect.scatter.add.f32 [tilespmem:s16], [sflag:$0x7], $0x80, s7, s13, $0xb8;
	v63 =	vld [tilespmem:$0x0]  }
0xa1: {  	_ =	swait.ge [sflag:s23], $0x2800  }
0xa2: {  	[sflag:s23] =	ssyncset.done $0x0  }
0xa3: {  	s8 =	rddreg [dreg:$0x1d];
	[sflag:s23] =	ssyncadd.s32 $0xFFFFD800  }
0xa4: {  	[tilespmem:s16], [sflag:$0x3] =	stream.indirect.gather [hbm4b:s6+s13], $0x80, s8, s13, $0xb8;
	v63 =	vld [tilespmem:$0x0]  }
0xa5: {  	_ =	swait.ge [sflag:s24], $0x2800  }
0xa6: {  	[sflag:s24] =	ssyncset.done $0x0  }
0xa7: {  	s9 =	rddreg [dreg:$0x1e];
	[sflag:s24] =	ssyncadd.s32 $0xFFFFD800  }
0xa8: {  	[spmem:s3] =	stream.indirect.scatter.add.f32 [tilespmem:s17], [sflag:$0x8], $0x80, s9, s13, $0xb8;
	v63 =	vld [tilespmem:$0x0]  }
0xa9: {  	_ =	swait.ge [sflag:s25], $0x2800  }
0xaa: {  	[sflag:s25] =	ssyncset.done $0x0  }
0xab: {  	s7 =	rddreg [dreg:$0x1f];
	[sflag:s25] =	ssyncadd.s32 $0xFFFFD800  }
0xac: {  	[tilespmem:s17], [sflag:$0x4] =	stream.indirect.gather [hbm4b:s6+s13], $0x80, s7, s13, $0xb8;
	v63 =	vld [tilespmem:$0x0]  }
0xad: {  	_ =	swait.ge [sflag:s18], $0x2800  }
0xae: {  	s8 =	sld [smem:$0x7EE]  }
0xaf: {  	[sflag:s18] =	ssyncset.done $0x0  }
0xb0: {  	[sflag:s18] =	ssyncadd.s32 $0xFFFFD800  }
0xb1: {  	[spmem:s3] =	stream.indirect.scatter.add.f32 [tilespmem:s14], [sflag:$0x5], $0x80, s8, s13, $0xb8;
	v63 =	vld [tilespmem:$0x0]  }
0xb2: {  	_ =	swait.ge [sflag:s19], $0x2800  }
0xb3: {  	s9 =	sld [smem:$0x7EF]  }
0xb4: {  	[sflag:s19] =	ssyncset.done $0x0  }
0xb5: {  	[sflag:s19] =	ssyncadd.s32 $0xFFFFD800  }
0xb6: {  	[tilespmem:s14], [sflag:$0x1] =	stream.indirect.gather [hbm4b:s6+s13], $0x80, s9, s13, $0xb8;
	v63 =	vld [tilespmem:$0x0]  }
0xb7: {  	_ =	swait.ge [sflag:s20], $0x2800  }
0xb8: {  	s7 =	sld [smem:$0x7F0]  }
0xb9: {  	[sflag:s20] =	ssyncset.done $0x0  }
0xba: {  	[sflag:s20] =	ssyncadd.s32 $0xFFFFD800  }
0xbb: {  	[spmem:s3] =	stream.indirect.scatter.add.f32 [tilespmem:s15], [sflag:$0x6], $0x80, s7, s13, $0xb8;
	v63 =	vld [tilespmem:$0x0]  }
0xbc: {  	_ =	swait.ge [sflag:s21], $0x2800  }
0xbd: {  	s8 =	sld [smem:$0x7F1]  }
0xbe: {  	[sflag:s21] =	ssyncset.done $0x0  }
0xbf: {  	[sflag:s21] =	ssyncadd.s32 $0xFFFFD800  }
0xc0: {  	[tilespmem:s15], [sflag:$0x2] =	stream.indirect.gather [hbm4b:s6+s13], $0x80, s8, s13, $0xb8;
	v63 =	vld [tilespmem:$0x0]  }
0xc1: {  	_ =	swait.ge [sflag:s22], $0x2800  }
0xc2: {  	s9 =	sld [smem:$0x7F2]  }
0xc3: {  	[sflag:s22] =	ssyncset.done $0x0  }
0xc4: {  	[sflag:s22] =	ssyncadd.s32 $0xFFFFD800  }
0xc5: {  	[spmem:s3] =	stream.indirect.scatter.add.f32 [tilespmem:s16], [sflag:$0x7], $0x80, s9, s13, $0xb8;
	v63 =	vld [tilespmem:$0x0]  }
0xc6: {  	_ =	swait.ge [sflag:s23], $0x2800  }
0xc7: {  	s7 =	sld [smem:$0x7F3]  }
0xc8: {  	[sflag:s23] =	ssyncset.done $0x0  }
0xc9: {  	[sflag:s23] =	ssyncadd.s32 $0xFFFFD800  }
0xca: {  	[tilespmem:s16], [sflag:$0x3] =	stream.indirect.gather [hbm4b:s6+s13], $0x80, s7, s13, $0xb8;
	v63 =	vld [tilespmem:$0x0]  }
0xcb: {  	_ =	swait.ge [sflag:s24], $0x2800  }
0xcc: {  	s8 =	sld [smem:$0x7F4]  }
0xcd: {  	[sflag:s24] =	ssyncset.done $0x0  }
0xce: {  	[sflag:s24] =	ssyncadd.s32 $0xFFFFD800  }
0xcf: {  	[spmem:s3] =	stream.indirect.scatter.add.f32 [tilespmem:s17], [sflag:$0x8], $0x80, s8, s13, $0xb8;
	v63 =	vld [tilespmem:$0x0]  }
0xd0: {  	_ =	swait.ge [sflag:s25], $0x2800  }
0xd1: {  	s9 =	sld [smem:$0x7F5]  }
0xd2: {  	[sflag:s25] =	ssyncset.done $0x0  }
0xd3: {  	[sflag:s25] =	ssyncadd.s32 $0xFFFFD800  }
0xd4: {  	[tilespmem:s17], [sflag:$0x4] =	stream.indirect.gather [hbm4b:s6+s13], $0x80, s9, s13, $0xb8;
	v63 =	vld [tilespmem:$0x0]  }
0xd5: {  	_ =	swait.ge [sflag:s18], $0x2800  }
0xd6: {  	s7 =	sld [smem:$0x7F6]  }
0xd7: {  	[sflag:s18] =	ssyncset.done $0x0  }
0xd8: {  	[sflag:s18] =	ssyncadd.s32 $0xFFFFD800  }
0xd9: {  	[spmem:s3] =	stream.indirect.scatter.add.f32 [tilespmem:s14], [sflag:$0x5], $0x80, s7, s13, $0xb8;
	v63 =	vld [tilespmem:$0x0]  }
0xda: {  	_ =	swait.ge [sflag:s19], $0x2800  }
0xdb: {  	s8 =	sld [smem:$0x7F7]  }
0xdc: {  	[sflag:s19] =	ssyncset.done $0x0  }
0xdd: {  	[sflag:s19] =	ssyncadd.s32 $0xFFFFD800  }
0xde: {  	[tilespmem:s14], [sflag:$0x1] =	stream.indirect.gather [hbm4b:s6+s13], $0x80, s8, s13, $0xb8;
	v63 =	vld [tilespmem:$0x0]  }
0xdf: {  	_ =	swait.ge [sflag:s20], $0x2800  }
0xe0: {  	s9 =	sld [smem:$0x7F8]  }
0xe1: {  	[sflag:s20] =	ssyncset.done $0x0  }
0xe2: {  	[sflag:s20] =	ssyncadd.s32 $0xFFFFD800  }
0xe3: {  	[spmem:s3] =	stream.indirect.scatter.add.f32 [tilespmem:s15], [sflag:$0x6], $0x80, s9, s13, $0xb8;
	v63 =	vld [tilespmem:$0x0]  }
0xe4: {  	_ =	swait.ge [sflag:s21], $0x2800  }
0xe5: {  	s7 =	sld [smem:$0x7F9]  }
0xe6: {  	[sflag:s21] =	ssyncset.done $0x0  }
0xe7: {  	[sflag:s21] =	ssyncadd.s32 $0xFFFFD800  }
0xe8: {  	[tilespmem:s15], [sflag:$0x2] =	stream.indirect.gather [hbm4b:s6+s13], $0x80, s7, s13, $0xb8;
	v63 =	vld [tilespmem:$0x0]  }
0xe9: {  	_ =	swait.ge [sflag:s22], $0x2800  }
0xea: {  	s8 =	sld [smem:$0x7FA]  }
0xeb: {  	[sflag:s22] =	ssyncset.done $0x0  }
0xec: {  	[sflag:s22] =	ssyncadd.s32 $0xFFFFD800  }
0xed: {  	[spmem:s3] =	stream.indirect.scatter.add.f32 [tilespmem:s16], [sflag:$0x7], $0x80, s8, s13, $0xb8;
	v63 =	vld [tilespmem:$0x0]  }
0xee: {  	_ =	swait.ge [sflag:s23], $0x2800  }
0xef: {  	s9 =	sld [smem:$0x7FB]  }
0xf0: {  	[sflag:s23] =	ssyncset.done $0x0  }
0xf1: {  	[sflag:s23] =	ssyncadd.s32 $0xFFFFD800  }
0xf2: {  	[tilespmem:s16], [sflag:$0x3] =	stream.indirect.gather [hbm4b:s6+s13], $0x80, s9, s13, $0xb8;
	v63 =	vld [tilespmem:$0x0]  }
0xf3: {  	_ =	swait.ge [sflag:s24], $0x2800  }
0xf4: {  	[sflag:s24] =	ssyncset.done $0x0  }
0xf5: {  	[sflag:s24] =	ssyncadd.s32 $0xFFFFD800  }
0xf6: {  	[spmem:s3] =	stream.indirect.scatter.add.f32 [tilespmem:s17], [sflag:$0x8], $0x80, s26, s13, $0xb8;
	v63 =	vld [tilespmem:$0x0]  }
0xf7: {  	_ =	swait.ge [sflag:s25], $0x2800  }
0xf8: {  	[sflag:s25] =	ssyncset.done $0x0  }
0xf9: {  	[sflag:s25] =	ssyncadd.s32 $0xFFFFD800  }
0xfa: {  	[tilespmem:s17], [sflag:$0x4] =	stream.indirect.gather [hbm4b:s6+s13], $0x80, s28, s13, $0xb8;
	v63 =	vld [tilespmem:$0x0]  }
0xfb: {  	_ =	swait.ge [sflag:s18], $0x2800  }
0xfc: {  	[sflag:s18] =	ssyncset.done $0x0  }
0xfd: {  	[sflag:s18] =	ssyncadd.s32 $0xFFFFD800  }
0xfe: {  	[spmem:s3] =	stream.indirect.scatter.add.f32 [tilespmem:s14], [sflag:$0x5], $0x80, s29, s13, $0xb8;
	v63 =	vld [tilespmem:$0x0]  }
0xff: {  	_ =	swait.ge [sflag:s19], $0x2800  }
0x100: {  	[sflag:s19] =	ssyncset.done $0x0  }
0x101: {  	[sflag:s19] =	ssyncadd.s32 $0xFFFFD800  }
0x102: {  	[tilespmem:s14], [sflag:$0x1] =	stream.indirect.gather [hbm4b:s6+s13], $0x80, s30, s13, $0xb8;
	v63 =	vld [tilespmem:$0x0]  }
0x103: {  	_ =	swait.ge [sflag:s20], $0x2800  }
0x104: {  	[sflag:s20] =	ssyncset.done $0x0  }
0x105: {  	[sflag:s20] =	ssyncadd.s32 $0xFFFFD800  }
0x106: {  	[spmem:s3] =	stream.indirect.scatter.add.f32 [tilespmem:s15], [sflag:$0x6], $0x80, s31, s13, $0xb8;
	v63 =	vld [tilespmem:$0x0]  }
0x107: {  	_ =	swait.ge [sflag:s22], $0x2800  }
0x108: {  	[sflag:s22] =	ssyncset.done $0x0  }
0x109: {  	[sflag:s22] =	ssyncadd.s32 $0xFFFFD800  }
0x10a: {  	[spmem:s3] =	stream.indirect.scatter.add.f32 [tilespmem:s16], [sflag:$0x7], $0x80, s1, s13, $0xb8;
	v63 =	vld [tilespmem:$0x0]  }
0x10b: {  	_ =	swait.ge [sflag:s24], $0x2800  }
0x10c: {  	[sflag:s24] =	ssyncset.done $0x0  }
0x10d: {  	[sflag:s24] =	ssyncadd.s32 $0xFFFFD800  }
0x10e: {  	[spmem:s3] =	stream.indirect.scatter.add.f32 [tilespmem:s17], [sflag:$0x8], $0x80, s0, s13, $0xb8;
	v63 =	vld [tilespmem:$0x0]  }
0x10f: {  	_ =	swait.ge [sflag:s18], $0x2800  }
0x110: {  	[sflag:s18] =	ssyncset.done $0x0  }
0x111: {  	[sflag:s18] =	ssyncadd.s32 $0xFFFFD800  }
0x112: {  	[spmem:s3] =	stream.indirect.scatter.add.f32 [tilespmem:s14], [sflag:$0x5], $0x80, s2, s13, $0xb8;
	v63 =	vld [tilespmem:$0x0]  }
0x113: {  	_ =	swait.ge [sflag:s21], $0x2800  }
0x114: {  	[sflag:s21] =	ssyncset.done $0x0  }
0x115: {  	[sflag:s21] =	ssyncadd.s32 $0xFFFFD800  }
0x116: {  	_ =	swait.ge [sflag:s23], $0x2800  }
0x117: {  	[sflag:s23] =	ssyncset.done $0x0  }
0x118: {  	[sflag:s23] =	ssyncadd.s32 $0xFFFFD800  }
0x119: {  	_ =	swait.ge [sflag:s25], $0x2800  }
0x11a: {  	[sflag:s25] =	ssyncset.done $0x0  }
0x11b: {  	[sflag:s25] =	ssyncadd.s32 $0xFFFFD800  }
0x11c: {  	s5 =	simm.s32 $0x400;
	_ =	swait.ge [sflag:s19], $0x2800  }
0x11d: {  	s8 =	simm.s32 $0x200;
	s9 =	rddreg [dreg:$0x5];
	[sflag:s19] =	ssyncset.done $0x0  }
.LBB2_2:
0x11e: {  	[sflag:s19] =	ssyncadd.s32 $0xFFFFD800;
	s9 =	sadd.s32 s8, s9  }
0x11f: {  	[tilespmem:s11], [sflag:$0x9] =	stream.linear.gather [hbm4b:s9+s4], $0xC80, $0x38;
	v63 =	vld [tilespmem:$0x0]  }
0x120: {  	_ =	swait.ge [sflag:s10], $0xC80  }
0x121: {  	s9 =	rddreg [dreg:$0x4];
	[sflag:s10] =	ssyncset.done $0x0  }
0x122: {  	[sflag:s10] =	ssyncadd.s32 $0xFFFFF380;
	s9 =	sadd.s32 s8, s9  }
0x123: {  	[tilespmem:s12], [sflag:$0x9] =	stream.linear.gather [hbm4b:s9+s4], $0xC80, $0x38;
	v63 =	vld [tilespmem:$0x0]  }
0x124: {  	_ =	swait.ge [sflag:s10], $0xC80  }
0x125: {  	[sflag:s10] =	ssyncset.done $0x0  }
0x126: {  	s7 =	smov.u32 s5;
	[sflag:s10] =	ssyncadd.s32 $0xFFFFF380  }
0x127: {  	[tilespmem:s14], [sflag:$0x1] =	stream.indirect.gather [hbm4b:s6+s13], $0x80, s11, s13, $0xb8;
	v63 =	vld [tilespmem:$0x0]  }
0x128: {  	s8 =	smov.u32 s7;
	s7 =	rddreg [dreg:$0x6]  }
0x129: {  	[tilespmem:s15], [sflag:$0x2] =	stream.indirect.gather [hbm4b:s6+s13], $0x80, s7, s13, $0xb8;
	v63 =	vld [tilespmem:$0x0]  }
0x12a: {  	s9 =	rddreg [dreg:$0x7]  }
0x12b: {  	[tilespmem:s16], [sflag:$0x3] =	stream.indirect.gather [hbm4b:s6+s13], $0x80, s9, s13, $0xb8;
	v63 =	vld [tilespmem:$0x0]  }
0x12c: {  	s7 =	rddreg [dreg:$0x8]  }
0x12d: {  	[tilespmem:s17], [sflag:$0x4] =	stream.indirect.gather [hbm4b:s6+s13], $0x80, s7, s13, $0xb8;
	v63 =	vld [tilespmem:$0x0]  }
0x12e: {  	_ =	swait.ge [sflag:s18], $0x2800  }
0x12f: {  	[sflag:s18] =	ssyncset.done $0x0  }
0x130: {  	[sflag:s18] =	ssyncadd.s32 $0xFFFFD800  }
0x131: {  	[spmem:s3] =	stream.indirect.scatter.add.f32 [tilespmem:s14], [sflag:$0x5], $0x80, s12, s13, $0xb8;
	v63 =	vld [tilespmem:$0x0]  }
0x132: {  	_ =	swait.ge [sflag:s19], $0x2800  }
0x133: {  	[sflag:s19] =	ssyncset.done $0x0  }
0x134: {  	s9 =	rddreg [dreg:$0x9];
	[sflag:s19] =	ssyncadd.s32 $0xFFFFD800  }
0x135: {  	[tilespmem:s14], [sflag:$0x1] =	stream.indirect.gather [hbm4b:s6+s13], $0x80, s9, s13, $0xb8;
	v63 =	vld [tilespmem:$0x0]  }
0x136: {  	_ =	swait.ge [sflag:s20], $0x2800  }
0x137: {  	[sflag:s20] =	ssyncset.done $0x0  }
0x138: {  	s9 =	rddreg [dreg:$0xa];
	[sflag:s20] =	ssyncadd.s32 $0xFFFFD800  }
0x139: {  	[spmem:s3] =	stream.indirect.scatter.add.f32 [tilespmem:s15], [sflag:$0x6], $0x80, s9, s13, $0xb8;
	v63 =	vld [tilespmem:$0x0]  }
0x13a: {  	_ =	swait.ge [sflag:s21], $0x2800  }
0x13b: {  	[sflag:s21] =	ssyncset.done $0x0  }
0x13c: {  	s9 =	rddreg [dreg:$0xb];
	[sflag:s21] =	ssyncadd.s32 $0xFFFFD800  }
0x13d: {  	[tilespmem:s15], [sflag:$0x2] =	stream.indirect.gather [hbm4b:s6+s13], $0x80, s9, s13, $0xb8;
	v63 =	vld [tilespmem:$0x0]  }
0x13e: {  	_ =	swait.ge [sflag:s22], $0x2800  }
0x13f: {  	[sflag:s22] =	ssyncset.done $0x0  }
0x140: {  	s9 =	rddreg [dreg:$0xc];
	[sflag:s22] =	ssyncadd.s32 $0xFFFFD800  }
0x141: {  	[spmem:s3] =	stream.indirect.scatter.add.f32 [tilespmem:s16], [sflag:$0x7], $0x80, s9, s13, $0xb8;
	v63 =	vld [tilespmem:$0x0]  }
0x142: {  	_ =	swait.ge [sflag:s23], $0x2800  }
0x143: {  	[sflag:s23] =	ssyncset.done $0x0  }
0x144: {  	s9 =	rddreg [dreg:$0xd];
	[sflag:s23] =	ssyncadd.s32 $0xFFFFD800  }
0x145: {  	[tilespmem:s16], [sflag:$0x3] =	stream.indirect.gather [hbm4b:s6+s13], $0x80, s9, s13, $0xb8;
	v63 =	vld [tilespmem:$0x0]  }
0x146: {  	_ =	swait.ge [sflag:s24], $0x2800  }
0x147: {  	[sflag:s24] =	ssyncset.done $0x0  }
0x148: {  	s9 =	rddreg [dreg:$0xe];
	[sflag:s24] =	ssyncadd.s32 $0xFFFFD800  }
0x149: {  	[spmem:s3] =	stream.indirect.scatter.add.f32 [tilespmem:s17], [sflag:$0x8], $0x80, s9, s13, $0xb8;
	v63 =	vld [tilespmem:$0x0]  }
0x14a: {  	_ =	swait.ge [sflag:s25], $0x2800  }
0x14b: {  	[sflag:s25] =	ssyncset.done $0x0  }
0x14c: {  	s9 =	rddreg [dreg:$0xf];
	[sflag:s25] =	ssyncadd.s32 $0xFFFFD800  }
0x14d: {  	[tilespmem:s17], [sflag:$0x4] =	stream.indirect.gather [hbm4b:s6+s13], $0x80, s9, s13, $0xb8;
	v63 =	vld [tilespmem:$0x0]  }
0x14e: {  	_ =	swait.ge [sflag:s18], $0x2800  }
0x14f: {  	[sflag:s18] =	ssyncset.done $0x0  }
0x150: {  	s9 =	rddreg [dreg:$0x10];
	[sflag:s18] =	ssyncadd.s32 $0xFFFFD800  }
0x151: {  	[spmem:s3] =	stream.indirect.scatter.add.f32 [tilespmem:s14], [sflag:$0x5], $0x80, s9, s13, $0xb8;
	v63 =	vld [tilespmem:$0x0]  }
0x152: {  	_ =	swait.ge [sflag:s19], $0x2800  }
0x153: {  	[sflag:s19] =	ssyncset.done $0x0  }
0x154: {  	s9 =	rddreg [dreg:$0x11];
	[sflag:s19] =	ssyncadd.s32 $0xFFFFD800  }
0x155: {  	[tilespmem:s14], [sflag:$0x1] =	stream.indirect.gather [hbm4b:s6+s13], $0x80, s9, s13, $0xb8;
	v63 =	vld [tilespmem:$0x0]  }
0x156: {  	_ =	swait.ge [sflag:s20], $0x2800  }
0x157: {  	[sflag:s20] =	ssyncset.done $0x0  }
0x158: {  	s9 =	rddreg [dreg:$0x12];
	[sflag:s20] =	ssyncadd.s32 $0xFFFFD800  }
0x159: {  	[spmem:s3] =	stream.indirect.scatter.add.f32 [tilespmem:s15], [sflag:$0x6], $0x80, s9, s13, $0xb8;
	v63 =	vld [tilespmem:$0x0]  }
0x15a: {  	_ =	swait.ge [sflag:s21], $0x2800  }
0x15b: {  	[sflag:s21] =	ssyncset.done $0x0  }
0x15c: {  	s9 =	rddreg [dreg:$0x13];
	[sflag:s21] =	ssyncadd.s32 $0xFFFFD800  }
0x15d: {  	[tilespmem:s15], [sflag:$0x2] =	stream.indirect.gather [hbm4b:s6+s13], $0x80, s9, s13, $0xb8;
	v63 =	vld [tilespmem:$0x0]  }
0x15e: {  	_ =	swait.ge [sflag:s22], $0x2800  }
0x15f: {  	[sflag:s22] =	ssyncset.done $0x0  }
0x160: {  	s9 =	rddreg [dreg:$0x14];
	[sflag:s22] =	ssyncadd.s32 $0xFFFFD800  }
0x161: {  	[spmem:s3] =	stream.indirect.scatter.add.f32 [tilespmem:s16], [sflag:$0x7], $0x80, s9, s13, $0xb8;
	v63 =	vld [tilespmem:$0x0]  }
0x162: {  	_ =	swait.ge [sflag:s23], $0x2800  }
0x163: {  	[sflag:s23] =	ssyncset.done $0x0  }
0x164: {  	s9 =	rddreg [dreg:$0x15];
	[sflag:s23] =	ssyncadd.s32 $0xFFFFD800  }
0x165: {  	[tilespmem:s16], [sflag:$0x3] =	stream.indirect.gather [hbm4b:s6+s13], $0x80, s9, s13, $0xb8;
	v63 =	vld [tilespmem:$0x0]  }
0x166: {  	_ =	swait.ge [sflag:s24], $0x2800  }
0x167: {  	[sflag:s24] =	ssyncset.done $0x0  }
0x168: {  	s9 =	rddreg [dreg:$0x16];
	[sflag:s24] =	ssyncadd.s32 $0xFFFFD800  }
0x169: {  	[spmem:s3] =	stream.indirect.scatter.add.f32 [tilespmem:s17], [sflag:$0x8], $0x80, s9, s13, $0xb8;
	v63 =	vld [tilespmem:$0x0]  }
0x16a: {  	_ =	swait.ge [sflag:s25], $0x2800  }
0x16b: {  	[sflag:s25] =	ssyncset.done $0x0  }
0x16c: {  	s9 =	rddreg [dreg:$0x17];
	[sflag:s25] =	ssyncadd.s32 $0xFFFFD800  }
0x16d: {  	[tilespmem:s17], [sflag:$0x4] =	stream.indirect.gather [hbm4b:s6+s13], $0x80, s9, s13, $0xb8;
	v63 =	vld [tilespmem:$0x0]  }
0x16e: {  	_ =	swait.ge [sflag:s18], $0x2800  }
0x16f: {  	[sflag:s18] =	ssyncset.done $0x0  }
0x170: {  	s9 =	rddreg [dreg:$0x18];
	[sflag:s18] =	ssyncadd.s32 $0xFFFFD800  }
0x171: {  	[spmem:s3] =	stream.indirect.scatter.add.f32 [tilespmem:s14], [sflag:$0x5], $0x80, s9, s13, $0xb8;
	v63 =	vld [tilespmem:$0x0]  }
0x172: {  	_ =	swait.ge [sflag:s19], $0x2800  }
0x173: {  	[sflag:s19] =	ssyncset.done $0x0  }
0x174: {  	s9 =	rddreg [dreg:$0x19];
	[sflag:s19] =	ssyncadd.s32 $0xFFFFD800  }
0x175: {  	[tilespmem:s14], [sflag:$0x1] =	stream.indirect.gather [hbm4b:s6+s13], $0x80, s9, s13, $0xb8;
	v63 =	vld [tilespmem:$0x0]  }
0x176: {  	_ =	swait.ge [sflag:s20], $0x2800  }
0x177: {  	[sflag:s20] =	ssyncset.done $0x0  }
0x178: {  	s9 =	rddreg [dreg:$0x1a];
	[sflag:s20] =	ssyncadd.s32 $0xFFFFD800  }
0x179: {  	[spmem:s3] =	stream.indirect.scatter.add.f32 [tilespmem:s15], [sflag:$0x6], $0x80, s9, s13, $0xb8;
	v63 =	vld [tilespmem:$0x0]  }
0x17a: {  	_ =	swait.ge [sflag:s21], $0x2800  }
0x17b: {  	[sflag:s21] =	ssyncset.done $0x0  }
0x17c: {  	s9 =	rddreg [dreg:$0x1b];
	[sflag:s21] =	ssyncadd.s32 $0xFFFFD800  }
0x17d: {  	[tilespmem:s15], [sflag:$0x2] =	stream.indirect.gather [hbm4b:s6+s13], $0x80, s9, s13, $0xb8;
	v63 =	vld [tilespmem:$0x0]  }
0x17e: {  	_ =	swait.ge [sflag:s22], $0x2800  }
0x17f: {  	[sflag:s22] =	ssyncset.done $0x0  }
0x180: {  	s9 =	rddreg [dreg:$0x1c];
	[sflag:s22] =	ssyncadd.s32 $0xFFFFD800  }
0x181: {  	[spmem:s3] =	stream.indirect.scatter.add.f32 [tilespmem:s16], [sflag:$0x7], $0x80, s9, s13, $0xb8;
	v63 =	vld [tilespmem:$0x0]  }
0x182: {  	_ =	swait.ge [sflag:s23], $0x2800  }
0x183: {  	[sflag:s23] =	ssyncset.done $0x0  }
0x184: {  	s9 =	rddreg [dreg:$0x1d];
	[sflag:s23] =	ssyncadd.s32 $0xFFFFD800  }
0x185: {  	[tilespmem:s16], [sflag:$0x3] =	stream.indirect.gather [hbm4b:s6+s13], $0x80, s9, s13, $0xb8;
	v63 =	vld [tilespmem:$0x0]  }
0x186: {  	_ =	swait.ge [sflag:s24], $0x2800  }
0x187: {  	[sflag:s24] =	ssyncset.done $0x0  }
0x188: {  	s9 =	rddreg [dreg:$0x1e];
	[sflag:s24] =	ssyncadd.s32 $0xFFFFD800  }
0x189: {  	[spmem:s3] =	stream.indirect.scatter.add.f32 [tilespmem:s17], [sflag:$0x8], $0x80, s9, s13, $0xb8;
	v63 =	vld [tilespmem:$0x0]  }
0x18a: {  	_ =	swait.ge [sflag:s25], $0x2800  }
0x18b: {  	[sflag:s25] =	ssyncset.done $0x0  }
0x18c: {  	s9 =	rddreg [dreg:$0x1f];
	[sflag:s25] =	ssyncadd.s32 $0xFFFFD800  }
0x18d: {  	[tilespmem:s17], [sflag:$0x4] =	stream.indirect.gather [hbm4b:s6+s13], $0x80, s9, s13, $0xb8;
	v63 =	vld [tilespmem:$0x0]  }
0x18e: {  	_ =	swait.ge [sflag:s18], $0x2800  }
0x18f: {  	s9 =	sld [smem:$0x7EE]  }
0x190: {  	[sflag:s18] =	ssyncset.done $0x0  }
0x191: {  	[sflag:s18] =	ssyncadd.s32 $0xFFFFD800  }
0x192: {  	[spmem:s3] =	stream.indirect.scatter.add.f32 [tilespmem:s14], [sflag:$0x5], $0x80, s9, s13, $0xb8;
	v63 =	vld [tilespmem:$0x0]  }
0x193: {  	_ =	swait.ge [sflag:s19], $0x2800  }
0x194: {  	s9 =	sld [smem:$0x7EF]  }
0x195: {  	[sflag:s19] =	ssyncset.done $0x0  }
0x196: {  	[sflag:s19] =	ssyncadd.s32 $0xFFFFD800  }
0x197: {  	[tilespmem:s14], [sflag:$0x1] =	stream.indirect.gather [hbm4b:s6+s13], $0x80, s9, s13, $0xb8;
	v63 =	vld [tilespmem:$0x0]  }
0x198: {  	_ =	swait.ge [sflag:s20], $0x2800  }
0x199: {  	s9 =	sld [smem:$0x7F0]  }
0x19a: {  	[sflag:s20] =	ssyncset.done $0x0  }
0x19b: {  	[sflag:s20] =	ssyncadd.s32 $0xFFFFD800  }
0x19c: {  	[spmem:s3] =	stream.indirect.scatter.add.f32 [tilespmem:s15], [sflag:$0x6], $0x80, s9, s13, $0xb8;
	v63 =	vld [tilespmem:$0x0]  }
0x19d: {  	_ =	swait.ge [sflag:s21], $0x2800  }
0x19e: {  	s9 =	sld [smem:$0x7F1]  }
0x19f: {  	[sflag:s21] =	ssyncset.done $0x0  }
0x1a0: {  	[sflag:s21] =	ssyncadd.s32 $0xFFFFD800  }
0x1a1: {  	[tilespmem:s15], [sflag:$0x2] =	stream.indirect.gather [hbm4b:s6+s13], $0x80, s9, s13, $0xb8;
	v63 =	vld [tilespmem:$0x0]  }
0x1a2: {  	_ =	swait.ge [sflag:s22], $0x2800  }
0x1a3: {  	s9 =	sld [smem:$0x7F2]  }
0x1a4: {  	[sflag:s22] =	ssyncset.done $0x0  }
0x1a5: {  	[sflag:s22] =	ssyncadd.s32 $0xFFFFD800  }
0x1a6: {  	[spmem:s3] =	stream.indirect.scatter.add.f32 [tilespmem:s16], [sflag:$0x7], $0x80, s9, s13, $0xb8;
	v63 =	vld [tilespmem:$0x0]  }
0x1a7: {  	_ =	swait.ge [sflag:s23], $0x2800  }
0x1a8: {  	s9 =	sld [smem:$0x7F3]  }
0x1a9: {  	[sflag:s23] =	ssyncset.done $0x0  }
0x1aa: {  	[sflag:s23] =	ssyncadd.s32 $0xFFFFD800  }
0x1ab: {  	[tilespmem:s16], [sflag:$0x3] =	stream.indirect.gather [hbm4b:s6+s13], $0x80, s9, s13, $0xb8;
	v63 =	vld [tilespmem:$0x0]  }
0x1ac: {  	_ =	swait.ge [sflag:s24], $0x2800  }
0x1ad: {  	s9 =	sld [smem:$0x7F4]  }
0x1ae: {  	[sflag:s24] =	ssyncset.done $0x0  }
0x1af: {  	[sflag:s24] =	ssyncadd.s32 $0xFFFFD800  }
0x1b0: {  	[spmem:s3] =	stream.indirect.scatter.add.f32 [tilespmem:s17], [sflag:$0x8], $0x80, s9, s13, $0xb8;
	v63 =	vld [tilespmem:$0x0]  }
0x1b1: {  	_ =	swait.ge [sflag:s25], $0x2800  }
0x1b2: {  	s9 =	sld [smem:$0x7F5]  }
0x1b3: {  	[sflag:s25] =	ssyncset.done $0x0  }
0x1b4: {  	[sflag:s25] =	ssyncadd.s32 $0xFFFFD800  }
0x1b5: {  	[tilespmem:s17], [sflag:$0x4] =	stream.indirect.gather [hbm4b:s6+s13], $0x80, s9, s13, $0xb8;
	v63 =	vld [tilespmem:$0x0]  }
0x1b6: {  	_ =	swait.ge [sflag:s18], $0x2800  }
0x1b7: {  	s9 =	sld [smem:$0x7F6]  }
0x1b8: {  	[sflag:s18] =	ssyncset.done $0x0  }
0x1b9: {  	[sflag:s18] =	ssyncadd.s32 $0xFFFFD800  }
0x1ba: {  	[spmem:s3] =	stream.indirect.scatter.add.f32 [tilespmem:s14], [sflag:$0x5], $0x80, s9, s13, $0xb8;
	v63 =	vld [tilespmem:$0x0]  }
0x1bb: {  	_ =	swait.ge [sflag:s19], $0x2800  }
0x1bc: {  	s9 =	sld [smem:$0x7F7]  }
0x1bd: {  	[sflag:s19] =	ssyncset.done $0x0  }
0x1be: {  	[sflag:s19] =	ssyncadd.s32 $0xFFFFD800  }
0x1bf: {  	[tilespmem:s14], [sflag:$0x1] =	stream.indirect.gather [hbm4b:s6+s13], $0x80, s9, s13, $0xb8;
	v63 =	vld [tilespmem:$0x0]  }
0x1c0: {  	_ =	swait.ge [sflag:s20], $0x2800  }
0x1c1: {  	s9 =	sld [smem:$0x7F8]  }
0x1c2: {  	[sflag:s20] =	ssyncset.done $0x0  }
0x1c3: {  	[sflag:s20] =	ssyncadd.s32 $0xFFFFD800  }
0x1c4: {  	[spmem:s3] =	stream.indirect.scatter.add.f32 [tilespmem:s15], [sflag:$0x6], $0x80, s9, s13, $0xb8;
	v63 =	vld [tilespmem:$0x0]  }
0x1c5: {  	_ =	swait.ge [sflag:s21], $0x2800  }
0x1c6: {  	s9 =	sld [smem:$0x7F9]  }
0x1c7: {  	[sflag:s21] =	ssyncset.done $0x0  }
0x1c8: {  	[sflag:s21] =	ssyncadd.s32 $0xFFFFD800  }
0x1c9: {  	[tilespmem:s15], [sflag:$0x2] =	stream.indirect.gather [hbm4b:s6+s13], $0x80, s9, s13, $0xb8;
	v63 =	vld [tilespmem:$0x0]  }
0x1ca: {  	_ =	swait.ge [sflag:s22], $0x2800  }
0x1cb: {  	s9 =	sld [smem:$0x7FA]  }
0x1cc: {  	[sflag:s22] =	ssyncset.done $0x0  }
0x1cd: {  	[sflag:s22] =	ssyncadd.s32 $0xFFFFD800  }
0x1ce: {  	[spmem:s3] =	stream.indirect.scatter.add.f32 [tilespmem:s16], [sflag:$0x7], $0x80, s9, s13, $0xb8;
	v63 =	vld [tilespmem:$0x0]  }
0x1cf: {  	_ =	swait.ge [sflag:s23], $0x2800  }
0x1d0: {  	s9 =	sld [smem:$0x7FB]  }
0x1d1: {  	[sflag:s23] =	ssyncset.done $0x0  }
0x1d2: {  	[sflag:s23] =	ssyncadd.s32 $0xFFFFD800  }
0x1d3: {  	[tilespmem:s16], [sflag:$0x3] =	stream.indirect.gather [hbm4b:s6+s13], $0x80, s9, s13, $0xb8;
	v63 =	vld [tilespmem:$0x0]  }
0x1d4: {  	_ =	swait.ge [sflag:s24], $0x2800  }
0x1d5: {  	[sflag:s24] =	ssyncset.done $0x0  }
0x1d6: {  	[sflag:s24] =	ssyncadd.s32 $0xFFFFD800  }
0x1d7: {  	[spmem:s3] =	stream.indirect.scatter.add.f32 [tilespmem:s17], [sflag:$0x8], $0x80, s26, s13, $0xb8;
	v63 =	vld [tilespmem:$0x0]  }
0x1d8: {  	_ =	swait.ge [sflag:s25], $0x2800  }
0x1d9: {  	[sflag:s25] =	ssyncset.done $0x0  }
0x1da: {  	[sflag:s25] =	ssyncadd.s32 $0xFFFFD800  }
0x1db: {  	[tilespmem:s17], [sflag:$0x4] =	stream.indirect.gather [hbm4b:s6+s13], $0x80, s28, s13, $0xb8;
	v63 =	vld [tilespmem:$0x0]  }
0x1dc: {  	_ =	swait.ge [sflag:s18], $0x2800  }
0x1dd: {  	[sflag:s18] =	ssyncset.done $0x0  }
0x1de: {  	[sflag:s18] =	ssyncadd.s32 $0xFFFFD800  }
0x1df: {  	[spmem:s3] =	stream.indirect.scatter.add.f32 [tilespmem:s14], [sflag:$0x5], $0x80, s29, s13, $0xb8;
	v63 =	vld [tilespmem:$0x0]  }
0x1e0: {  	_ =	swait.ge [sflag:s19], $0x2800  }
0x1e1: {  	[sflag:s19] =	ssyncset.done $0x0  }
0x1e2: {  	[sflag:s19] =	ssyncadd.s32 $0xFFFFD800  }
0x1e3: {  	[tilespmem:s14], [sflag:$0x1] =	stream.indirect.gather [hbm4b:s6+s13], $0x80, s30, s13, $0xb8;
	v63 =	vld [tilespmem:$0x0]  }
0x1e4: {  	_ =	swait.ge [sflag:s20], $0x2800  }
0x1e5: {  	[sflag:s20] =	ssyncset.done $0x0  }
0x1e6: {  	[sflag:s20] =	ssyncadd.s32 $0xFFFFD800  }
0x1e7: {  	[spmem:s3] =	stream.indirect.scatter.add.f32 [tilespmem:s15], [sflag:$0x6], $0x80, s31, s13, $0xb8;
	v63 =	vld [tilespmem:$0x0]  }
0x1e8: {  	_ =	swait.ge [sflag:s22], $0x2800  }
0x1e9: {  	[sflag:s22] =	ssyncset.done $0x0  }
0x1ea: {  	[sflag:s22] =	ssyncadd.s32 $0xFFFFD800  }
0x1eb: {  	[spmem:s3] =	stream.indirect.scatter.add.f32 [tilespmem:s16], [sflag:$0x7], $0x80, s1, s13, $0xb8;
	v63 =	vld [tilespmem:$0x0]  }
0x1ec: {  	_ =	swait.ge [sflag:s24], $0x2800  }
0x1ed: {  	[sflag:s24] =	ssyncset.done $0x0  }
0x1ee: {  	[sflag:s24] =	ssyncadd.s32 $0xFFFFD800  }
0x1ef: {  	[spmem:s3] =	stream.indirect.scatter.add.f32 [tilespmem:s17], [sflag:$0x8], $0x80, s0, s13, $0xb8;
	v63 =	vld [tilespmem:$0x0]  }
0x1f0: {  	_ =	swait.ge [sflag:s18], $0x2800  }
0x1f1: {  	[sflag:s18] =	ssyncset.done $0x0  }
0x1f2: {  	[sflag:s18] =	ssyncadd.s32 $0xFFFFD800  }
0x1f3: {  	[spmem:s3] =	stream.indirect.scatter.add.f32 [tilespmem:s14], [sflag:$0x5], $0x80, s2, s13, $0xb8;
	v63 =	vld [tilespmem:$0x0]  }
0x1f4: {  	_ =	swait.ge [sflag:s21], $0x2800  }
0x1f5: {  	[sflag:s21] =	ssyncset.done $0x0  }
0x1f6: {  	[sflag:s21] =	ssyncadd.s32 $0xFFFFD800  }
0x1f7: {  	_ =	swait.ge [sflag:s23], $0x2800  }
0x1f8: {  	[sflag:s23] =	ssyncset.done $0x0  }
0x1f9: {  	p0 =	sne.s32 s5, $0x1200;
	[sflag:s23] =	ssyncadd.s32 $0xFFFFD800  }
.Ltmp0:
0x1fa: {  	_ =	swait.ge [sflag:s25], $0x2800;
	(pc) =	sbr.rel @p0 .LBB2_2-.Ltmp0, $4  }
0x1fb: {  	[sflag:s25] =	ssyncset.done $0x0  }
0x1fc: {  	[sflag:s25] =	ssyncadd.s32 $0xFFFFD800  }
0x1fd: {  	_ =	swait.ge [sflag:s19], $0x2800  }
0x1fe: {  	s5 =	sadd.s32 $0x200, s5;
	s9 =	rddreg [dreg:$0x5];
	[sflag:s19] =	ssyncset.done $0x0  }
0x1ff: {  	[sflag:s19] =	ssyncadd.s32 $0xFFFFD800;
	s5 =	sadd.s32 s8, s9  }
0x200: {  	[tilespmem:s11], [sflag:$0x9] =	stream.linear.gather [hbm4b:s5+s4], $0xC80, $0x38;
	v63 =	vld [tilespmem:$0x0]  }
0x201: {  	_ =	swait.ge [sflag:s10], $0xC80  }
0x202: {  	s7 =	rddreg [dreg:$0x4];
	[sflag:s10] =	ssyncset.done $0x0  }
0x203: {  	[sflag:s10] =	ssyncadd.s32 $0xFFFFF380;
	s5 =	sadd.s32 s8, s7  }
0x204: {  	[tilespmem:s12], [sflag:$0x9] =	stream.linear.gather [hbm4b:s5+s4], $0xC80, $0x38;
	v63 =	vld [tilespmem:$0x0]  }
0x205: {  	_ =	swait.ge [sflag:s10], $0xC80  }
0x206: {  	[sflag:s10] =	ssyncset.done $0x0  }
0x207: {  	[sflag:s10] =	ssyncadd.s32 $0xFFFFF380  }
0x208: {  	[tilespmem:s14], [sflag:$0x1] =	stream.indirect.gather [hbm4b:s6+s13], $0x80, s11, s13, $0xb8;
	v63 =	vld [tilespmem:$0x0]  }
0x209: {  	s8 =	rddreg [dreg:$0x6]  }
0x20a: {  	[tilespmem:s15], [sflag:$0x2] =	stream.indirect.gather [hbm4b:s6+s13], $0x80, s8, s13, $0xb8;
	v63 =	vld [tilespmem:$0x0]  }
0x20b: {  	s7 =	rddreg [dreg:$0x7]  }
0x20c: {  	[tilespmem:s16], [sflag:$0x3] =	stream.indirect.gather [hbm4b:s6+s13], $0x80, s7, s13, $0xb8;
	v63 =	vld [tilespmem:$0x0]  }
0x20d: {  	s9 =	rddreg [dreg:$0x8]  }
0x20e: {  	[tilespmem:s17], [sflag:$0x4] =	stream.indirect.gather [hbm4b:s6+s13], $0x80, s9, s13, $0xb8;
	v63 =	vld [tilespmem:$0x0]  }
0x20f: {  	_ =	swait.ge [sflag:s18], $0x2800  }
0x210: {  	[sflag:s18] =	ssyncset.done $0x0  }
0x211: {  	[sflag:s18] =	ssyncadd.s32 $0xFFFFD800  }
0x212: {  	[spmem:s3] =	stream.indirect.scatter.add.f32 [tilespmem:s14], [sflag:$0x5], $0x80, s12, s13, $0xb8;
	v63 =	vld [tilespmem:$0x0]  }
0x213: {  	_ =	swait.ge [sflag:s19], $0x2800  }
0x214: {  	[sflag:s19] =	ssyncset.done $0x0  }
0x215: {  	s8 =	rddreg [dreg:$0x9];
	[sflag:s19] =	ssyncadd.s32 $0xFFFFD800  }
0x216: {  	[tilespmem:s14], [sflag:$0x1] =	stream.indirect.gather [hbm4b:s6+s13], $0x80, s8, s13, $0xb8;
	v63 =	vld [tilespmem:$0x0]  }
0x217: {  	_ =	swait.ge [sflag:s20], $0x2800  }
0x218: {  	[sflag:s20] =	ssyncset.done $0x0  }
0x219: {  	s9 =	rddreg [dreg:$0xa];
	[sflag:s20] =	ssyncadd.s32 $0xFFFFD800  }
0x21a: {  	[spmem:s3] =	stream.indirect.scatter.add.f32 [tilespmem:s15], [sflag:$0x6], $0x80, s9, s13, $0xb8;
	v63 =	vld [tilespmem:$0x0]  }
0x21b: {  	_ =	swait.ge [sflag:s21], $0x2800  }
0x21c: {  	[sflag:s21] =	ssyncset.done $0x0  }
0x21d: {  	s7 =	rddreg [dreg:$0xb];
	[sflag:s21] =	ssyncadd.s32 $0xFFFFD800  }
0x21e: {  	[tilespmem:s15], [sflag:$0x2] =	stream.indirect.gather [hbm4b:s6+s13], $0x80, s7, s13, $0xb8;
	v63 =	vld [tilespmem:$0x0]  }
0x21f: {  	_ =	swait.ge [sflag:s22], $0x2800  }
0x220: {  	[sflag:s22] =	ssyncset.done $0x0  }
0x221: {  	s8 =	rddreg [dreg:$0xc];
	[sflag:s22] =	ssyncadd.s32 $0xFFFFD800  }
0x222: {  	[spmem:s3] =	stream.indirect.scatter.add.f32 [tilespmem:s16], [sflag:$0x7], $0x80, s8, s13, $0xb8;
	v63 =	vld [tilespmem:$0x0]  }
0x223: {  	_ =	swait.ge [sflag:s23], $0x2800  }
0x224: {  	[sflag:s23] =	ssyncset.done $0x0  }
0x225: {  	s9 =	rddreg [dreg:$0xd];
	[sflag:s23] =	ssyncadd.s32 $0xFFFFD800  }
0x226: {  	[tilespmem:s16], [sflag:$0x3] =	stream.indirect.gather [hbm4b:s6+s13], $0x80, s9, s13, $0xb8;
	v63 =	vld [tilespmem:$0x0]  }
0x227: {  	_ =	swait.ge [sflag:s24], $0x2800  }
0x228: {  	[sflag:s24] =	ssyncset.done $0x0  }
0x229: {  	s7 =	rddreg [dreg:$0xe];
	[sflag:s24] =	ssyncadd.s32 $0xFFFFD800  }
0x22a: {  	[spmem:s3] =	stream.indirect.scatter.add.f32 [tilespmem:s17], [sflag:$0x8], $0x80, s7, s13, $0xb8;
	v63 =	vld [tilespmem:$0x0]  }
0x22b: {  	_ =	swait.ge [sflag:s25], $0x2800  }
0x22c: {  	[sflag:s25] =	ssyncset.done $0x0  }
0x22d: {  	s8 =	rddreg [dreg:$0xf];
	[sflag:s25] =	ssyncadd.s32 $0xFFFFD800  }
0x22e: {  	[tilespmem:s17], [sflag:$0x4] =	stream.indirect.gather [hbm4b:s6+s13], $0x80, s8, s13, $0xb8;
	v63 =	vld [tilespmem:$0x0]  }
0x22f: {  	_ =	swait.ge [sflag:s18], $0x2800  }
0x230: {  	[sflag:s18] =	ssyncset.done $0x0  }
0x231: {  	s9 =	rddreg [dreg:$0x10];
	[sflag:s18] =	ssyncadd.s32 $0xFFFFD800  }
0x232: {  	[spmem:s3] =	stream.indirect.scatter.add.f32 [tilespmem:s14], [sflag:$0x5], $0x80, s9, s13, $0xb8;
	v63 =	vld [tilespmem:$0x0]  }
0x233: {  	_ =	swait.ge [sflag:s19], $0x2800  }
0x234: {  	[sflag:s19] =	ssyncset.done $0x0  }
0x235: {  	s7 =	rddreg [dreg:$0x11];
	[sflag:s19] =	ssyncadd.s32 $0xFFFFD800  }
0x236: {  	[tilespmem:s14], [sflag:$0x1] =	stream.indirect.gather [hbm4b:s6+s13], $0x80, s7, s13, $0xb8;
	v63 =	vld [tilespmem:$0x0]  }
0x237: {  	_ =	swait.ge [sflag:s20], $0x2800  }
0x238: {  	[sflag:s20] =	ssyncset.done $0x0  }
0x239: {  	s8 =	rddreg [dreg:$0x12];
	[sflag:s20] =	ssyncadd.s32 $0xFFFFD800  }
0x23a: {  	[spmem:s3] =	stream.indirect.scatter.add.f32 [tilespmem:s15], [sflag:$0x6], $0x80, s8, s13, $0xb8;
	v63 =	vld [tilespmem:$0x0]  }
0x23b: {  	_ =	swait.ge [sflag:s21], $0x2800  }
0x23c: {  	[sflag:s21] =	ssyncset.done $0x0  }
0x23d: {  	s9 =	rddreg [dreg:$0x13];
	[sflag:s21] =	ssyncadd.s32 $0xFFFFD800  }
0x23e: {  	[tilespmem:s15], [sflag:$0x2] =	stream.indirect.gather [hbm4b:s6+s13], $0x80, s9, s13, $0xb8;
	v63 =	vld [tilespmem:$0x0]  }
0x23f: {  	_ =	swait.ge [sflag:s22], $0x2800  }
0x240: {  	[sflag:s22] =	ssyncset.done $0x0  }
0x241: {  	s7 =	rddreg [dreg:$0x14];
	[sflag:s22] =	ssyncadd.s32 $0xFFFFD800  }
0x242: {  	[spmem:s3] =	stream.indirect.scatter.add.f32 [tilespmem:s16], [sflag:$0x7], $0x80, s7, s13, $0xb8;
	v63 =	vld [tilespmem:$0x0]  }
0x243: {  	_ =	swait.ge [sflag:s23], $0x2800  }
0x244: {  	[sflag:s23] =	ssyncset.done $0x0  }
0x245: {  	s8 =	rddreg [dreg:$0x15];
	[sflag:s23] =	ssyncadd.s32 $0xFFFFD800  }
0x246: {  	[tilespmem:s16], [sflag:$0x3] =	stream.indirect.gather [hbm4b:s6+s13], $0x80, s8, s13, $0xb8;
	v63 =	vld [tilespmem:$0x0]  }
0x247: {  	_ =	swait.ge [sflag:s24], $0x2800  }
0x248: {  	[sflag:s24] =	ssyncset.done $0x0  }
0x249: {  	s9 =	rddreg [dreg:$0x16];
	[sflag:s24] =	ssyncadd.s32 $0xFFFFD800  }
0x24a: {  	[spmem:s3] =	stream.indirect.scatter.add.f32 [tilespmem:s17], [sflag:$0x8], $0x80, s9, s13, $0xb8;
	v63 =	vld [tilespmem:$0x0]  }
0x24b: {  	_ =	swait.ge [sflag:s25], $0x2800  }
0x24c: {  	[sflag:s25] =	ssyncset.done $0x0  }
0x24d: {  	s7 =	rddreg [dreg:$0x17];
	[sflag:s25] =	ssyncadd.s32 $0xFFFFD800  }
0x24e: {  	[tilespmem:s17], [sflag:$0x4] =	stream.indirect.gather [hbm4b:s6+s13], $0x80, s7, s13, $0xb8;
	v63 =	vld [tilespmem:$0x0]  }
0x24f: {  	_ =	swait.ge [sflag:s18], $0x2800  }
0x250: {  	[sflag:s18] =	ssyncset.done $0x0  }
0x251: {  	s8 =	rddreg [dreg:$0x18];
	[sflag:s18] =	ssyncadd.s32 $0xFFFFD800  }
0x252: {  	[spmem:s3] =	stream.indirect.scatter.add.f32 [tilespmem:s14], [sflag:$0x5], $0x80, s8, s13, $0xb8;
	v63 =	vld [tilespmem:$0x0]  }
0x253: {  	_ =	swait.ge [sflag:s19], $0x2800  }
0x254: {  	[sflag:s19] =	ssyncset.done $0x0  }
0x255: {  	s9 =	rddreg [dreg:$0x19];
	[sflag:s19] =	ssyncadd.s32 $0xFFFFD800  }
0x256: {  	[tilespmem:s14], [sflag:$0x1] =	stream.indirect.gather [hbm4b:s6+s13], $0x80, s9, s13, $0xb8;
	v63 =	vld [tilespmem:$0x0]  }
0x257: {  	_ =	swait.ge [sflag:s20], $0x2800  }
0x258: {  	[sflag:s20] =	ssyncset.done $0x0  }
0x259: {  	s7 =	rddreg [dreg:$0x1a];
	[sflag:s20] =	ssyncadd.s32 $0xFFFFD800  }
0x25a: {  	[spmem:s3] =	stream.indirect.scatter.add.f32 [tilespmem:s15], [sflag:$0x6], $0x80, s7, s13, $0xb8;
	v63 =	vld [tilespmem:$0x0]  }
0x25b: {  	_ =	swait.ge [sflag:s21], $0x2800  }
0x25c: {  	[sflag:s21] =	ssyncset.done $0x0  }
0x25d: {  	s8 =	rddreg [dreg:$0x1b];
	[sflag:s21] =	ssyncadd.s32 $0xFFFFD800  }
0x25e: {  	[tilespmem:s15], [sflag:$0x2] =	stream.indirect.gather [hbm4b:s6+s13], $0x80, s8, s13, $0xb8;
	v63 =	vld [tilespmem:$0x0]  }
0x25f: {  	_ =	swait.ge [sflag:s22], $0x2800  }
0x260: {  	[sflag:s22] =	ssyncset.done $0x0  }
0x261: {  	s9 =	rddreg [dreg:$0x1c];
	[sflag:s22] =	ssyncadd.s32 $0xFFFFD800  }
0x262: {  	[spmem:s3] =	stream.indirect.scatter.add.f32 [tilespmem:s16], [sflag:$0x7], $0x80, s9, s13, $0xb8;
	v63 =	vld [tilespmem:$0x0]  }
0x263: {  	_ =	swait.ge [sflag:s23], $0x2800  }
0x264: {  	[sflag:s23] =	ssyncset.done $0x0  }
0x265: {  	s7 =	rddreg [dreg:$0x1d];
	[sflag:s23] =	ssyncadd.s32 $0xFFFFD800  }
0x266: {  	[tilespmem:s16], [sflag:$0x3] =	stream.indirect.gather [hbm4b:s6+s13], $0x80, s7, s13, $0xb8;
	v63 =	vld [tilespmem:$0x0]  }
0x267: {  	_ =	swait.ge [sflag:s24], $0x2800  }
0x268: {  	[sflag:s24] =	ssyncset.done $0x0  }
0x269: {  	s8 =	rddreg [dreg:$0x1e];
	[sflag:s24] =	ssyncadd.s32 $0xFFFFD800  }
0x26a: {  	[spmem:s3] =	stream.indirect.scatter.add.f32 [tilespmem:s17], [sflag:$0x8], $0x80, s8, s13, $0xb8;
	v63 =	vld [tilespmem:$0x0]  }
0x26b: {  	_ =	swait.ge [sflag:s25], $0x2800  }
0x26c: {  	[sflag:s25] =	ssyncset.done $0x0  }
0x26d: {  	s9 =	rddreg [dreg:$0x1f];
	[sflag:s25] =	ssyncadd.s32 $0xFFFFD800  }
0x26e: {  	[tilespmem:s17], [sflag:$0x4] =	stream.indirect.gather [hbm4b:s6+s13], $0x80, s9, s13, $0xb8;
	v63 =	vld [tilespmem:$0x0]  }
0x26f: {  	_ =	swait.ge [sflag:s18], $0x2800  }
0x270: {  	s7 =	sld [smem:$0x7EE]  }
0x271: {  	[sflag:s18] =	ssyncset.done $0x0  }
0x272: {  	[sflag:s18] =	ssyncadd.s32 $0xFFFFD800  }
0x273: {  	[spmem:s3] =	stream.indirect.scatter.add.f32 [tilespmem:s14], [sflag:$0x5], $0x80, s7, s13, $0xb8;
	v63 =	vld [tilespmem:$0x0]  }
0x274: {  	_ =	swait.ge [sflag:s19], $0x2800  }
0x275: {  	s8 =	sld [smem:$0x7EF]  }
0x276: {  	[sflag:s19] =	ssyncset.done $0x0  }
0x277: {  	[sflag:s19] =	ssyncadd.s32 $0xFFFFD800  }
0x278: {  	[tilespmem:s14], [sflag:$0x1] =	stream.indirect.gather [hbm4b:s6+s13], $0x80, s8, s13, $0xb8;
	v63 =	vld [tilespmem:$0x0]  }
0x279: {  	_ =	swait.ge [sflag:s20], $0x2800  }
0x27a: {  	s9 =	sld [smem:$0x7F0]  }
0x27b: {  	[sflag:s20] =	ssyncset.done $0x0  }
0x27c: {  	[sflag:s20] =	ssyncadd.s32 $0xFFFFD800  }
0x27d: {  	[spmem:s3] =	stream.indirect.scatter.add.f32 [tilespmem:s15], [sflag:$0x6], $0x80, s9, s13, $0xb8;
	v63 =	vld [tilespmem:$0x0]  }
0x27e: {  	_ =	swait.ge [sflag:s21], $0x2800  }
0x27f: {  	s7 =	sld [smem:$0x7F1]  }
0x280: {  	[sflag:s21] =	ssyncset.done $0x0  }
0x281: {  	[sflag:s21] =	ssyncadd.s32 $0xFFFFD800  }
0x282: {  	[tilespmem:s15], [sflag:$0x2] =	stream.indirect.gather [hbm4b:s6+s13], $0x80, s7, s13, $0xb8;
	v63 =	vld [tilespmem:$0x0]  }
0x283: {  	_ =	swait.ge [sflag:s22], $0x2800  }
0x284: {  	s8 =	sld [smem:$0x7F2]  }
0x285: {  	[sflag:s22] =	ssyncset.done $0x0  }
0x286: {  	[sflag:s22] =	ssyncadd.s32 $0xFFFFD800  }
0x287: {  	[spmem:s3] =	stream.indirect.scatter.add.f32 [tilespmem:s16], [sflag:$0x7], $0x80, s8, s13, $0xb8;
	v63 =	vld [tilespmem:$0x0]  }
0x288: {  	_ =	swait.ge [sflag:s23], $0x2800  }
0x289: {  	s9 =	sld [smem:$0x7F3]  }
0x28a: {  	[sflag:s23] =	ssyncset.done $0x0  }
0x28b: {  	[sflag:s23] =	ssyncadd.s32 $0xFFFFD800  }
0x28c: {  	[tilespmem:s16], [sflag:$0x3] =	stream.indirect.gather [hbm4b:s6+s13], $0x80, s9, s13, $0xb8;
	v63 =	vld [tilespmem:$0x0]  }
0x28d: {  	_ =	swait.ge [sflag:s24], $0x2800  }
0x28e: {  	s7 =	sld [smem:$0x7F4]  }
0x28f: {  	[sflag:s24] =	ssyncset.done $0x0  }
0x290: {  	[sflag:s24] =	ssyncadd.s32 $0xFFFFD800  }
0x291: {  	[spmem:s3] =	stream.indirect.scatter.add.f32 [tilespmem:s17], [sflag:$0x8], $0x80, s7, s13, $0xb8;
	v63 =	vld [tilespmem:$0x0]  }
0x292: {  	_ =	swait.ge [sflag:s25], $0x2800  }
0x293: {  	s8 =	sld [smem:$0x7F5]  }
0x294: {  	[sflag:s25] =	ssyncset.done $0x0  }
0x295: {  	[sflag:s25] =	ssyncadd.s32 $0xFFFFD800  }
0x296: {  	[tilespmem:s17], [sflag:$0x4] =	stream.indirect.gather [hbm4b:s6+s13], $0x80, s8, s13, $0xb8;
	v63 =	vld [tilespmem:$0x0]  }
0x297: {  	_ =	swait.ge [sflag:s18], $0x2800  }
0x298: {  	s9 =	sld [smem:$0x7F6]  }
0x299: {  	[sflag:s18] =	ssyncset.done $0x0  }
0x29a: {  	[sflag:s18] =	ssyncadd.s32 $0xFFFFD800  }
0x29b: {  	[spmem:s3] =	stream.indirect.scatter.add.f32 [tilespmem:s14], [sflag:$0x5], $0x80, s9, s13, $0xb8;
	v63 =	vld [tilespmem:$0x0]  }
0x29c: {  	_ =	swait.ge [sflag:s19], $0x2800  }
0x29d: {  	s7 =	sld [smem:$0x7F7]  }
0x29e: {  	[sflag:s19] =	ssyncset.done $0x0  }
0x29f: {  	[sflag:s19] =	ssyncadd.s32 $0xFFFFD800  }
0x2a0: {  	[tilespmem:s14], [sflag:$0x1] =	stream.indirect.gather [hbm4b:s6+s13], $0x80, s7, s13, $0xb8;
	v63 =	vld [tilespmem:$0x0]  }
0x2a1: {  	_ =	swait.ge [sflag:s20], $0x2800  }
0x2a2: {  	s8 =	sld [smem:$0x7F8]  }
0x2a3: {  	[sflag:s20] =	ssyncset.done $0x0  }
0x2a4: {  	[sflag:s20] =	ssyncadd.s32 $0xFFFFD800  }
0x2a5: {  	[spmem:s3] =	stream.indirect.scatter.add.f32 [tilespmem:s15], [sflag:$0x6], $0x80, s8, s13, $0xb8;
	v63 =	vld [tilespmem:$0x0]  }
0x2a6: {  	_ =	swait.ge [sflag:s21], $0x2800  }
0x2a7: {  	s9 =	sld [smem:$0x7F9]  }
0x2a8: {  	[sflag:s21] =	ssyncset.done $0x0  }
0x2a9: {  	[sflag:s21] =	ssyncadd.s32 $0xFFFFD800  }
0x2aa: {  	[tilespmem:s15], [sflag:$0x2] =	stream.indirect.gather [hbm4b:s6+s13], $0x80, s9, s13, $0xb8;
	v63 =	vld [tilespmem:$0x0]  }
0x2ab: {  	_ =	swait.ge [sflag:s22], $0x2800  }
0x2ac: {  	s7 =	sld [smem:$0x7FA]  }
0x2ad: {  	[sflag:s22] =	ssyncset.done $0x0  }
0x2ae: {  	[sflag:s22] =	ssyncadd.s32 $0xFFFFD800  }
0x2af: {  	[spmem:s3] =	stream.indirect.scatter.add.f32 [tilespmem:s16], [sflag:$0x7], $0x80, s7, s13, $0xb8;
	v63 =	vld [tilespmem:$0x0]  }
0x2b0: {  	_ =	swait.ge [sflag:s23], $0x2800  }
0x2b1: {  	s8 =	sld [smem:$0x7FB]  }
0x2b2: {  	[sflag:s23] =	ssyncset.done $0x0  }
0x2b3: {  	[sflag:s23] =	ssyncadd.s32 $0xFFFFD800  }
0x2b4: {  	[tilespmem:s16], [sflag:$0x3] =	stream.indirect.gather [hbm4b:s6+s13], $0x80, s8, s13, $0xb8;
	v63 =	vld [tilespmem:$0x0]  }
0x2b5: {  	_ =	swait.ge [sflag:s24], $0x2800  }
0x2b6: {  	[sflag:s24] =	ssyncset.done $0x0  }
0x2b7: {  	[sflag:s24] =	ssyncadd.s32 $0xFFFFD800  }
0x2b8: {  	[spmem:s3] =	stream.indirect.scatter.add.f32 [tilespmem:s17], [sflag:$0x8], $0x80, s26, s13, $0xb8;
	v63 =	vld [tilespmem:$0x0]  }
0x2b9: {  	_ =	swait.ge [sflag:s25], $0x2800  }
0x2ba: {  	[sflag:s25] =	ssyncset.done $0x0  }
0x2bb: {  	[sflag:s25] =	ssyncadd.s32 $0xFFFFD800  }
0x2bc: {  	[tilespmem:s17], [sflag:$0x4] =	stream.indirect.gather [hbm4b:s6+s13], $0x80, s28, s13, $0xb8;
	v63 =	vld [tilespmem:$0x0]  }
0x2bd: {  	_ =	swait.ge [sflag:s18], $0x2800  }
0x2be: {  	[sflag:s18] =	ssyncset.done $0x0  }
0x2bf: {  	[sflag:s18] =	ssyncadd.s32 $0xFFFFD800  }
0x2c0: {  	[spmem:s3] =	stream.indirect.scatter.add.f32 [tilespmem:s14], [sflag:$0x5], $0x80, s29, s13, $0xb8;
	v63 =	vld [tilespmem:$0x0]  }
0x2c1: {  	_ =	swait.ge [sflag:s19], $0x2800  }
0x2c2: {  	[sflag:s19] =	ssyncset.done $0x0  }
0x2c3: {  	[sflag:s19] =	ssyncadd.s32 $0xFFFFD800  }
0x2c4: {  	[tilespmem:s14], [sflag:$0x1] =	stream.indirect.gather [hbm4b:s6+s13], $0x80, s30, s13, $0xb8;
	v63 =	vld [tilespmem:$0x0]  }
0x2c5: {  	_ =	swait.ge [sflag:s20], $0x2800  }
0x2c6: {  	[sflag:s20] =	ssyncset.done $0x0  }
0x2c7: {  	[sflag:s20] =	ssyncadd.s32 $0xFFFFD800  }
0x2c8: {  	[spmem:s3] =	stream.indirect.scatter.add.f32 [tilespmem:s15], [sflag:$0x6], $0x80, s31, s13, $0xb8;
	v63 =	vld [tilespmem:$0x0]  }
0x2c9: {  	_ =	swait.ge [sflag:s22], $0x2800  }
0x2ca: {  	[sflag:s22] =	ssyncset.done $0x0  }
0x2cb: {  	[sflag:s22] =	ssyncadd.s32 $0xFFFFD800  }
0x2cc: {  	[spmem:s3] =	stream.indirect.scatter.add.f32 [tilespmem:s16], [sflag:$0x7], $0x80, s1, s13, $0xb8;
	v63 =	vld [tilespmem:$0x0]  }
0x2cd: {  	_ =	swait.ge [sflag:s24], $0x2800  }
0x2ce: {  	[sflag:s24] =	ssyncset.done $0x0  }
0x2cf: {  	[sflag:s24] =	ssyncadd.s32 $0xFFFFD800  }
0x2d0: {  	[spmem:s3] =	stream.indirect.scatter.add.f32 [tilespmem:s17], [sflag:$0x8], $0x80, s0, s13, $0xb8;
	v63 =	vld [tilespmem:$0x0]  }
0x2d1: {  	_ =	swait.ge [sflag:s18], $0x2800  }
0x2d2: {  	[sflag:s18] =	ssyncset.done $0x0  }
0x2d3: {  	[sflag:s18] =	ssyncadd.s32 $0xFFFFD800  }
0x2d4: {  	[spmem:s3] =	stream.indirect.scatter.add.f32 [tilespmem:s14], [sflag:$0x5], $0x80, s2, s13, $0xb8;
	v63 =	vld [tilespmem:$0x0]  }
0x2d5: {  	_ =	swait.ge [sflag:s21], $0x2800  }
0x2d6: {  	[sflag:s21] =	ssyncset.done $0x0  }
0x2d7: {  	[sflag:s21] =	ssyncadd.s32 $0xFFFFD800  }
0x2d8: {  	_ =	swait.ge [sflag:s23], $0x2800  }
0x2d9: {  	[sflag:s23] =	ssyncset.done $0x0  }
0x2da: {  	[sflag:s23] =	ssyncadd.s32 $0xFFFFD800  }
0x2db: {  	_ =	swait.ge [sflag:s25], $0x2800  }
0x2dc: {  	[sflag:s25] =	ssyncset.done $0x0  }
0x2dd: {  	[sflag:s25] =	ssyncadd.s32 $0xFFFFD800  }
0x2de: {  	_ =	swait.ge [sflag:s19], $0x2800  }
0x2df: {  	[sflag:s19] =	ssyncset.done $0x0  }
0x2e0: {  	[sflag:s19] =	ssyncadd.s32 $0xFFFFD800  }
0x2e1: {  	[bflag:$0x0] =	sbarrier.arrive $0xFFFF  }
0x2e2: {  	s8 =	sld [smem:$0x7FC]  }
0x2e3: {  	s9 =	sld [smem:$0x7EC]  }
0x2e4: {  	s7 =	sld [smem:$0x7FD];
	_ =	sdelay $0x2  }
0x2e5: {  	[hbm:s9], [sflag:s8] =	dma.local [spmem:s7], $0x2800  }
0x2e6: {  	_ =	swait.ge [sflag:s10], $0x2800  }
0x2e7: {  	s5 =	sld [smem:$0x7EB];
	_ =	sdelay $0x2  }
0x2e8: {  	s9 =	sadd.s32 $0x1, s5;
	s5 =	sld [smem:$0x7ED];
	_ =	sdelay $0x2  }
0x2e9: {  	p0 =	sne.s32 s9, s5  }
.Ltmp1:
0x2ea: {  	_ = 	snop;
	(pc) =	sbr.rel @p0 .LBB2_1-.Ltmp1, $3  }
0x2eb: {  	_ =	sdelay $0x1  }
0x2ec: {  	[sflag:s10] =	ssyncset.done $0x0  }
0x2ed: {  	[sflag:s10] =	ssyncadd.s32 $0xFFFFD800  }
0x2ee: {  	_ =	sfence.sel $0x180000  }
0x2ef: {  	[bflag:$0x0] =	sbarrier.arrive $0xFFFF  }
0x2f0: {  	_ =	strace $0x90000047  }
0x2f1: {  	s0 =	stileid.u32;
	[bflag:$0x2] =	sbarrier.arrive $0xFFFF  }
0x2f2: {  	p0 =	sne.s32 s0, $0x0;
	s0 =	rddreg [dreg:$0x3]  }
0x2f3: {  	s0 =	sadd.s32 @!p0 $0x100000, s0  }
0x2f4: {  	[sflag:s0] =	ssyncadd.tile.s32 @!p0 $0x1;
	_ =	shalt  }
.Lfunc_end2:
_tile_overlayer_lowered:
.L_overlay_start_2:
0x2f5: {  	(tag) =	ssettag $0x2  }
0x2f6: {  	s0 =	rddreg [dreg:$0x0];
	s2 =	stileid.u32  }
0x2f7: {  	s1 =	rddreg [dreg:$0x1];
	p0 =	sne.s32 s2, $0x0  }
0x2f8: {  	s3 =	rddreg [dreg:$0x2];
	[bflag:$0x3] =	sbarrier.arrive $0xFFFF;
	s2 =	simm.s32 @!p0 $0x1C09  }
0x2f9: {  	[timem:s3], [sflag:s2] =	dma.local @!p0 [hbm:s0], s1  }
0x2fa: {  	s0 =	simm.s32 @!p0 $0x9  }
0x2fb: {  	_ =	swait.ge @!p0 [sflag:s0], s1  }
0x2fc: {  	s1 =	ssub.s32 @!p0 $0x0, s1;
	[sflag:s0] =	ssyncset.done @!p0 $0x0  }
0x2fd: {  	[sflag:s0] =	ssyncadd.s32 @!p0 s1  }
0x2fe: {  	[bflag:$0x3] =	sbarrier.arrive $0xFFFF  }
0x2ff: {  	_ =	shalt  }

</sc_bundles>
